<compile_context>
chip_gen: v7x
topology: tpu7x:2x2x1
jax: 0.10.2.dev20260603
libtpu: 0.0.44.dev20260713+nightly
codegen_flags: <defaults>
</compile_context>

<pallas_src>
import functools

import jax
import jax.numpy as jnp
from jax import lax
from jax.experimental import pallas as pl
from jax.experimental.pallas import tpu as pltpu
from jax.experimental.pallas import tpu_sc as plsc

N = 10000
D = 128
DH = 64
E = 320000

NC = 2
NS = 16
NPAD = 10240
ROWS_PER_TILE = NPAD // NS

BLK = 512
ABLK = 256
EPT = 20480
EPAD = NS * EPT
ER = EPAD // BLK
ERA = EPAD // ABLK
STEPS = EPT // ABLK

DEG_STEPS = ER // (NC * NS)

@functools.cache
def _mesh():
    return plsc.VectorSubcoreMesh(core_axis_name="c", subcore_axis_name="s",
                                  num_cores=NC, num_subcores=NS)



def _deg_kernel_body(dst_hbm, degp_hbm, ones_v, zbuf_v, idx_v, acc_sh):
    cid = lax.axis_index("c")
    sid = lax.axis_index("s")
    wid = sid * NC + cid

    def fill_ones(r, _):
        ones_v[r] = jnp.ones((16,), jnp.float32)
        return 0
    lax.fori_loop(0, BLK, fill_ones, 0, unroll=8)

    def fill_zero(r, _):
        zbuf_v[r] = jnp.zeros((16,), jnp.float32)
        return 0
    lax.fori_loop(0, ROWS_PER_TILE, fill_zero, 0, unroll=8)

    pltpu.sync_copy(zbuf_v, acc_sh.at[pl.ds(sid * ROWS_PER_TILE, ROWS_PER_TILE)])
    plsc.subcore_barrier()

    base = wid * DEG_STEPS
    pltpu.sync_copy(dst_hbm.at[pl.ds(base, DEG_STEPS)], idx_v)

    def step(g, _):
        pltpu.sync_copy(ones_v, acc_sh.at[idx_v.at[g]], add=True)
        return 0
    lax.fori_loop(0, DEG_STEPS, step, 0)

    plsc.subcore_barrier()
    pltpu.sync_copy(acc_sh.at[pl.ds(sid * ROWS_PER_TILE, ROWS_PER_TILE)],
                    degp_hbm.at[cid, pl.ds(sid * ROWS_PER_TILE, ROWS_PER_TILE)])


@functools.cache
def _deg_kernel():
    return pl.kernel(
        _deg_kernel_body,
        out_type=jax.ShapeDtypeStruct((NC, NPAD, 16), jnp.float32),
        mesh=_mesh(),
        compiler_params=pltpu.CompilerParams(use_tc_tiling_on_sc=False),
        scratch_types=[
            pltpu.VMEM((BLK, 16), jnp.float32),
            pltpu.VMEM((ROWS_PER_TILE, 16), jnp.float32),
            pltpu.VMEM((DEG_STEPS, BLK), jnp.int32),
            pltpu.VMEM_SHARED((NPAD, 16), jnp.float32),
        ],
    )



@functools.cache
def _agg_kernel():
    return pl.kernel(
        _agg_kernel_body,
        out_type=jax.ShapeDtypeStruct((NPAD, D), jnp.float32),
        mesh=_mesh(),
        compiler_params=pltpu.CompilerParams(use_tc_tiling_on_sc=False),
        scratch_types=[
            [pltpu.VMEM((ABLK,), jnp.int32)] * 2,
            [pltpu.VMEM((ABLK,), jnp.int32)] * 2,
            [pltpu.VMEM((ABLK, DH), jnp.float32)] * 2,
            [pltpu.SemaphoreType.DMA] * 2,
            [pltpu.SemaphoreType.DMA] * 2,
            pltpu.VMEM_SHARED((NPAD, DH), jnp.float32),
            pltpu.VMEM_SHARED((NPAD, DH), jnp.float32),
        ],
    )


def _agg_kernel_body(u_hbm, src_hbm, dst_hbm, s_out_hbm,
                     sidx, didx, rows, gsem, ssem, z_sh, acc_sh):
    cid = lax.axis_index("c")
    sid = lax.axis_index("s")

    rslice = pl.ds(sid * ROWS_PER_TILE, ROWS_PER_TILE)

    @pl.when(cid == 0)
    def _():
        zsrc = u_hbm.at[rslice, pl.ds(0, DH)]
        pltpu.sync_copy(zsrc, z_sh.at[rslice])
        pltpu.sync_copy(zsrc, acc_sh.at[rslice])

    @pl.when(cid == 1)
    def _():
        zsrc = u_hbm.at[rslice, pl.ds(DH, DH)]
        pltpu.sync_copy(zsrc, z_sh.at[rslice])
        pltpu.sync_copy(zsrc, acc_sh.at[rslice])

    base = sid * STEPS
    plsc.subcore_barrier()

    def fire_gathers(g, b):
        pltpu.sync_copy(src_hbm.at[base + g], sidx[b])
        pltpu.sync_copy(dst_hbm.at[base + g], didx[b])
        pltpu.async_copy(z_sh.at[sidx[b]], rows[b], gsem[b])

    def drain_gathers(g, b):
        pltpu.make_async_copy(z_sh.at[sidx[b]], rows[b], gsem[b]).wait()

    def fire_scatters(g, b):
        pltpu.async_copy(rows[b], acc_sh.at[didx[b]], ssem[b], add=True)

    def drain_scatters(g, b):
        pltpu.make_async_copy(rows[b], acc_sh.at[didx[b]],
                              ssem[b]).wait()

    fire_gathers(0, 0)

    def body(gg, _):
        g0 = 2 * gg

        @pl.when(gg > 0)
        def _():
            drain_scatters(g0 - 1, 1)
        drain_gathers(g0, 0)
        fire_gathers(g0 + 1, 1)
        fire_scatters(g0, 0)

        drain_gathers(g0 + 1, 1)
        drain_scatters(g0, 0)

        @pl.when(gg < STEPS // 2 - 1)
        def _():
            fire_gathers(g0 + 2, 0)
        fire_scatters(g0 + 1, 1)
        return 0
    lax.fori_loop(0, STEPS // 2, body, 0)
    drain_scatters(STEPS - 1, 1)

    plsc.subcore_barrier()

    @pl.when(cid == 0)
    def _():
        pltpu.sync_copy(acc_sh.at[rslice], s_out_hbm.at[rslice, pl.ds(0, DH)])

    @pl.when(cid == 1)
    def _():
        pltpu.sync_copy(acc_sh.at[rslice], s_out_hbm.at[rslice, pl.ds(DH, DH)])



def _dis_from_degp(degp_ref):
    deg = 1.0 + degp_ref[0, :, 0] + degp_ref[1, :, 0]
    return lax.rsqrt(deg)


def _tc_pre_body(xp_ref, degp_ref, u_ref):
    dis = _dis_from_degp(degp_ref)
    u_ref[...] = xp_ref[...] * dis[:, None]


_tc_pre = pl.pallas_call(
    _tc_pre_body,
    out_shape=jax.ShapeDtypeStruct((NPAD, D), jnp.float32),
)


def _tc_mid_body(s_ref, degp_ref, w_ref, b_ref, u_next_ref):
    dis = _dis_from_degp(degp_ref)
    t = jnp.dot(s_ref[...], w_ref[...], preferred_element_type=jnp.float32)
    h = jnp.maximum(t * dis[:, None] + b_ref[...][None, :], 0.0)
    u_next_ref[...] = h * dis[:, None]


_tc_mid = pl.pallas_call(
    _tc_mid_body,
    out_shape=jax.ShapeDtypeStruct((NPAD, D), jnp.float32),
)


def _tc_final_body(s_ref, degp_ref, w_ref, b_ref, out_ref):
    dis = _dis_from_degp(degp_ref)
    t = jnp.dot(s_ref[...], w_ref[...], preferred_element_type=jnp.float32)
    out_ref[...] = t * dis[:, None] + b_ref[...][None, :]


_tc_final = pl.pallas_call(
    _tc_final_body,
    out_shape=jax.ShapeDtypeStruct((NPAD, D), jnp.float32),
)



@jax.jit
def kernel(x, edge_index, W1, b1, W2, b2, W3, b3):
    src = edge_index[0]
    dst = edge_index[1]

    pad = EPAD - E
    src_p = jnp.concatenate([src, jnp.zeros((pad,), jnp.int32)])
    dst_p = jnp.concatenate([dst, jnp.full((pad,), NPAD - 1, jnp.int32)])
    src_ra = src_p.reshape(ERA, ABLK)
    dst_ra = dst_p.reshape(ERA, ABLK)
    dst_rd = dst_p.reshape(ER, BLK)

    xp = jnp.zeros((NPAD, D), x.dtype).at[:N].set(x)

    degp = _deg_kernel()(dst_rd)
    u1 = _tc_pre(xp, degp)
    s1 = _agg_kernel()(u1, src_ra, dst_ra)
    u2 = _tc_mid(s1, degp, W1, b1)
    s2 = _agg_kernel()(u2, src_ra, dst_ra)
    u3 = _tc_mid(s2, degp, W2, b2)
    s3 = _agg_kernel()(u3, src_ra, dst_ra)
    out = _tc_final(s3, degp, W3, b3)
    return out[:N]

# --- scband reference (transcript-rebuilt; emitter-appended) ---
"""Pipeline reference for scband-gcn-layer-16509854285891 (READ-ONLY COPY).

The authoritative reference and input builder live on the scoring server;
editing this copy changes nothing except your own understanding.
"""

import jax, jax.numpy as jnp
import numpy as np

N = 10000
E = 320000
D = 128
D_OUT = 128


def setup_inputs(seed: int = 0) -> dict:
    key = jax.random.key(seed)
    ks = jax.random.split(key, 8)
    x = jax.random.normal(ks[0], (N, D), dtype=jnp.float32)
    edge_index = jax.random.randint(ks[1], (2, E), 0, N, dtype=jnp.int32)
    W1 = jax.random.normal(ks[2], (D, D), dtype=jnp.float32) * 0.05
    b1 = jnp.zeros((D,), dtype=jnp.float32)
    W2 = jax.random.normal(ks[3], (D, D), dtype=jnp.float32) * 0.05
    b2 = jnp.zeros((D,), dtype=jnp.float32)
    W3 = jax.random.normal(ks[4], (D, D_OUT), dtype=jnp.float32) * 0.05
    b3 = jnp.zeros((D_OUT,), dtype=jnp.float32)
    return {"x": x, "edge_index": edge_index, "W1": W1, "b1": b1, "W2": W2, "b2": b2, "W3": W3, "b3": b3}


def _gcn_conv(x, edge_index, W, b, num_nodes):
    # PyG GCNConv: add self-loops, symmetric normalization, sum aggregation.
    loop = jnp.arange(num_nodes, dtype=edge_index.dtype)
    src = jnp.concatenate([edge_index[0], loop])
    dst = jnp.concatenate([edge_index[1], loop])
    deg = jnp.zeros((num_nodes,), dtype=x.dtype).at[dst].add(1.0)
    deg_inv_sqrt = jnp.where(deg > 0, jax.lax.rsqrt(jnp.maximum(deg, 1e-12)), 0.0)
    norm = deg_inv_sqrt[src] * deg_inv_sqrt[dst]
    xw = x @ W
    msg = jnp.take(xw, src, axis=0) * norm[:, None]
    out = jnp.zeros((num_nodes, W.shape[1]), dtype=x.dtype).at[dst].add(msg)
    return out + b


def reference(x, edge_index, W1, b1, W2, b2, W3, b3):
    # dropout is identity in eval mode
    h = _gcn_conv(x, edge_index, W1, b1, N)
    h = jax.nn.relu(h)
    h = _gcn_conv(h, edge_index, W2, b2, N)
    h = jax.nn.relu(h)
    out = _gcn_conv(h, edge_index, W3, b3, N)
    return out

if __name__ == "__main__":
    import jax
    _d = setup_inputs()
    print(jax.jit(kernel)(*tuple(_d.values())))

</pallas_src>

<mosaic_0001>
#map = affine_map<(d0, d1) -> (0, 0)>
#map1 = affine_map<(d0, d1) -> (0, 0, 0)>
module attributes {stable_mosaic.version = 14 : i64} {
  func.func @_deg_kernel_body(%arg0: i32, %arg1: i32, %arg2: memref<640x512xi32, #tpu.memory_space<hbm>>, %arg3: memref<2x10240x16xf32, #tpu.memory_space<hbm>>, %arg4: memref<512x16xf32, #tpu.memory_space<vmem>>, %arg5: memref<640x16xf32, #tpu.memory_space<vmem>>, %arg6: memref<20x512xi32, #tpu.memory_space<vmem>>, %arg7: memref<10240x16xf32, #tpu.memory_space<vmem_shared>>) attributes {dimension_semantics = [#tpu.dimension_semantics<core_parallel>, #tpu.dimension_semantics<subcore_parallel>], iteration_bounds = array<i64: 2, 16>, scalar_prefetch = 0 : i64, scratch_operands = 4 : i64, tpu.core_type = #tpu.core_type<sc_vector_subcore>, window_params = [{transform_indices = #map}, {transform_indices = #map1}]} {
    %mul3A = arith.constant 2 : i32
    %mul3A_0 = arith.muli %arg1, %mul3A : i32
    %add3A = arith.addi %mul3A_0, %arg0 : i32
    %scan3A = arith.constant 0 : i32
    %scan3A_1 = arith.constant 0 : i32
    %scan3A_2 = arith.constant 512 : i32
    %scan3A_3 = arith.addi %scan3A_1, %scan3A_2 : i32
    %scan3A_4 = arith.constant 8 : i32
    %scan3A_5 = scf.for %scan3A_30 = %scan3A_1 to %scan3A_3 step %scan3A_4 iter_args(%scan3A_31 = %scan3A) -> (i32)  : i32 {
      %broadcast_in_dim3A = arith.constant 1.000000e+00 : f32
      %broadcast_in_dim3A_32 = vector.broadcast %broadcast_in_dim3A : f32 to vector<16xf32>
      %swap3A = arith.index_cast %scan3A_30 : i32 to index
      %swap3A_33 = arith.constant 0 : index
      %swap3A_34 = tpu.vector_load %arg4[%swap3A, %swap3A_33] {strides = array<i32>} : memref<512x16xf32, #tpu.memory_space<vmem>>, vector<1x16xf32>,
      %swap3A_35 = vector.shape_cast %swap3A_34 : vector<1x16xf32> to vector<16xf32>
      %swap3A_36 = vector.shape_cast %broadcast_in_dim3A_32 : vector<16xf32> to vector<1x16xf32>
      tpu.vector_store %arg4[%swap3A, %swap3A_33], %swap3A_36 {strides = array<i32>} : memref<512x16xf32, #tpu.memory_space<vmem>>, vector<1x16xf32>,
      %scan3A_37 = arith.constant 0 : i32
      %scan3A_38 = arith.constant 1 : i32
      %scan3A_39 = arith.addi %scan3A_30, %scan3A_38 : i32
      %broadcast_in_dim3A_40 = arith.constant 1.000000e+00 : f32
      %broadcast_in_dim3A_41 = vector.broadcast %broadcast_in_dim3A_40 : f32 to vector<16xf32>
      %swap3A_42 = arith.index_cast %scan3A_39 : i32 to index
      %swap3A_43 = arith.constant 0 : index
      %swap3A_44 = tpu.vector_load %arg4[%swap3A_42, %swap3A_43] {strides = array<i32>} : memref<512x16xf32, #tpu.memory_space<vmem>>, vector<1x16xf32>,
      %swap3A_45 = vector.shape_cast %swap3A_44 : vector<1x16xf32> to vector<16xf32>
      %swap3A_46 = vector.shape_cast %broadcast_in_dim3A_41 : vector<16xf32> to vector<1x16xf32>
      tpu.vector_store %arg4[%swap3A_42, %swap3A_43], %swap3A_46 {strides = array<i32>} : memref<512x16xf32, #tpu.memory_space<vmem>>, vector<1x16xf32>,
      %scan3A_47 = arith.constant 0 : i32
      %scan3A_48 = arith.constant 2 : i32
      %scan3A_49 = arith.addi %scan3A_30, %scan3A_48 : i32
      %broadcast_in_dim3A_50 = arith.constant 1.000000e+00 : f32
      %broadcast_in_dim3A_51 = vector.broadcast %broadcast_in_dim3A_50 : f32 to vector<16xf32>
      %swap3A_52 = arith.index_cast %scan3A_49 : i32 to index
      %swap3A_53 = arith.constant 0 : index
      %swap3A_54 = tpu.vector_load %arg4[%swap3A_52, %swap3A_53] {strides = array<i32>} : memref<512x16xf32, #tpu.memory_space<vmem>>, vector<1x16xf32>,
      %swap3A_55 = vector.shape_cast %swap3A_54 : vector<1x16xf32> to vector<16xf32>
      %swap3A_56 = vector.shape_cast %broadcast_in_dim3A_51 : vector<16xf32> to vector<1x16xf32>
      tpu.vector_store %arg4[%swap3A_52, %swap3A_53], %swap3A_56 {strides = array<i32>} : memref<512x16xf32, #tpu.memory_space<vmem>>, vector<1x16xf32>,
      %scan3A_57 = arith.constant 0 : i32
      %scan3A_58 = arith.constant 3 : i32
      %scan3A_59 = arith.addi %scan3A_30, %scan3A_58 : i32
      %broadcast_in_dim3A_60 = arith.constant 1.000000e+00 : f32
      %broadcast_in_dim3A_61 = vector.broadcast %broadcast_in_dim3A_60 : f32 to vector<16xf32>
      %swap3A_62 = arith.index_cast %scan3A_59 : i32 to index
      %swap3A_63 = arith.constant 0 : index
      %swap3A_64 = tpu.vector_load %arg4[%swap3A_62, %swap3A_63] {strides = array<i32>} : memref<512x16xf32, #tpu.memory_space<vmem>>, vector<1x16xf32>,
      %swap3A_65 = vector.shape_cast %swap3A_64 : vector<1x16xf32> to vector<16xf32>
      %swap3A_66 = vector.shape_cast %broadcast_in_dim3A_61 : vector<16xf32> to vector<1x16xf32>
      tpu.vector_store %arg4[%swap3A_62, %swap3A_63], %swap3A_66 {strides = array<i32>} : memref<512x16xf32, #tpu.memory_space<vmem>>, vector<1x16xf32>,
      %scan3A_67 = arith.constant 0 : i32
      %scan3A_68 = arith.constant 4 : i32
      %scan3A_69 = arith.addi %scan3A_30, %scan3A_68 : i32
      %broadcast_in_dim3A_70 = arith.constant 1.000000e+00 : f32
      %broadcast_in_dim3A_71 = vector.broadcast %broadcast_in_dim3A_70 : f32 to vector<16xf32>
      %swap3A_72 = arith.index_cast %scan3A_69 : i32 to index
      %swap3A_73 = arith.constant 0 : index
      %swap3A_74 = tpu.vector_load %arg4[%swap3A_72, %swap3A_73] {strides = array<i32>} : memref<512x16xf32, #tpu.memory_space<vmem>>, vector<1x16xf32>,
      %swap3A_75 = vector.shape_cast %swap3A_74 : vector<1x16xf32> to vector<16xf32>
      %swap3A_76 = vector.shape_cast %broadcast_in_dim3A_71 : vector<16xf32> to vector<1x16xf32>
      tpu.vector_store %arg4[%swap3A_72, %swap3A_73], %swap3A_76 {strides = array<i32>} : memref<512x16xf32, #tpu.memory_space<vmem>>, vector<1x16xf32>,
      %scan3A_77 = arith.constant 0 : i32
      %scan3A_78 = arith.constant 5 : i32
      %scan3A_79 = arith.addi %scan3A_30, %scan3A_78 : i32
      %broadcast_in_dim3A_80 = arith.constant 1.000000e+00 : f32
      %broadcast_in_dim3A_81 = vector.broadcast %broadcast_in_dim3A_80 : f32 to vector<16xf32>
      %swap3A_82 = arith.index_cast %scan3A_79 : i32 to index
      %swap3A_83 = arith.constant 0 : index
      %swap3A_84 = tpu.vector_load %arg4[%swap3A_82, %swap3A_83] {strides = array<i32>} : memref<512x16xf32, #tpu.memory_space<vmem>>, vector<1x16xf32>,
      %swap3A_85 = vector.shape_cast %swap3A_84 : vector<1x16xf32> to vector<16xf32>
      %swap3A_86 = vector.shape_cast %broadcast_in_dim3A_81 : vector<16xf32> to vector<1x16xf32>
      tpu.vector_store %arg4[%swap3A_82, %swap3A_83], %swap3A_86 {strides = array<i32>} : memref<512x16xf32, #tpu.memory_space<vmem>>, vector<1x16xf32>,
      %scan3A_87 = arith.constant 0 : i32
      %scan3A_88 = arith.constant 6 : i32
      %scan3A_89 = arith.addi %scan3A_30, %scan3A_88 : i32
      %broadcast_in_dim3A_90 = arith.constant 1.000000e+00 : f32
      %broadcast_in_dim3A_91 = vector.broadcast %broadcast_in_dim3A_90 : f32 to vector<16xf32>
      %swap3A_92 = arith.index_cast %scan3A_89 : i32 to index
      %swap3A_93 = arith.constant 0 : index
      %swap3A_94 = tpu.vector_load %arg4[%swap3A_92, %swap3A_93] {strides = array<i32>} : memref<512x16xf32, #tpu.memory_space<vmem>>, vector<1x16xf32>,
      %swap3A_95 = vector.shape_cast %swap3A_94 : vector<1x16xf32> to vector<16xf32>
      %swap3A_96 = vector.shape_cast %broadcast_in_dim3A_91 : vector<16xf32> to vector<1x16xf32>
      tpu.vector_store %arg4[%swap3A_92, %swap3A_93], %swap3A_96 {strides = array<i32>} : memref<512x16xf32, #tpu.memory_space<vmem>>, vector<1x16xf32>,
      %scan3A_97 = arith.constant 0 : i32
      %scan3A_98 = arith.constant 7 : i32
      %scan3A_99 = arith.addi %scan3A_30, %scan3A_98 : i32
      %broadcast_in_dim3A_100 = arith.constant 1.000000e+00 : f32
      %broadcast_in_dim3A_101 = vector.broadcast %broadcast_in_dim3A_100 : f32 to vector<16xf32>
      %swap3A_102 = arith.index_cast %scan3A_99 : i32 to index
      %swap3A_103 = arith.constant 0 : index
      %swap3A_104 = tpu.vector_load %arg4[%swap3A_102, %swap3A_103] {strides = array<i32>} : memref<512x16xf32, #tpu.memory_space<vmem>>, vector<1x16xf32>,
      %swap3A_105 = vector.shape_cast %swap3A_104 : vector<1x16xf32> to vector<16xf32>
      %swap3A_106 = vector.shape_cast %broadcast_in_dim3A_101 : vector<16xf32> to vector<1x16xf32>
      tpu.vector_store %arg4[%swap3A_102, %swap3A_103], %swap3A_106 {strides = array<i32>} : memref<512x16xf32, #tpu.memory_space<vmem>>, vector<1x16xf32>,
      %scan3A_107 = arith.constant 0 : i32
      scf.yield %scan3A_107 : i32
    }
    %scan3A_6 = arith.constant 512 : i32
    %scan3A_7 = arith.constant 0 : i32
    %scan3A_8 = arith.constant 0 : i32
    %scan3A_9 = arith.constant 640 : i32
    %scan3A_10 = arith.addi %scan3A_8, %scan3A_9 : i32
    %scan3A_11 = arith.constant 8 : i32
    %scan3A_12 = scf.for %scan3A_30 = %scan3A_8 to %scan3A_10 step %scan3A_11 iter_args(%scan3A_31 = %scan3A_7) -> (i32)  : i32 {
      %broadcast_in_dim3A = arith.constant 0.000000e+00 : f32
      %broadcast_in_dim3A_32 = vector.broadcast %broadcast_in_dim3A : f32 to vector<16xf32>
      %swap3A = arith.index_cast %scan3A_30 : i32 to index
      %swap3A_33 = arith.constant 0 : index
      %swap3A_34 = tpu.vector_load %arg5[%swap3A, %swap3A_33] {strides = array<i32>} : memref<640x16xf32, #tpu.memory_space<vmem>>, vector<1x16xf32>,
      %swap3A_35 = vector.shape_cast %swap3A_34 : vector<1x16xf32> to vector<16xf32>
      %swap3A_36 = vector.shape_cast %broadcast_in_dim3A_32 : vector<16xf32> to vector<1x16xf32>
      tpu.vector_store %arg5[%swap3A, %swap3A_33], %swap3A_36 {strides = array<i32>} : memref<640x16xf32, #tpu.memory_space<vmem>>, vector<1x16xf32>,
      %scan3A_37 = arith.constant 0 : i32
      %scan3A_38 = arith.constant 1 : i32
      %scan3A_39 = arith.addi %scan3A_30, %scan3A_38 : i32
      %broadcast_in_dim3A_40 = arith.constant 0.000000e+00 : f32
      %broadcast_in_dim3A_41 = vector.broadcast %broadcast_in_dim3A_40 : f32 to vector<16xf32>
      %swap3A_42 = arith.index_cast %scan3A_39 : i32 to index
      %swap3A_43 = arith.constant 0 : index
      %swap3A_44 = tpu.vector_load %arg5[%swap3A_42, %swap3A_43] {strides = array<i32>} : memref<640x16xf32, #tpu.memory_space<vmem>>, vector<1x16xf32>,
      %swap3A_45 = vector.shape_cast %swap3A_44 : vector<1x16xf32> to vector<16xf32>
      %swap3A_46 = vector.shape_cast %broadcast_in_dim3A_41 : vector<16xf32> to vector<1x16xf32>
      tpu.vector_store %arg5[%swap3A_42, %swap3A_43], %swap3A_46 {strides = array<i32>} : memref<640x16xf32, #tpu.memory_space<vmem>>, vector<1x16xf32>,
      %scan3A_47 = arith.constant 0 : i32
      %scan3A_48 = arith.constant 2 : i32
      %scan3A_49 = arith.addi %scan3A_30, %scan3A_48 : i32
      %broadcast_in_dim3A_50 = arith.constant 0.000000e+00 : f32
      %broadcast_in_dim3A_51 = vector.broadcast %broadcast_in_dim3A_50 : f32 to vector<16xf32>
      %swap3A_52 = arith.index_cast %scan3A_49 : i32 to index
      %swap3A_53 = arith.constant 0 : index
      %swap3A_54 = tpu.vector_load %arg5[%swap3A_52, %swap3A_53] {strides = array<i32>} : memref<640x16xf32, #tpu.memory_space<vmem>>, vector<1x16xf32>,
      %swap3A_55 = vector.shape_cast %swap3A_54 : vector<1x16xf32> to vector<16xf32>
      %swap3A_56 = vector.shape_cast %broadcast_in_dim3A_51 : vector<16xf32> to vector<1x16xf32>
      tpu.vector_store %arg5[%swap3A_52, %swap3A_53], %swap3A_56 {strides = array<i32>} : memref<640x16xf32, #tpu.memory_space<vmem>>, vector<1x16xf32>,
      %scan3A_57 = arith.constant 0 : i32
      %scan3A_58 = arith.constant 3 : i32
      %scan3A_59 = arith.addi %scan3A_30, %scan3A_58 : i32
      %broadcast_in_dim3A_60 = arith.constant 0.000000e+00 : f32
      %broadcast_in_dim3A_61 = vector.broadcast %broadcast_in_dim3A_60 : f32 to vector<16xf32>
      %swap3A_62 = arith.index_cast %scan3A_59 : i32 to index
      %swap3A_63 = arith.constant 0 : index
      %swap3A_64 = tpu.vector_load %arg5[%swap3A_62, %swap3A_63] {strides = array<i32>} : memref<640x16xf32, #tpu.memory_space<vmem>>, vector<1x16xf32>,
      %swap3A_65 = vector.shape_cast %swap3A_64 : vector<1x16xf32> to vector<16xf32>
      %swap3A_66 = vector.shape_cast %broadcast_in_dim3A_61 : vector<16xf32> to vector<1x16xf32>
      tpu.vector_store %arg5[%swap3A_62, %swap3A_63], %swap3A_66 {strides = array<i32>} : memref<640x16xf32, #tpu.memory_space<vmem>>, vector<1x16xf32>,
      %scan3A_67 = arith.constant 0 : i32
      %scan3A_68 = arith.constant 4 : i32
      %scan3A_69 = arith.addi %scan3A_30, %scan3A_68 : i32
      %broadcast_in_dim3A_70 = arith.constant 0.000000e+00 : f32
      %broadcast_in_dim3A_71 = vector.broadcast %broadcast_in_dim3A_70 : f32 to vector<16xf32>
      %swap3A_72 = arith.index_cast %scan3A_69 : i32 to index
      %swap3A_73 = arith.constant 0 : index
      %swap3A_74 = tpu.vector_load %arg5[%swap3A_72, %swap3A_73] {strides = array<i32>} : memref<640x16xf32, #tpu.memory_space<vmem>>, vector<1x16xf32>,
      %swap3A_75 = vector.shape_cast %swap3A_74 : vector<1x16xf32> to vector<16xf32>
      %swap3A_76 = vector.shape_cast %broadcast_in_dim3A_71 : vector<16xf32> to vector<1x16xf32>
      tpu.vector_store %arg5[%swap3A_72, %swap3A_73], %swap3A_76 {strides = array<i32>} : memref<640x16xf32, #tpu.memory_space<vmem>>, vector<1x16xf32>,
      %scan3A_77 = arith.constant 0 : i32
      %scan3A_78 = arith.constant 5 : i32
      %scan3A_79 = arith.addi %scan3A_30, %scan3A_78 : i32
      %broadcast_in_dim3A_80 = arith.constant 0.000000e+00 : f32
      %broadcast_in_dim3A_81 = vector.broadcast %broadcast_in_dim3A_80 : f32 to vector<16xf32>
      %swap3A_82 = arith.index_cast %scan3A_79 : i32 to index
      %swap3A_83 = arith.constant 0 : index
      %swap3A_84 = tpu.vector_load %arg5[%swap3A_82, %swap3A_83] {strides = array<i32>} : memref<640x16xf32, #tpu.memory_space<vmem>>, vector<1x16xf32>,
      %swap3A_85 = vector.shape_cast %swap3A_84 : vector<1x16xf32> to vector<16xf32>
      %swap3A_86 = vector.shape_cast %broadcast_in_dim3A_81 : vector<16xf32> to vector<1x16xf32>
      tpu.vector_store %arg5[%swap3A_82, %swap3A_83], %swap3A_86 {strides = array<i32>} : memref<640x16xf32, #tpu.memory_space<vmem>>, vector<1x16xf32>,
      %scan3A_87 = arith.constant 0 : i32
      %scan3A_88 = arith.constant 6 : i32
      %scan3A_89 = arith.addi %scan3A_30, %scan3A_88 : i32
      %broadcast_in_dim3A_90 = arith.constant 0.000000e+00 : f32
      %broadcast_in_dim3A_91 = vector.broadcast %broadcast_in_dim3A_90 : f32 to vector<16xf32>
      %swap3A_92 = arith.index_cast %scan3A_89 : i32 to index
      %swap3A_93 = arith.constant 0 : index
      %swap3A_94 = tpu.vector_load %arg5[%swap3A_92, %swap3A_93] {strides = array<i32>} : memref<640x16xf32, #tpu.memory_space<vmem>>, vector<1x16xf32>,
      %swap3A_95 = vector.shape_cast %swap3A_94 : vector<1x16xf32> to vector<16xf32>
      %swap3A_96 = vector.shape_cast %broadcast_in_dim3A_91 : vector<16xf32> to vector<1x16xf32>
      tpu.vector_store %arg5[%swap3A_92, %swap3A_93], %swap3A_96 {strides = array<i32>} : memref<640x16xf32, #tpu.memory_space<vmem>>, vector<1x16xf32>,
      %scan3A_97 = arith.constant 0 : i32
      %scan3A_98 = arith.constant 7 : i32
      %scan3A_99 = arith.addi %scan3A_30, %scan3A_98 : i32
      %broadcast_in_dim3A_100 = arith.constant 0.000000e+00 : f32
      %broadcast_in_dim3A_101 = vector.broadcast %broadcast_in_dim3A_100 : f32 to vector<16xf32>
      %swap3A_102 = arith.index_cast %scan3A_99 : i32 to index
      %swap3A_103 = arith.constant 0 : index
      %swap3A_104 = tpu.vector_load %arg5[%swap3A_102, %swap3A_103] {strides = array<i32>} : memref<640x16xf32, #tpu.memory_space<vmem>>, vector<1x16xf32>,
      %swap3A_105 = vector.shape_cast %swap3A_104 : vector<1x16xf32> to vector<16xf32>
      %swap3A_106 = vector.shape_cast %broadcast_in_dim3A_101 : vector<16xf32> to vector<1x16xf32>
      tpu.vector_store %arg5[%swap3A_102, %swap3A_103], %swap3A_106 {strides = array<i32>} : memref<640x16xf32, #tpu.memory_space<vmem>>, vector<1x16xf32>,
      %scan3A_107 = arith.constant 0 : i32
      scf.yield %scan3A_107 : i32
    }
    %scan3A_13 = arith.constant 640 : i32
    %mul3A_14 = arith.constant 640 : i32
    %mul3A_15 = arith.muli %arg1, %mul3A_14 : i32
    "tpu.region"() ({
      %run_scoped3A = tpu.sem_alloc : memref<!tpu.dma_semaphore, #tpu.memory_space<semaphore_mem>>
      %dma_start3A = arith.constant 0 : i32
      %dma_start3A_30 = tpu.memref_slice %arg7[%mul3A_15, %dma_start3A] : memref<10240x16xf32, #tpu.memory_space<vmem_shared>> -> memref<640x16xf32, #tpu.memory_space<vmem_shared>>
      %dma_start3A_31 = arith.constant 0 : i32
      %dma_start3A_32 = tpu.memref_slice %arg7[%mul3A_15, %dma_start3A_31] : memref<10240x16xf32, #tpu.memory_space<vmem_shared>> -> memref<640x16xf32, #tpu.memory_space<vmem_shared>>
      tpu.enqueue_dma source(%arg5 : memref<640x16xf32, #tpu.memory_space<vmem>>) target(%dma_start3A_32 : memref<640x16xf32, #tpu.memory_space<vmem_shared>>) target_semaphore(%run_scoped3A : memref<!tpu.dma_semaphore, #tpu.memory_space<semaphore_mem>>)
      %dma_wait3A = arith.constant 0 : i32
      %dma_wait3A_33 = tpu.memref_slice %arg7[%mul3A_15, %dma_wait3A] : memref<10240x16xf32, #tpu.memory_space<vmem_shared>> -> memref<640x16xf32, #tpu.memory_space<vmem_shared>>
      %dma_wait3A_34 = arith.constant 0 : i32
      %dma_wait3A_35 = tpu.memref_slice %arg7[%mul3A_15, %dma_wait3A_34] : memref<10240x16xf32, #tpu.memory_space<vmem_shared>> -> memref<640x16xf32, #tpu.memory_space<vmem_shared>>
      tpu.wait_dma2 semaphore(%run_scoped3A : memref<!tpu.dma_semaphore, #tpu.memory_space<semaphore_mem>>) src(%arg5 : memref<640x16xf32, #tpu.memory_space<vmem>>) dst(%dma_wait3A_35 : memref<640x16xf32, #tpu.memory_space<vmem_shared>>)
      tpu.yield
    }) : () -> ()
    %barrier3A = arith.constant 0 : index
    tpu.barrier barrier_id(%barrier3A)
    %mul3A_16 = arith.constant 20 : i32
    %mul3A_17 = arith.muli %add3A, %mul3A_16 : i32
    "tpu.region"() ({
      %run_scoped3A = tpu.sem_alloc : memref<!tpu.dma_semaphore, #tpu.memory_space<semaphore_mem>>
      %dma_start3A = arith.constant 0 : i32
      %dma_start3A_30 = tpu.memref_slice %arg2[%mul3A_17, %dma_start3A] : memref<640x512xi32, #tpu.memory_space<hbm>> -> memref<20x512xi32, #tpu.memory_space<hbm>>
      %dma_start3A_31 = arith.constant 0 : i32
      %dma_start3A_32 = tpu.memref_slice %arg2[%mul3A_17, %dma_start3A_31] : memref<640x512xi32, #tpu.memory_space<hbm>> -> memref<20x512xi32, #tpu.memory_space<hbm>>
      tpu.enqueue_dma source(%dma_start3A_32 : memref<20x512xi32, #tpu.memory_space<hbm>>) target(%arg6 : memref<20x512xi32, #tpu.memory_space<vmem>>) target_semaphore(%run_scoped3A : memref<!tpu.dma_semaphore, #tpu.memory_space<semaphore_mem>>)
      %dma_wait3A = arith.constant 0 : i32
      %dma_wait3A_33 = tpu.memref_slice %arg2[%mul3A_17, %dma_wait3A] : memref<640x512xi32, #tpu.memory_space<hbm>> -> memref<20x512xi32, #tpu.memory_space<hbm>>
      %dma_wait3A_34 = arith.constant 0 : i32
      %dma_wait3A_35 = tpu.memref_slice %arg2[%mul3A_17, %dma_wait3A_34] : memref<640x512xi32, #tpu.memory_space<hbm>> -> memref<20x512xi32, #tpu.memory_space<hbm>>
      tpu.wait_dma2 semaphore(%run_scoped3A : memref<!tpu.dma_semaphore, #tpu.memory_space<semaphore_mem>>) src(%dma_wait3A_35 : memref<20x512xi32, #tpu.memory_space<hbm>>) dst(%arg6 : memref<20x512xi32, #tpu.memory_space<vmem>>)
      tpu.yield
    }) : () -> ()
    %scan3A_18 = arith.constant 0 : i32
    %scan3A_19 = arith.constant 0 : i32
    %scan3A_20 = arith.constant 20 : i32
    %scan3A_21 = arith.addi %scan3A_19, %scan3A_20 : i32
    %scan3A_22 = arith.constant 1 : i32
    %scan3A_23 = scf.for %scan3A_30 = %scan3A_19 to %scan3A_21 step %scan3A_22 iter_args(%scan3A_31 = %scan3A_18) -> (i32)  : i32 {
      "tpu.region"() ({
        %run_scoped3A = tpu.sem_alloc : memref<!tpu.dma_semaphore, #tpu.memory_space<semaphore_mem>>
        %dma_start3A = arith.constant 0 : i32
        %dma_start3A_33 = tpu.memref_slice %arg6[%scan3A_30, %dma_start3A] : memref<20x512xi32, #tpu.memory_space<vmem>> -> memref<1x512xi32, #tpu.memory_space<vmem>>
        %dma_start3A_34 = tpu.memref_squeeze %dma_start3A_33 : memref<1x512xi32, #tpu.memory_space<vmem>> -> memref<512xi32, #tpu.memory_space<vmem>>
        %dma_start3A_35 = arith.constant 0 : i32
        %dma_start3A_36 = arith.constant 0 : i32
        %dma_start3A_37 = tpu.memref_slice %arg7[%dma_start3A_35, %dma_start3A_36] : memref<10240x16xf32, #tpu.memory_space<vmem_shared>> -> memref<10240x16xf32, #tpu.memory_space<vmem_shared>>
        tpu.enqueue_indirect_dma source(%arg4 : memref<512x16xf32, #tpu.memory_space<vmem>>) target(%dma_start3A_37 : memref<10240x16xf32, #tpu.memory_space<vmem_shared>>) offsets(%dma_start3A_34 : memref<512xi32, #tpu.memory_space<vmem>>) semaphore(%run_scoped3A : memref<!tpu.dma_semaphore, #tpu.memory_space<semaphore_mem>>) {add = true}
        %dma_wait3A = arith.constant 0 : i32
        %dma_wait3A_38 = tpu.memref_slice %arg6[%scan3A_30, %dma_wait3A] : memref<20x512xi32, #tpu.memory_space<vmem>> -> memref<1x512xi32, #tpu.memory_space<vmem>>
        %dma_wait3A_39 = tpu.memref_squeeze %dma_wait3A_38 : memref<1x512xi32, #tpu.memory_space<vmem>> -> memref<512xi32, #tpu.memory_space<vmem>>
        %dma_wait3A_40 = arith.constant 0 : i32
        %dma_wait3A_41 = arith.constant 0 : i32
        %dma_wait3A_42 = tpu.memref_slice %arg7[%dma_wait3A_40, %dma_wait3A_41] : memref<10240x16xf32, #tpu.memory_space<vmem_shared>> -> memref<10240x16xf32, #tpu.memory_space<vmem_shared>>
        tpu.wait_indirect_dma semaphore(%run_scoped3A : memref<!tpu.dma_semaphore, #tpu.memory_space<semaphore_mem>>) src(%arg4 : memref<512x16xf32, #tpu.memory_space<vmem>>) dst(%dma_wait3A_42 : memref<10240x16xf32, #tpu.memory_space<vmem_shared>>)
        tpu.yield
      }) : () -> ()
      %scan3A_32 = arith.constant 0 : i32
      scf.yield %scan3A_32 : i32
    }
    %scan3A_24 = arith.constant 20 : i32
    %barrier3A_25 = arith.constant 0 : index
    tpu.barrier barrier_id(%barrier3A_25)
    %mul3A_26 = arith.constant 640 : i32
    %mul3A_27 = arith.muli %arg1, %mul3A_26 : i32
    %mul3A_28 = arith.constant 640 : i32
    %mul3A_29 = arith.muli %arg1, %mul3A_28 : i32
    "tpu.region"() ({
      %run_scoped3A = tpu.sem_alloc : memref<!tpu.dma_semaphore, #tpu.memory_space<semaphore_mem>>
      %dma_start3A = arith.constant 0 : i32
      %dma_start3A_30 = tpu.memref_slice %arg3[%arg0, %mul3A_29, %dma_start3A] : memref<2x10240x16xf32, #tpu.memory_space<hbm>> -> memref<1x640x16xf32, #tpu.memory_space<hbm>>
      %dma_start3A_31 = tpu.memref_squeeze %dma_start3A_30 : memref<1x640x16xf32, #tpu.memory_space<hbm>> -> memref<640x16xf32, #tpu.memory_space<hbm>>
      %dma_start3A_32 = arith.constant 0 : i32
      %dma_start3A_33 = tpu.memref_slice %arg7[%mul3A_27, %dma_start3A_32] : memref<10240x16xf32, #tpu.memory_space<vmem_shared>> -> memref<640x16xf32, #tpu.memory_space<vmem_shared>>
      tpu.enqueue_dma source(%dma_start3A_33 : memref<640x16xf32, #tpu.memory_space<vmem_shared>>) target(%dma_start3A_31 : memref<640x16xf32, #tpu.memory_space<hbm>>) target_semaphore(%run_scoped3A : memref<!tpu.dma_semaphore, #tpu.memory_space<semaphore_mem>>)
      %dma_wait3A = arith.constant 0 : i32
      %dma_wait3A_34 = tpu.memref_slice %arg3[%arg0, %mul3A_29, %dma_wait3A] : memref<2x10240x16xf32, #tpu.memory_space<hbm>> -> memref<1x640x16xf32, #tpu.memory_space<hbm>>
      %dma_wait3A_35 = tpu.memref_squeeze %dma_wait3A_34 : memref<1x640x16xf32, #tpu.memory_space<hbm>> -> memref<640x16xf32, #tpu.memory_space<hbm>>
      %dma_wait3A_36 = arith.constant 0 : i32
      %dma_wait3A_37 = tpu.memref_slice %arg7[%mul3A_27, %dma_wait3A_36] : memref<10240x16xf32, #tpu.memory_space<vmem_shared>> -> memref<640x16xf32, #tpu.memory_space<vmem_shared>>
      tpu.wait_dma2 semaphore(%run_scoped3A : memref<!tpu.dma_semaphore, #tpu.memory_space<semaphore_mem>>) src(%dma_wait3A_37 : memref<640x16xf32, #tpu.memory_space<vmem_shared>>) dst(%dma_wait3A_35 : memref<640x16xf32, #tpu.memory_space<hbm>>)
      tpu.yield
    }) : () -> ()
    return
  }
}

#map = affine_map<(d0, d1) -> (0, 0)>
module attributes {stable_mosaic.version = 14 : i64} {
  func.func @_agg_kernel_body(%arg0: i32, %arg1: i32, %arg2: memref<10240x128xf32, #tpu.memory_space<hbm>>, %arg3: memref<1280x256xi32, #tpu.memory_space<hbm>>, %arg4: memref<1280x256xi32, #tpu.memory_space<hbm>>, %arg5: memref<10240x128xf32, #tpu.memory_space<hbm>>, %arg6: memref<256xi32, #tpu.memory_space<vmem>>, %arg7: memref<256xi32, #tpu.memory_space<vmem>>, %arg8: memref<256xi32, #tpu.memory_space<vmem>>, %arg9: memref<256xi32, #tpu.memory_space<vmem>>, %arg10: memref<256x64xf32, #tpu.memory_space<vmem>>, %arg11: memref<256x64xf32, #tpu.memory_space<vmem>>, %arg12: memref<!tpu.dma_semaphore, #tpu.memory_space<semaphore_mem>>, %arg13: memref<!tpu.dma_semaphore, #tpu.memory_space<semaphore_mem>>, %arg14: memref<!tpu.dma_semaphore, #tpu.memory_space<semaphore_mem>>, %arg15: memref<!tpu.dma_semaphore, #tpu.memory_space<semaphore_mem>>, %arg16: memref<10240x64xf32, #tpu.memory_space<vmem_shared>>, %arg17: memref<10240x64xf32, #tpu.memory_space<vmem_shared>>) attributes {dimension_semantics = [#tpu.dimension_semantics<core_parallel>, #tpu.dimension_semantics<subcore_parallel>], iteration_bounds = array<i64: 2, 16>, scalar_prefetch = 0 : i64, scratch_operands = 12 : i64, tpu.core_type = #tpu.core_type<sc_vector_subcore>, window_params = [{transform_indices = #map}, {transform_indices = #map}, {transform_indices = #map}, {transform_indices = #map}]} {
    %mul3A = arith.constant 640 : i32
    %mul3A_0 = arith.muli %arg1, %mul3A : i32
    %eq3A = arith.constant 0 : i32
    %eq3A_1 = arith.cmpi eq, %arg0, %eq3A : i32
    %convert_element_type3A = arith.extui %eq3A_1 : i1 to i32
    %cond3A = arith.constant 0 : i32
    %cond3A_2 = arith.cmpi ne, %convert_element_type3A, %cond3A : i32
    scf.if %cond3A_2 {
      "tpu.region"() ({
        %run_scoped3A = tpu.sem_alloc : memref<!tpu.dma_semaphore, #tpu.memory_space<semaphore_mem>>
        %dma_start3A_34 = arith.constant 0 : i32
        %dma_start3A_35 = tpu.memref_slice %arg16[%mul3A_0, %dma_start3A_34] : memref<10240x64xf32, #tpu.memory_space<vmem_shared>> -> memref<640x64xf32, #tpu.memory_space<vmem_shared>>
        %dma_start3A_36 = arith.constant 0 : i32
        %dma_start3A_37 = tpu.memref_slice %arg2[%mul3A_0, %dma_start3A_36] : memref<10240x128xf32, #tpu.memory_space<hbm>> -> memref<640x64xf32, #tpu.memory_space<hbm>>
        tpu.enqueue_dma source(%dma_start3A_37 : memref<640x64xf32, #tpu.memory_space<hbm>>) target(%dma_start3A_35 : memref<640x64xf32, #tpu.memory_space<vmem_shared>>) target_semaphore(%run_scoped3A : memref<!tpu.dma_semaphore, #tpu.memory_space<semaphore_mem>>)
        %dma_wait3A_38 = arith.constant 0 : i32
        %dma_wait3A_39 = tpu.memref_slice %arg16[%mul3A_0, %dma_wait3A_38] : memref<10240x64xf32, #tpu.memory_space<vmem_shared>> -> memref<640x64xf32, #tpu.memory_space<vmem_shared>>
        %dma_wait3A_40 = arith.constant 0 : i32
        %dma_wait3A_41 = tpu.memref_slice %arg2[%mul3A_0, %dma_wait3A_40] : memref<10240x128xf32, #tpu.memory_space<hbm>> -> memref<640x64xf32, #tpu.memory_space<hbm>>
        tpu.wait_dma2 semaphore(%run_scoped3A : memref<!tpu.dma_semaphore, #tpu.memory_space<semaphore_mem>>) src(%dma_wait3A_41 : memref<640x64xf32, #tpu.memory_space<hbm>>) dst(%dma_wait3A_39 : memref<640x64xf32, #tpu.memory_space<vmem_shared>>)
        tpu.yield
      }) : () -> ()
      "tpu.region"() ({
        %run_scoped3A = tpu.sem_alloc : memref<!tpu.dma_semaphore, #tpu.memory_space<semaphore_mem>>
        %dma_start3A_34 = arith.constant 0 : i32
        %dma_start3A_35 = tpu.memref_slice %arg17[%mul3A_0, %dma_start3A_34] : memref<10240x64xf32, #tpu.memory_space<vmem_shared>> -> memref<640x64xf32, #tpu.memory_space<vmem_shared>>
        %dma_start3A_36 = arith.constant 0 : i32
        %dma_start3A_37 = tpu.memref_slice %arg2[%mul3A_0, %dma_start3A_36] : memref<10240x128xf32, #tpu.memory_space<hbm>> -> memref<640x64xf32, #tpu.memory_space<hbm>>
        tpu.enqueue_dma source(%dma_start3A_37 : memref<640x64xf32, #tpu.memory_space<hbm>>) target(%dma_start3A_35 : memref<640x64xf32, #tpu.memory_space<vmem_shared>>) target_semaphore(%run_scoped3A : memref<!tpu.dma_semaphore, #tpu.memory_space<semaphore_mem>>)
        %dma_wait3A_38 = arith.constant 0 : i32
        %dma_wait3A_39 = tpu.memref_slice %arg17[%mul3A_0, %dma_wait3A_38] : memref<10240x64xf32, #tpu.memory_space<vmem_shared>> -> memref<640x64xf32, #tpu.memory_space<vmem_shared>>
        %dma_wait3A_40 = arith.constant 0 : i32
        %dma_wait3A_41 = tpu.memref_slice %arg2[%mul3A_0, %dma_wait3A_40] : memref<10240x128xf32, #tpu.memory_space<hbm>> -> memref<640x64xf32, #tpu.memory_space<hbm>>
        tpu.wait_dma2 semaphore(%run_scoped3A : memref<!tpu.dma_semaphore, #tpu.memory_space<semaphore_mem>>) src(%dma_wait3A_41 : memref<640x64xf32, #tpu.memory_space<hbm>>) dst(%dma_wait3A_39 : memref<640x64xf32, #tpu.memory_space<vmem_shared>>)
        tpu.yield
      }) : () -> ()
    } else {
    }
    %eq3A_3 = arith.constant 1 : i32
    %eq3A_4 = arith.cmpi eq, %arg0, %eq3A_3 : i32
    %convert_element_type3A_5 = arith.extui %eq3A_4 : i1 to i32
    %cond3A_6 = arith.constant 0 : i32
    %cond3A_7 = arith.cmpi ne, %convert_element_type3A_5, %cond3A_6 : i32
    scf.if %cond3A_7 {
      "tpu.region"() ({
        %run_scoped3A = tpu.sem_alloc : memref<!tpu.dma_semaphore, #tpu.memory_space<semaphore_mem>>
        %dma_start3A_34 = arith.constant 0 : i32
        %dma_start3A_35 = tpu.memref_slice %arg16[%mul3A_0, %dma_start3A_34] : memref<10240x64xf32, #tpu.memory_space<vmem_shared>> -> memref<640x64xf32, #tpu.memory_space<vmem_shared>>
        %dma_start3A_36 = arith.constant 64 : i32
        %dma_start3A_37 = tpu.memref_slice %arg2[%mul3A_0, %dma_start3A_36] : memref<10240x128xf32, #tpu.memory_space<hbm>> -> memref<640x64xf32, #tpu.memory_space<hbm>>
        tpu.enqueue_dma source(%dma_start3A_37 : memref<640x64xf32, #tpu.memory_space<hbm>>) target(%dma_start3A_35 : memref<640x64xf32, #tpu.memory_space<vmem_shared>>) target_semaphore(%run_scoped3A : memref<!tpu.dma_semaphore, #tpu.memory_space<semaphore_mem>>)
        %dma_wait3A_38 = arith.constant 0 : i32
        %dma_wait3A_39 = tpu.memref_slice %arg16[%mul3A_0, %dma_wait3A_38] : memref<10240x64xf32, #tpu.memory_space<vmem_shared>> -> memref<640x64xf32, #tpu.memory_space<vmem_shared>>
        %dma_wait3A_40 = arith.constant 64 : i32
        %dma_wait3A_41 = tpu.memref_slice %arg2[%mul3A_0, %dma_wait3A_40] : memref<10240x128xf32, #tpu.memory_space<hbm>> -> memref<640x64xf32, #tpu.memory_space<hbm>>
        tpu.wait_dma2 semaphore(%run_scoped3A : memref<!tpu.dma_semaphore, #tpu.memory_space<semaphore_mem>>) src(%dma_wait3A_41 : memref<640x64xf32, #tpu.memory_space<hbm>>) dst(%dma_wait3A_39 : memref<640x64xf32, #tpu.memory_space<vmem_shared>>)
        tpu.yield
      }) : () -> ()
      "tpu.region"() ({
        %run_scoped3A = tpu.sem_alloc : memref<!tpu.dma_semaphore, #tpu.memory_space<semaphore_mem>>
        %dma_start3A_34 = arith.constant 0 : i32
        %dma_start3A_35 = tpu.memref_slice %arg17[%mul3A_0, %dma_start3A_34] : memref<10240x64xf32, #tpu.memory_space<vmem_shared>> -> memref<640x64xf32, #tpu.memory_space<vmem_shared>>
        %dma_start3A_36 = arith.constant 64 : i32
        %dma_start3A_37 = tpu.memref_slice %arg2[%mul3A_0, %dma_start3A_36] : memref<10240x128xf32, #tpu.memory_space<hbm>> -> memref<640x64xf32, #tpu.memory_space<hbm>>
        tpu.enqueue_dma source(%dma_start3A_37 : memref<640x64xf32, #tpu.memory_space<hbm>>) target(%dma_start3A_35 : memref<640x64xf32, #tpu.memory_space<vmem_shared>>) target_semaphore(%run_scoped3A : memref<!tpu.dma_semaphore, #tpu.memory_space<semaphore_mem>>)
        %dma_wait3A_38 = arith.constant 0 : i32
        %dma_wait3A_39 = tpu.memref_slice %arg17[%mul3A_0, %dma_wait3A_38] : memref<10240x64xf32, #tpu.memory_space<vmem_shared>> -> memref<640x64xf32, #tpu.memory_space<vmem_shared>>
        %dma_wait3A_40 = arith.constant 64 : i32
        %dma_wait3A_41 = tpu.memref_slice %arg2[%mul3A_0, %dma_wait3A_40] : memref<10240x128xf32, #tpu.memory_space<hbm>> -> memref<640x64xf32, #tpu.memory_space<hbm>>
        tpu.wait_dma2 semaphore(%run_scoped3A : memref<!tpu.dma_semaphore, #tpu.memory_space<semaphore_mem>>) src(%dma_wait3A_41 : memref<640x64xf32, #tpu.memory_space<hbm>>) dst(%dma_wait3A_39 : memref<640x64xf32, #tpu.memory_space<vmem_shared>>)
        tpu.yield
      }) : () -> ()
    } else {
    }
    %mul3A_8 = arith.constant 80 : i32
    %mul3A_9 = arith.muli %arg1, %mul3A_8 : i32
    %barrier3A = arith.constant 0 : index
    tpu.barrier barrier_id(%barrier3A)
    %add3A = arith.constant 0 : i32
    %add3A_10 = arith.addi %mul3A_9, %add3A : i32
    "tpu.region"() ({
      %run_scoped3A = tpu.sem_alloc : memref<!tpu.dma_semaphore, #tpu.memory_space<semaphore_mem>>
      %dma_start3A_34 = arith.constant 0 : i32
      %dma_start3A_35 = tpu.memref_slice %arg3[%add3A_10, %dma_start3A_34] : memref<1280x256xi32, #tpu.memory_space<hbm>> -> memref<1x256xi32, #tpu.memory_space<hbm>>
      %dma_start3A_36 = tpu.memref_squeeze %dma_start3A_35 : memref<1x256xi32, #tpu.memory_space<hbm>> -> memref<256xi32, #tpu.memory_space<hbm>>
      %dma_start3A_37 = arith.constant 0 : i32
      %dma_start3A_38 = tpu.memref_slice %arg3[%add3A_10, %dma_start3A_37] : memref<1280x256xi32, #tpu.memory_space<hbm>> -> memref<1x256xi32, #tpu.memory_space<hbm>>
      %dma_start3A_39 = tpu.memref_squeeze %dma_start3A_38 : memref<1x256xi32, #tpu.memory_space<hbm>> -> memref<256xi32, #tpu.memory_space<hbm>>
      tpu.enqueue_dma source(%dma_start3A_39 : memref<256xi32, #tpu.memory_space<hbm>>) target(%arg6 : memref<256xi32, #tpu.memory_space<vmem>>) target_semaphore(%run_scoped3A : memref<!tpu.dma_semaphore, #tpu.memory_space<semaphore_mem>>)
      %dma_wait3A_40 = arith.constant 0 : i32
      %dma_wait3A_41 = tpu.memref_slice %arg3[%add3A_10, %dma_wait3A_40] : memref<1280x256xi32, #tpu.memory_space<hbm>> -> memref<1x256xi32, #tpu.memory_space<hbm>>
      %dma_wait3A_42 = tpu.memref_squeeze %dma_wait3A_41 : memref<1x256xi32, #tpu.memory_space<hbm>> -> memref<256xi32, #tpu.memory_space<hbm>>
      %dma_wait3A_43 = arith.constant 0 : i32
      %dma_wait3A_44 = tpu.memref_slice %arg3[%add3A_10, %dma_wait3A_43] : memref<1280x256xi32, #tpu.memory_space<hbm>> -> memref<1x256xi32, #tpu.memory_space<hbm>>
      %dma_wait3A_45 = tpu.memref_squeeze %dma_wait3A_44 : memref<1x256xi32, #tpu.memory_space<hbm>> -> memref<256xi32, #tpu.memory_space<hbm>>
      tpu.wait_dma2 semaphore(%run_scoped3A : memref<!tpu.dma_semaphore, #tpu.memory_space<semaphore_mem>>) src(%dma_wait3A_45 : memref<256xi32, #tpu.memory_space<hbm>>) dst(%arg6 : memref<256xi32, #tpu.memory_space<vmem>>)
      tpu.yield
    }) : () -> ()
    %add3A_11 = arith.constant 0 : i32
    %add3A_12 = arith.addi %mul3A_9, %add3A_11 : i32
    "tpu.region"() ({
      %run_scoped3A = tpu.sem_alloc : memref<!tpu.dma_semaphore, #tpu.memory_space<semaphore_mem>>
      %dma_start3A_34 = arith.constant 0 : i32
      %dma_start3A_35 = tpu.memref_slice %arg4[%add3A_12, %dma_start3A_34] : memref<1280x256xi32, #tpu.memory_space<hbm>> -> memref<1x256xi32, #tpu.memory_space<hbm>>
      %dma_start3A_36 = tpu.memref_squeeze %dma_start3A_35 : memref<1x256xi32, #tpu.memory_space<hbm>> -> memref<256xi32, #tpu.memory_space<hbm>>
      %dma_start3A_37 = arith.constant 0 : i32
      %dma_start3A_38 = tpu.memref_slice %arg4[%add3A_12, %dma_start3A_37] : memref<1280x256xi32, #tpu.memory_space<hbm>> -> memref<1x256xi32, #tpu.memory_space<hbm>>
      %dma_start3A_39 = tpu.memref_squeeze %dma_start3A_38 : memref<1x256xi32, #tpu.memory_space<hbm>> -> memref<256xi32, #tpu.memory_space<hbm>>
      tpu.enqueue_dma source(%dma_start3A_39 : memref<256xi32, #tpu.memory_space<hbm>>) target(%arg8 : memref<256xi32, #tpu.memory_space<vmem>>) target_semaphore(%run_scoped3A : memref<!tpu.dma_semaphore, #tpu.memory_space<semaphore_mem>>)
      %dma_wait3A_40 = arith.constant 0 : i32
      %dma_wait3A_41 = tpu.memref_slice %arg4[%add3A_12, %dma_wait3A_40] : memref<1280x256xi32, #tpu.memory_space<hbm>> -> memref<1x256xi32, #tpu.memory_space<hbm>>
      %dma_wait3A_42 = tpu.memref_squeeze %dma_wait3A_41 : memref<1x256xi32, #tpu.memory_space<hbm>> -> memref<256xi32, #tpu.memory_space<hbm>>
      %dma_wait3A_43 = arith.constant 0 : i32
      %dma_wait3A_44 = tpu.memref_slice %arg4[%add3A_12, %dma_wait3A_43] : memref<1280x256xi32, #tpu.memory_space<hbm>> -> memref<1x256xi32, #tpu.memory_space<hbm>>
      %dma_wait3A_45 = tpu.memref_squeeze %dma_wait3A_44 : memref<1x256xi32, #tpu.memory_space<hbm>> -> memref<256xi32, #tpu.memory_space<hbm>>
      tpu.wait_dma2 semaphore(%run_scoped3A : memref<!tpu.dma_semaphore, #tpu.memory_space<semaphore_mem>>) src(%dma_wait3A_45 : memref<256xi32, #tpu.memory_space<hbm>>) dst(%arg8 : memref<256xi32, #tpu.memory_space<vmem>>)
      tpu.yield
    }) : () -> ()
    %dma_start3A = arith.constant 0 : i32
    %dma_start3A_13 = arith.constant 0 : i32
    %dma_start3A_14 = tpu.memref_slice %arg16[%dma_start3A, %dma_start3A_13] : memref<10240x64xf32, #tpu.memory_space<vmem_shared>> -> memref<10240x64xf32, #tpu.memory_space<vmem_shared>>
    tpu.enqueue_indirect_dma source(%dma_start3A_14 : memref<10240x64xf32, #tpu.memory_space<vmem_shared>>) target(%arg10 : memref<256x64xf32, #tpu.memory_space<vmem>>) offsets(%arg6 : memref<256xi32, #tpu.memory_space<vmem>>) semaphore(%arg12 : memref<!tpu.dma_semaphore, #tpu.memory_space<semaphore_mem>>)
    %scan3A = arith.constant 0 : i32
    %scan3A_15 = arith.constant 0 : i32
    %scan3A_16 = arith.constant 40 : i32
    %scan3A_17 = arith.addi %scan3A_15, %scan3A_16 : i32
    %scan3A_18 = arith.constant 1 : i32
    %scan3A_19 = scf.for %scan3A_34 = %scan3A_15 to %scan3A_17 step %scan3A_18 iter_args(%scan3A_35 = %scan3A) -> (i32)  : i32 {
      %mul3A_36 = arith.constant 2 : i32
      %mul3A_37 = arith.muli %mul3A_36, %scan3A_34 : i32
      %gt3A = arith.constant 0 : i32
      %gt3A_38 = arith.cmpi sgt, %scan3A_34, %gt3A : i32
      %convert_element_type3A_39 = arith.extui %gt3A_38 : i1 to i32
      %cond3A_40 = arith.constant 0 : i32
      %cond3A_41 = arith.cmpi ne, %convert_element_type3A_39, %cond3A_40 : i32
      scf.if %cond3A_41 {
        %sub3A = arith.constant 1 : i32
        %sub3A_73 = arith.subi %mul3A_37, %sub3A : i32
        %dma_wait3A_74 = arith.constant 0 : i32
        %dma_wait3A_75 = arith.constant 0 : i32
        %dma_wait3A_76 = tpu.memref_slice %arg17[%dma_wait3A_74, %dma_wait3A_75] : memref<10240x64xf32, #tpu.memory_space<vmem_shared>> -> memref<10240x64xf32, #tpu.memory_space<vmem_shared>>
        tpu.wait_indirect_dma semaphore(%arg15 : memref<!tpu.dma_semaphore, #tpu.memory_space<semaphore_mem>>) src(%arg11 : memref<256x64xf32, #tpu.memory_space<vmem>>) dst(%dma_wait3A_76 : memref<10240x64xf32, #tpu.memory_space<vmem_shared>>)
      } else {
      }
      %dma_wait3A_42 = arith.constant 0 : i32
      %dma_wait3A_43 = arith.constant 0 : i32
      %dma_wait3A_44 = tpu.memref_slice %arg16[%dma_wait3A_42, %dma_wait3A_43] : memref<10240x64xf32, #tpu.memory_space<vmem_shared>> -> memref<10240x64xf32, #tpu.memory_space<vmem_shared>>
      tpu.wait_indirect_dma semaphore(%arg12 : memref<!tpu.dma_semaphore, #tpu.memory_space<semaphore_mem>>) src(%dma_wait3A_44 : memref<10240x64xf32, #tpu.memory_space<vmem_shared>>) dst(%arg10 : memref<256x64xf32, #tpu.memory_space<vmem>>)
      %add3A_45 = arith.constant 1 : i32
      %add3A_46 = arith.addi %mul3A_37, %add3A_45 : i32
      %add3A_47 = arith.addi %mul3A_9, %add3A_46 : i32
      "tpu.region"() ({
        %run_scoped3A = tpu.sem_alloc : memref<!tpu.dma_semaphore, #tpu.memory_space<semaphore_mem>>
        %dma_start3A_73 = arith.constant 0 : i32
        %dma_start3A_74 = tpu.memref_slice %arg3[%add3A_47, %dma_start3A_73] : memref<1280x256xi32, #tpu.memory_space<hbm>> -> memref<1x256xi32, #tpu.memory_space<hbm>>
        %dma_start3A_75 = tpu.memref_squeeze %dma_start3A_74 : memref<1x256xi32, #tpu.memory_space<hbm>> -> memref<256xi32, #tpu.memory_space<hbm>>
        %dma_start3A_76 = arith.constant 0 : i32
        %dma_start3A_77 = tpu.memref_slice %arg3[%add3A_47, %dma_start3A_76] : memref<1280x256xi32, #tpu.memory_space<hbm>> -> memref<1x256xi32, #tpu.memory_space<hbm>>
        %dma_start3A_78 = tpu.memref_squeeze %dma_start3A_77 : memref<1x256xi32, #tpu.memory_space<hbm>> -> memref<256xi32, #tpu.memory_space<hbm>>
        tpu.enqueue_dma source(%dma_start3A_78 : memref<256xi32, #tpu.memory_space<hbm>>) target(%arg7 : memref<256xi32, #tpu.memory_space<vmem>>) target_semaphore(%run_scoped3A : memref<!tpu.dma_semaphore, #tpu.memory_space<semaphore_mem>>)
        %dma_wait3A_79 = arith.constant 0 : i32
        %dma_wait3A_80 = tpu.memref_slice %arg3[%add3A_47, %dma_wait3A_79] : memref<1280x256xi32, #tpu.memory_space<hbm>> -> memref<1x256xi32, #tpu.memory_space<hbm>>
        %dma_wait3A_81 = tpu.memref_squeeze %dma_wait3A_80 : memref<1x256xi32, #tpu.memory_space<hbm>> -> memref<256xi32, #tpu.memory_space<hbm>>
        %dma_wait3A_82 = arith.constant 0 : i32
        %dma_wait3A_83 = tpu.memref_slice %arg3[%add3A_47, %dma_wait3A_82] : memref<1280x256xi32, #tpu.memory_space<hbm>> -> memref<1x256xi32, #tpu.memory_space<hbm>>
        %dma_wait3A_84 = tpu.memref_squeeze %dma_wait3A_83 : memref<1x256xi32, #tpu.memory_space<hbm>> -> memref<256xi32, #tpu.memory_space<hbm>>
        tpu.wait_dma2 semaphore(%run_scoped3A : memref<!tpu.dma_semaphore, #tpu.memory_space<semaphore_mem>>) src(%dma_wait3A_84 : memref<256xi32, #tpu.memory_space<hbm>>) dst(%arg7 : memref<256xi32, #tpu.memory_space<vmem>>)
        tpu.yield
      }) : () -> ()
      %add3A_48 = arith.addi %mul3A_9, %add3A_46 : i32
      "tpu.region"() ({
        %run_scoped3A = tpu.sem_alloc : memref<!tpu.dma_semaphore, #tpu.memory_space<semaphore_mem>>
        %dma_start3A_73 = arith.constant 0 : i32
        %dma_start3A_74 = tpu.memref_slice %arg4[%add3A_48, %dma_start3A_73] : memref<1280x256xi32, #tpu.memory_space<hbm>> -> memref<1x256xi32, #tpu.memory_space<hbm>>
        %dma_start3A_75 = tpu.memref_squeeze %dma_start3A_74 : memref<1x256xi32, #tpu.memory_space<hbm>> -> memref<256xi32, #tpu.memory_space<hbm>>
        %dma_start3A_76 = arith.constant 0 : i32
        %dma_start3A_77 = tpu.memref_slice %arg4[%add3A_48, %dma_start3A_76] : memref<1280x256xi32, #tpu.memory_space<hbm>> -> memref<1x256xi32, #tpu.memory_space<hbm>>
        %dma_start3A_78 = tpu.memref_squeeze %dma_start3A_77 : memref<1x256xi32, #tpu.memory_space<hbm>> -> memref<256xi32, #tpu.memory_space<hbm>>
        tpu.enqueue_dma source(%dma_start3A_78 : memref<256xi32, #tpu.memory_space<hbm>>) target(%arg9 : memref<256xi32, #tpu.memory_space<vmem>>) target_semaphore(%run_scoped3A : memref<!tpu.dma_semaphore, #tpu.memory_space<semaphore_mem>>)
        %dma_wait3A_79 = arith.constant 0 : i32
        %dma_wait3A_80 = tpu.memref_slice %arg4[%add3A_48, %dma_wait3A_79] : memref<1280x256xi32, #tpu.memory_space<hbm>> -> memref<1x256xi32, #tpu.memory_space<hbm>>
        %dma_wait3A_81 = tpu.memref_squeeze %dma_wait3A_80 : memref<1x256xi32, #tpu.memory_space<hbm>> -> memref<256xi32, #tpu.memory_space<hbm>>
        %dma_wait3A_82 = arith.constant 0 : i32
        %dma_wait3A_83 = tpu.memref_slice %arg4[%add3A_48, %dma_wait3A_82] : memref<1280x256xi32, #tpu.memory_space<hbm>> -> memref<1x256xi32, #tpu.memory_space<hbm>>
        %dma_wait3A_84 = tpu.memref_squeeze %dma_wait3A_83 : memref<1x256xi32, #tpu.memory_space<hbm>> -> memref<256xi32, #tpu.memory_space<hbm>>
        tpu.wait_dma2 semaphore(%run_scoped3A : memref<!tpu.dma_semaphore, #tpu.memory_space<semaphore_mem>>) src(%dma_wait3A_84 : memref<256xi32, #tpu.memory_space<hbm>>) dst(%arg9 : memref<256xi32, #tpu.memory_space<vmem>>)
        tpu.yield
      }) : () -> ()
      %dma_start3A_49 = arith.constant 0 : i32
      %dma_start3A_50 = arith.constant 0 : i32
      %dma_start3A_51 = tpu.memref_slice %arg16[%dma_start3A_49, %dma_start3A_50] : memref<10240x64xf32, #tpu.memory_space<vmem_shared>> -> memref<10240x64xf32, #tpu.memory_space<vmem_shared>>
      tpu.enqueue_indirect_dma source(%dma_start3A_51 : memref<10240x64xf32, #tpu.memory_space<vmem_shared>>) target(%arg11 : memref<256x64xf32, #tpu.memory_space<vmem>>) offsets(%arg7 : memref<256xi32, #tpu.memory_space<vmem>>) semaphore(%arg13 : memref<!tpu.dma_semaphore, #tpu.memory_space<semaphore_mem>>)
      %dma_start3A_52 = arith.constant 0 : i32
      %dma_start3A_53 = arith.constant 0 : i32
      %dma_start3A_54 = tpu.memref_slice %arg17[%dma_start3A_52, %dma_start3A_53] : memref<10240x64xf32, #tpu.memory_space<vmem_shared>> -> memref<10240x64xf32, #tpu.memory_space<vmem_shared>>
      tpu.enqueue_indirect_dma source(%arg10 : memref<256x64xf32, #tpu.memory_space<vmem>>) target(%dma_start3A_54 : memref<10240x64xf32, #tpu.memory_space<vmem_shared>>) offsets(%arg8 : memref<256xi32, #tpu.memory_space<vmem>>) semaphore(%arg14 : memref<!tpu.dma_semaphore, #tpu.memory_space<semaphore_mem>>) {add = true}
      %add3A_55 = arith.constant 1 : i32
      %add3A_56 = arith.addi %mul3A_37, %add3A_55 : i32
      %dma_wait3A_57 = arith.constant 0 : i32
      %dma_wait3A_58 = arith.constant 0 : i32
      %dma_wait3A_59 = tpu.memref_slice %arg16[%dma_wait3A_57, %dma_wait3A_58] : memref<10240x64xf32, #tpu.memory_space<vmem_shared>> -> memref<10240x64xf32, #tpu.memory_space<vmem_shared>>
      tpu.wait_indirect_dma semaphore(%arg13 : memref<!tpu.dma_semaphore, #tpu.memory_space<semaphore_mem>>) src(%dma_wait3A_59 : memref<10240x64xf32, #tpu.memory_space<vmem_shared>>) dst(%arg11 : memref<256x64xf32, #tpu.memory_space<vmem>>)
      %dma_wait3A_60 = arith.constant 0 : i32
      %dma_wait3A_61 = arith.constant 0 : i32
      %dma_wait3A_62 = tpu.memref_slice %arg17[%dma_wait3A_60, %dma_wait3A_61] : memref<10240x64xf32, #tpu.memory_space<vmem_shared>> -> memref<10240x64xf32, #tpu.memory_space<vmem_shared>>
      tpu.wait_indirect_dma semaphore(%arg14 : memref<!tpu.dma_semaphore, #tpu.memory_space<semaphore_mem>>) src(%arg10 : memref<256x64xf32, #tpu.memory_space<vmem>>) dst(%dma_wait3A_62 : memref<10240x64xf32, #tpu.memory_space<vmem_shared>>)
      %lt3A = arith.constant 39 : i32
      %lt3A_63 = arith.cmpi slt, %scan3A_34, %lt3A : i32
      %convert_element_type3A_64 = arith.extui %lt3A_63 : i1 to i32
      %cond3A_65 = arith.constant 0 : i32
      %cond3A_66 = arith.cmpi ne, %convert_element_type3A_64, %cond3A_65 : i32
      scf.if %cond3A_66 {
        %add3A_73 = arith.constant 2 : i32
        %add3A_74 = arith.addi %mul3A_37, %add3A_73 : i32
        %add3A_75 = arith.addi %mul3A_9, %add3A_74 : i32
        "tpu.region"() ({
          %run_scoped3A = tpu.sem_alloc : memref<!tpu.dma_semaphore, #tpu.memory_space<semaphore_mem>>
          %dma_start3A_80 = arith.constant 0 : i32
          %dma_start3A_81 = tpu.memref_slice %arg3[%add3A_75, %dma_start3A_80] : memref<1280x256xi32, #tpu.memory_space<hbm>> -> memref<1x256xi32, #tpu.memory_space<hbm>>
          %dma_start3A_82 = tpu.memref_squeeze %dma_start3A_81 : memref<1x256xi32, #tpu.memory_space<hbm>> -> memref<256xi32, #tpu.memory_space<hbm>>
          %dma_start3A_83 = arith.constant 0 : i32
          %dma_start3A_84 = tpu.memref_slice %arg3[%add3A_75, %dma_start3A_83] : memref<1280x256xi32, #tpu.memory_space<hbm>> -> memref<1x256xi32, #tpu.memory_space<hbm>>
          %dma_start3A_85 = tpu.memref_squeeze %dma_start3A_84 : memref<1x256xi32, #tpu.memory_space<hbm>> -> memref<256xi32, #tpu.memory_space<hbm>>
          tpu.enqueue_dma source(%dma_start3A_85 : memref<256xi32, #tpu.memory_space<hbm>>) target(%arg6 : memref<256xi32, #tpu.memory_space<vmem>>) target_semaphore(%run_scoped3A : memref<!tpu.dma_semaphore, #tpu.memory_space<semaphore_mem>>)
          %dma_wait3A_86 = arith.constant 0 : i32
          %dma_wait3A_87 = tpu.memref_slice %arg3[%add3A_75, %dma_wait3A_86] : memref<1280x256xi32, #tpu.memory_space<hbm>> -> memref<1x256xi32, #tpu.memory_space<hbm>>
          %dma_wait3A_88 = tpu.memref_squeeze %dma_wait3A_87 : memref<1x256xi32, #tpu.memory_space<hbm>> -> memref<256xi32, #tpu.memory_space<hbm>>
          %dma_wait3A_89 = arith.constant 0 : i32
          %dma_wait3A_90 = tpu.memref_slice %arg3[%add3A_75, %dma_wait3A_89] : memref<1280x256xi32, #tpu.memory_space<hbm>> -> memref<1x256xi32, #tpu.memory_space<hbm>>
          %dma_wait3A_91 = tpu.memref_squeeze %dma_wait3A_90 : memref<1x256xi32, #tpu.memory_space<hbm>> -> memref<256xi32, #tpu.memory_space<hbm>>
          tpu.wait_dma2 semaphore(%run_scoped3A : memref<!tpu.dma_semaphore, #tpu.memory_space<semaphore_mem>>) src(%dma_wait3A_91 : memref<256xi32, #tpu.memory_space<hbm>>) dst(%arg6 : memref<256xi32, #tpu.memory_space<vmem>>)
          tpu.yield
        }) : () -> ()
        %add3A_76 = arith.addi %mul3A_9, %add3A_74 : i32
        "tpu.region"() ({
          %run_scoped3A = tpu.sem_alloc : memref<!tpu.dma_semaphore, #tpu.memory_space<semaphore_mem>>
          %dma_start3A_80 = arith.constant 0 : i32
          %dma_start3A_81 = tpu.memref_slice %arg4[%add3A_76, %dma_start3A_80] : memref<1280x256xi32, #tpu.memory_space<hbm>> -> memref<1x256xi32, #tpu.memory_space<hbm>>
          %dma_start3A_82 = tpu.memref_squeeze %dma_start3A_81 : memref<1x256xi32, #tpu.memory_space<hbm>> -> memref<256xi32, #tpu.memory_space<hbm>>
          %dma_start3A_83 = arith.constant 0 : i32
          %dma_start3A_84 = tpu.memref_slice %arg4[%add3A_76, %dma_start3A_83] : memref<1280x256xi32, #tpu.memory_space<hbm>> -> memref<1x256xi32, #tpu.memory_space<hbm>>
          %dma_start3A_85 = tpu.memref_squeeze %dma_start3A_84 : memref<1x256xi32, #tpu.memory_space<hbm>> -> memref<256xi32, #tpu.memory_space<hbm>>
          tpu.enqueue_dma source(%dma_start3A_85 : memref<256xi32, #tpu.memory_space<hbm>>) target(%arg8 : memref<256xi32, #tpu.memory_space<vmem>>) target_semaphore(%run_scoped3A : memref<!tpu.dma_semaphore, #tpu.memory_space<semaphore_mem>>)
          %dma_wait3A_86 = arith.constant 0 : i32
          %dma_wait3A_87 = tpu.memref_slice %arg4[%add3A_76, %dma_wait3A_86] : memref<1280x256xi32, #tpu.memory_space<hbm>> -> memref<1x256xi32, #tpu.memory_space<hbm>>
          %dma_wait3A_88 = tpu.memref_squeeze %dma_wait3A_87 : memref<1x256xi32, #tpu.memory_space<hbm>> -> memref<256xi32, #tpu.memory_space<hbm>>
          %dma_wait3A_89 = arith.constant 0 : i32
          %dma_wait3A_90 = tpu.memref_slice %arg4[%add3A_76, %dma_wait3A_89] : memref<1280x256xi32, #tpu.memory_space<hbm>> -> memref<1x256xi32, #tpu.memory_space<hbm>>
          %dma_wait3A_91 = tpu.memref_squeeze %dma_wait3A_90 : memref<1x256xi32, #tpu.memory_space<hbm>> -> memref<256xi32, #tpu.memory_space<hbm>>
          tpu.wait_dma2 semaphore(%run_scoped3A : memref<!tpu.dma_semaphore, #tpu.memory_space<semaphore_mem>>) src(%dma_wait3A_91 : memref<256xi32, #tpu.memory_space<hbm>>) dst(%arg8 : memref<256xi32, #tpu.memory_space<vmem>>)
          tpu.yield
        }) : () -> ()
        %dma_start3A_77 = arith.constant 0 : i32
        %dma_start3A_78 = arith.constant 0 : i32
        %dma_start3A_79 = tpu.memref_slice %arg16[%dma_start3A_77, %dma_start3A_78] : memref<10240x64xf32, #tpu.memory_space<vmem_shared>> -> memref<10240x64xf32, #tpu.memory_space<vmem_shared>>
        tpu.enqueue_indirect_dma source(%dma_start3A_79 : memref<10240x64xf32, #tpu.memory_space<vmem_shared>>) target(%arg10 : memref<256x64xf32, #tpu.memory_space<vmem>>) offsets(%arg6 : memref<256xi32, #tpu.memory_space<vmem>>) semaphore(%arg12 : memref<!tpu.dma_semaphore, #tpu.memory_space<semaphore_mem>>)
      } else {
      }
      %add3A_67 = arith.constant 1 : i32
      %add3A_68 = arith.addi %mul3A_37, %add3A_67 : i32
      %dma_start3A_69 = arith.constant 0 : i32
      %dma_start3A_70 = arith.constant 0 : i32
      %dma_start3A_71 = tpu.memref_slice %arg17[%dma_start3A_69, %dma_start3A_70] : memref<10240x64xf32, #tpu.memory_space<vmem_shared>> -> memref<10240x64xf32, #tpu.memory_space<vmem_shared>>
      tpu.enqueue_indirect_dma source(%arg11 : memref<256x64xf32, #tpu.memory_space<vmem>>) target(%dma_start3A_71 : memref<10240x64xf32, #tpu.memory_space<vmem_shared>>) offsets(%arg9 : memref<256xi32, #tpu.memory_space<vmem>>) semaphore(%arg15 : memref<!tpu.dma_semaphore, #tpu.memory_space<semaphore_mem>>) {add = true}
      %scan3A_72 = arith.constant 0 : i32
      scf.yield %scan3A_72 : i32
    }
    %scan3A_20 = arith.constant 40 : i32
    %dma_wait3A = arith.constant 0 : i32
    %dma_wait3A_21 = arith.constant 0 : i32
    %dma_wait3A_22 = tpu.memref_slice %arg17[%dma_wait3A, %dma_wait3A_21] : memref<10240x64xf32, #tpu.memory_space<vmem_shared>> -> memref<10240x64xf32, #tpu.memory_space<vmem_shared>>
    tpu.wait_indirect_dma semaphore(%arg15 : memref<!tpu.dma_semaphore, #tpu.memory_space<semaphore_mem>>) src(%arg11 : memref<256x64xf32, #tpu.memory_space<vmem>>) dst(%dma_wait3A_22 : memref<10240x64xf32, #tpu.memory_space<vmem_shared>>)
    %barrier3A_23 = arith.constant 0 : index
    tpu.barrier barrier_id(%barrier3A_23)
    %eq3A_24 = arith.constant 0 : i32
    %eq3A_25 = arith.cmpi eq, %arg0, %eq3A_24 : i32
    %convert_element_type3A_26 = arith.extui %eq3A_25 : i1 to i32
    %cond3A_27 = arith.constant 0 : i32
    %cond3A_28 = arith.cmpi ne, %convert_element_type3A_26, %cond3A_27 : i32
    scf.if %cond3A_28 {
      "tpu.region"() ({
        %run_scoped3A = tpu.sem_alloc : memref<!tpu.dma_semaphore, #tpu.memory_space<semaphore_mem>>
        %dma_start3A_34 = arith.constant 0 : i32
        %dma_start3A_35 = tpu.memref_slice %arg5[%mul3A_0, %dma_start3A_34] : memref<10240x128xf32, #tpu.memory_space<hbm>> -> memref<640x64xf32, #tpu.memory_space<hbm>>
        %dma_start3A_36 = arith.constant 0 : i32
        %dma_start3A_37 = tpu.memref_slice %arg17[%mul3A_0, %dma_start3A_36] : memref<10240x64xf32, #tpu.memory_space<vmem_shared>> -> memref<640x64xf32, #tpu.memory_space<vmem_shared>>
        tpu.enqueue_dma source(%dma_start3A_37 : memref<640x64xf32, #tpu.memory_space<vmem_shared>>) target(%dma_start3A_35 : memref<640x64xf32, #tpu.memory_space<hbm>>) target_semaphore(%run_scoped3A : memref<!tpu.dma_semaphore, #tpu.memory_space<semaphore_mem>>)
        %dma_wait3A_38 = arith.constant 0 : i32
        %dma_wait3A_39 = tpu.memref_slice %arg5[%mul3A_0, %dma_wait3A_38] : memref<10240x128xf32, #tpu.memory_space<hbm>> -> memref<640x64xf32, #tpu.memory_space<hbm>>
        %dma_wait3A_40 = arith.constant 0 : i32
        %dma_wait3A_41 = tpu.memref_slice %arg17[%mul3A_0, %dma_wait3A_40] : memref<10240x64xf32, #tpu.memory_space<vmem_shared>> -> memref<640x64xf32, #tpu.memory_space<vmem_shared>>
        tpu.wait_dma2 semaphore(%run_scoped3A : memref<!tpu.dma_semaphore, #tpu.memory_space<semaphore_mem>>) src(%dma_wait3A_41 : memref<640x64xf32, #tpu.memory_space<vmem_shared>>) dst(%dma_wait3A_39 : memref<640x64xf32, #tpu.memory_space<hbm>>)
        tpu.yield
      }) : () -> ()
    } else {
    }
    %eq3A_29 = arith.constant 1 : i32
    %eq3A_30 = arith.cmpi eq, %arg0, %eq3A_29 : i32
    %convert_element_type3A_31 = arith.extui %eq3A_30 : i1 to i32
    %cond3A_32 = arith.constant 0 : i32
    %cond3A_33 = arith.cmpi ne, %convert_element_type3A_31, %cond3A_32 : i32
    scf.if %cond3A_33 {
      "tpu.region"() ({
        %run_scoped3A = tpu.sem_alloc : memref<!tpu.dma_semaphore, #tpu.memory_space<semaphore_mem>>
        %dma_start3A_34 = arith.constant 64 : i32
        %dma_start3A_35 = tpu.memref_slice %arg5[%mul3A_0, %dma_start3A_34] : memref<10240x128xf32, #tpu.memory_space<hbm>> -> memref<640x64xf32, #tpu.memory_space<hbm>>
        %dma_start3A_36 = arith.constant 0 : i32
        %dma_start3A_37 = tpu.memref_slice %arg17[%mul3A_0, %dma_start3A_36] : memref<10240x64xf32, #tpu.memory_space<vmem_shared>> -> memref<640x64xf32, #tpu.memory_space<vmem_shared>>
        tpu.enqueue_dma source(%dma_start3A_37 : memref<640x64xf32, #tpu.memory_space<vmem_shared>>) target(%dma_start3A_35 : memref<640x64xf32, #tpu.memory_space<hbm>>) target_semaphore(%run_scoped3A : memref<!tpu.dma_semaphore, #tpu.memory_space<semaphore_mem>>)
        %dma_wait3A_38 = arith.constant 64 : i32
        %dma_wait3A_39 = tpu.memref_slice %arg5[%mul3A_0, %dma_wait3A_38] : memref<10240x128xf32, #tpu.memory_space<hbm>> -> memref<640x64xf32, #tpu.memory_space<hbm>>
        %dma_wait3A_40 = arith.constant 0 : i32
        %dma_wait3A_41 = tpu.memref_slice %arg17[%mul3A_0, %dma_wait3A_40] : memref<10240x64xf32, #tpu.memory_space<vmem_shared>> -> memref<640x64xf32, #tpu.memory_space<vmem_shared>>
        tpu.wait_dma2 semaphore(%run_scoped3A : memref<!tpu.dma_semaphore, #tpu.memory_space<semaphore_mem>>) src(%dma_wait3A_41 : memref<640x64xf32, #tpu.memory_space<vmem_shared>>) dst(%dma_wait3A_39 : memref<640x64xf32, #tpu.memory_space<hbm>>)
        tpu.yield
      }) : () -> ()
    } else {
    }
    return
  }
}

#map = affine_map<(d0, d1) -> (0, 0)>
module attributes {stable_mosaic.version = 14 : i64} {
  func.func @_agg_kernel_body(%arg0: i32, %arg1: i32, %arg2: memref<10240x128xf32, #tpu.memory_space<hbm>>, %arg3: memref<1280x256xi32, #tpu.memory_space<hbm>>, %arg4: memref<1280x256xi32, #tpu.memory_space<hbm>>, %arg5: memref<10240x128xf32, #tpu.memory_space<hbm>>, %arg6: memref<256xi32, #tpu.memory_space<vmem>>, %arg7: memref<256xi32, #tpu.memory_space<vmem>>, %arg8: memref<256xi32, #tpu.memory_space<vmem>>, %arg9: memref<256xi32, #tpu.memory_space<vmem>>, %arg10: memref<256x64xf32, #tpu.memory_space<vmem>>, %arg11: memref<256x64xf32, #tpu.memory_space<vmem>>, %arg12: memref<!tpu.dma_semaphore, #tpu.memory_space<semaphore_mem>>, %arg13: memref<!tpu.dma_semaphore, #tpu.memory_space<semaphore_mem>>, %arg14: memref<!tpu.dma_semaphore, #tpu.memory_space<semaphore_mem>>, %arg15: memref<!tpu.dma_semaphore, #tpu.memory_space<semaphore_mem>>, %arg16: memref<10240x64xf32, #tpu.memory_space<vmem_shared>>, %arg17: memref<10240x64xf32, #tpu.memory_space<vmem_shared>>) attributes {dimension_semantics = [#tpu.dimension_semantics<core_parallel>, #tpu.dimension_semantics<subcore_parallel>], iteration_bounds = array<i64: 2, 16>, scalar_prefetch = 0 : i64, scratch_operands = 12 : i64, tpu.core_type = #tpu.core_type<sc_vector_subcore>, window_params = [{transform_indices = #map}, {transform_indices = #map}, {transform_indices = #map}, {transform_indices = #map}]} {
    %mul3A = arith.constant 640 : i32
    %mul3A_0 = arith.muli %arg1, %mul3A : i32
    %eq3A = arith.constant 0 : i32
    %eq3A_1 = arith.cmpi eq, %arg0, %eq3A : i32
    %convert_element_type3A = arith.extui %eq3A_1 : i1 to i32
    %cond3A = arith.constant 0 : i32
    %cond3A_2 = arith.cmpi ne, %convert_element_type3A, %cond3A : i32
    scf.if %cond3A_2 {
      "tpu.region"() ({
        %run_scoped3A = tpu.sem_alloc : memref<!tpu.dma_semaphore, #tpu.memory_space<semaphore_mem>>
        %dma_start3A_34 = arith.constant 0 : i32
        %dma_start3A_35 = tpu.memref_slice %arg16[%mul3A_0, %dma_start3A_34] : memref<10240x64xf32, #tpu.memory_space<vmem_shared>> -> memref<640x64xf32, #tpu.memory_space<vmem_shared>>
        %dma_start3A_36 = arith.constant 0 : i32
        %dma_start3A_37 = tpu.memref_slice %arg2[%mul3A_0, %dma_start3A_36] : memref<10240x128xf32, #tpu.memory_space<hbm>> -> memref<640x64xf32, #tpu.memory_space<hbm>>
        tpu.enqueue_dma source(%dma_start3A_37 : memref<640x64xf32, #tpu.memory_space<hbm>>) target(%dma_start3A_35 : memref<640x64xf32, #tpu.memory_space<vmem_shared>>) target_semaphore(%run_scoped3A : memref<!tpu.dma_semaphore, #tpu.memory_space<semaphore_mem>>)
        %dma_wait3A_38 = arith.constant 0 : i32
        %dma_wait3A_39 = tpu.memref_slice %arg16[%mul3A_0, %dma_wait3A_38] : memref<10240x64xf32, #tpu.memory_space<vmem_shared>> -> memref<640x64xf32, #tpu.memory_space<vmem_shared>>
        %dma_wait3A_40 = arith.constant 0 : i32
        %dma_wait3A_41 = tpu.memref_slice %arg2[%mul3A_0, %dma_wait3A_40] : memref<10240x128xf32, #tpu.memory_space<hbm>> -> memref<640x64xf32, #tpu.memory_space<hbm>>
        tpu.wait_dma2 semaphore(%run_scoped3A : memref<!tpu.dma_semaphore, #tpu.memory_space<semaphore_mem>>) src(%dma_wait3A_41 : memref<640x64xf32, #tpu.memory_space<hbm>>) dst(%dma_wait3A_39 : memref<640x64xf32, #tpu.memory_space<vmem_shared>>)
        tpu.yield
      }) : () -> ()
      "tpu.region"() ({
        %run_scoped3A = tpu.sem_alloc : memref<!tpu.dma_semaphore, #tpu.memory_space<semaphore_mem>>
        %dma_start3A_34 = arith.constant 0 : i32
        %dma_start3A_35 = tpu.memref_slice %arg17[%mul3A_0, %dma_start3A_34] : memref<10240x64xf32, #tpu.memory_space<vmem_shared>> -> memref<640x64xf32, #tpu.memory_space<vmem_shared>>
        %dma_start3A_36 = arith.constant 0 : i32
        %dma_start3A_37 = tpu.memref_slice %arg2[%mul3A_0, %dma_start3A_36] : memref<10240x128xf32, #tpu.memory_space<hbm>> -> memref<640x64xf32, #tpu.memory_space<hbm>>
        tpu.enqueue_dma source(%dma_start3A_37 : memref<640x64xf32, #tpu.memory_space<hbm>>) target(%dma_start3A_35 : memref<640x64xf32, #tpu.memory_space<vmem_shared>>) target_semaphore(%run_scoped3A : memref<!tpu.dma_semaphore, #tpu.memory_space<semaphore_mem>>)
        %dma_wait3A_38 = arith.constant 0 : i32
        %dma_wait3A_39 = tpu.memref_slice %arg17[%mul3A_0, %dma_wait3A_38] : memref<10240x64xf32, #tpu.memory_space<vmem_shared>> -> memref<640x64xf32, #tpu.memory_space<vmem_shared>>
        %dma_wait3A_40 = arith.constant 0 : i32
        %dma_wait3A_41 = tpu.memref_slice %arg2[%mul3A_0, %dma_wait3A_40] : memref<10240x128xf32, #tpu.memory_space<hbm>> -> memref<640x64xf32, #tpu.memory_space<hbm>>
        tpu.wait_dma2 semaphore(%run_scoped3A : memref<!tpu.dma_semaphore, #tpu.memory_space<semaphore_mem>>) src(%dma_wait3A_41 : memref<640x64xf32, #tpu.memory_space<hbm>>) dst(%dma_wait3A_39 : memref<640x64xf32, #tpu.memory_space<vmem_shared>>)
        tpu.yield
      }) : () -> ()
    } else {
    }
    %eq3A_3 = arith.constant 1 : i32
    %eq3A_4 = arith.cmpi eq, %arg0, %eq3A_3 : i32
    %convert_element_type3A_5 = arith.extui %eq3A_4 : i1 to i32
    %cond3A_6 = arith.constant 0 : i32
    %cond3A_7 = arith.cmpi ne, %convert_element_type3A_5, %cond3A_6 : i32
    scf.if %cond3A_7 {
      "tpu.region"() ({
        %run_scoped3A = tpu.sem_alloc : memref<!tpu.dma_semaphore, #tpu.memory_space<semaphore_mem>>
        %dma_start3A_34 = arith.constant 0 : i32
        %dma_start3A_35 = tpu.memref_slice %arg16[%mul3A_0, %dma_start3A_34] : memref<10240x64xf32, #tpu.memory_space<vmem_shared>> -> memref<640x64xf32, #tpu.memory_space<vmem_shared>>
        %dma_start3A_36 = arith.constant 64 : i32
        %dma_start3A_37 = tpu.memref_slice %arg2[%mul3A_0, %dma_start3A_36] : memref<10240x128xf32, #tpu.memory_space<hbm>> -> memref<640x64xf32, #tpu.memory_space<hbm>>
        tpu.enqueue_dma source(%dma_start3A_37 : memref<640x64xf32, #tpu.memory_space<hbm>>) target(%dma_start3A_35 : memref<640x64xf32, #tpu.memory_space<vmem_shared>>) target_semaphore(%run_scoped3A : memref<!tpu.dma_semaphore, #tpu.memory_space<semaphore_mem>>)
        %dma_wait3A_38 = arith.constant 0 : i32
        %dma_wait3A_39 = tpu.memref_slice %arg16[%mul3A_0, %dma_wait3A_38] : memref<10240x64xf32, #tpu.memory_space<vmem_shared>> -> memref<640x64xf32, #tpu.memory_space<vmem_shared>>
        %dma_wait3A_40 = arith.constant 64 : i32
        %dma_wait3A_41 = tpu.memref_slice %arg2[%mul3A_0, %dma_wait3A_40] : memref<10240x128xf32, #tpu.memory_space<hbm>> -> memref<640x64xf32, #tpu.memory_space<hbm>>
        tpu.wait_dma2 semaphore(%run_scoped3A : memref<!tpu.dma_semaphore, #tpu.memory_space<semaphore_mem>>) src(%dma_wait3A_41 : memref<640x64xf32, #tpu.memory_space<hbm>>) dst(%dma_wait3A_39 : memref<640x64xf32, #tpu.memory_space<vmem_shared>>)
        tpu.yield
      }) : () -> ()
      "tpu.region"() ({
        %run_scoped3A = tpu.sem_alloc : memref<!tpu.dma_semaphore, #tpu.memory_space<semaphore_mem>>
        %dma_start3A_34 = arith.constant 0 : i32
        %dma_start3A_35 = tpu.memref_slice %arg17[%mul3A_0, %dma_start3A_34] : memref<10240x64xf32, #tpu.memory_space<vmem_shared>> -> memref<640x64xf32, #tpu.memory_space<vmem_shared>>
        %dma_start3A_36 = arith.constant 64 : i32
        %dma_start3A_37 = tpu.memref_slice %arg2[%mul3A_0, %dma_start3A_36] : memref<10240x128xf32, #tpu.memory_space<hbm>> -> memref<640x64xf32, #tpu.memory_space<hbm>>
        tpu.enqueue_dma source(%dma_start3A_37 : memref<640x64xf32, #tpu.memory_space<hbm>>) target(%dma_start3A_35 : memref<640x64xf32, #tpu.memory_space<vmem_shared>>) target_semaphore(%run_scoped3A : memref<!tpu.dma_semaphore, #tpu.memory_space<semaphore_mem>>)
        %dma_wait3A_38 = arith.constant 0 : i32
        %dma_wait3A_39 = tpu.memref_slice %arg17[%mul3A_0, %dma_wait3A_38] : memref<10240x64xf32, #tpu.memory_space<vmem_shared>> -> memref<640x64xf32, #tpu.memory_space<vmem_shared>>
        %dma_wait3A_40 = arith.constant 64 : i32
        %dma_wait3A_41 = tpu.memref_slice %arg2[%mul3A_0, %dma_wait3A_40] : memref<10240x128xf32, #tpu.memory_space<hbm>> -> memref<640x64xf32, #tpu.memory_space<hbm>>
        tpu.wait_dma2 semaphore(%run_scoped3A : memref<!tpu.dma_semaphore, #tpu.memory_space<semaphore_mem>>) src(%dma_wait3A_41 : memref<640x64xf32, #tpu.memory_space<hbm>>) dst(%dma_wait3A_39 : memref<640x64xf32, #tpu.memory_space<vmem_shared>>)
        tpu.yield
      }) : () -> ()
    } else {
    }
    %mul3A_8 = arith.constant 80 : i32
    %mul3A_9 = arith.muli %arg1, %mul3A_8 : i32
    %barrier3A = arith.constant 0 : index
    tpu.barrier barrier_id(%barrier3A)
    %add3A = arith.constant 0 : i32
    %add3A_10 = arith.addi %mul3A_9, %add3A : i32
    "tpu.region"() ({
      %run_scoped3A = tpu.sem_alloc : memref<!tpu.dma_semaphore, #tpu.memory_space<semaphore_mem>>
      %dma_start3A_34 = arith.constant 0 : i32
      %dma_start3A_35 = tpu.memref_slice %arg3[%add3A_10, %dma_start3A_34] : memref<1280x256xi32, #tpu.memory_space<hbm>> -> memref<1x256xi32, #tpu.memory_space<hbm>>
      %dma_start3A_36 = tpu.memref_squeeze %dma_start3A_35 : memref<1x256xi32, #tpu.memory_space<hbm>> -> memref<256xi32, #tpu.memory_space<hbm>>
      %dma_start3A_37 = arith.constant 0 : i32
      %dma_start3A_38 = tpu.memref_slice %arg3[%add3A_10, %dma_start3A_37] : memref<1280x256xi32, #tpu.memory_space<hbm>> -> memref<1x256xi32, #tpu.memory_space<hbm>>
      %dma_start3A_39 = tpu.memref_squeeze %dma_start3A_38 : memref<1x256xi32, #tpu.memory_space<hbm>> -> memref<256xi32, #tpu.memory_space<hbm>>
      tpu.enqueue_dma source(%dma_start3A_39 : memref<256xi32, #tpu.memory_space<hbm>>) target(%arg6 : memref<256xi32, #tpu.memory_space<vmem>>) target_semaphore(%run_scoped3A : memref<!tpu.dma_semaphore, #tpu.memory_space<semaphore_mem>>)
      %dma_wait3A_40 = arith.constant 0 : i32
      %dma_wait3A_41 = tpu.memref_slice %arg3[%add3A_10, %dma_wait3A_40] : memref<1280x256xi32, #tpu.memory_space<hbm>> -> memref<1x256xi32, #tpu.memory_space<hbm>>
      %dma_wait3A_42 = tpu.memref_squeeze %dma_wait3A_41 : memref<1x256xi32, #tpu.memory_space<hbm>> -> memref<256xi32, #tpu.memory_space<hbm>>
      %dma_wait3A_43 = arith.constant 0 : i32
      %dma_wait3A_44 = tpu.memref_slice %arg3[%add3A_10, %dma_wait3A_43] : memref<1280x256xi32, #tpu.memory_space<hbm>> -> memref<1x256xi32, #tpu.memory_space<hbm>>
      %dma_wait3A_45 = tpu.memref_squeeze %dma_wait3A_44 : memref<1x256xi32, #tpu.memory_space<hbm>> -> memref<256xi32, #tpu.memory_space<hbm>>
      tpu.wait_dma2 semaphore(%run_scoped3A : memref<!tpu.dma_semaphore, #tpu.memory_space<semaphore_mem>>) src(%dma_wait3A_45 : memref<256xi32, #tpu.memory_space<hbm>>) dst(%arg6 : memref<256xi32, #tpu.memory_space<vmem>>)
      tpu.yield
    }) : () -> ()
    %add3A_11 = arith.constant 0 : i32
    %add3A_12 = arith.addi %mul3A_9, %add3A_11 : i32
    "tpu.region"() ({
      %run_scoped3A = tpu.sem_alloc : memref<!tpu.dma_semaphore, #tpu.memory_space<semaphore_mem>>
      %dma_start3A_34 = arith.constant 0 : i32
      %dma_start3A_35 = tpu.memref_slice %arg4[%add3A_12, %dma_start3A_34] : memref<1280x256xi32, #tpu.memory_space<hbm>> -> memref<1x256xi32, #tpu.memory_space<hbm>>
      %dma_start3A_36 = tpu.memref_squeeze %dma_start3A_35 : memref<1x256xi32, #tpu.memory_space<hbm>> -> memref<256xi32, #tpu.memory_space<hbm>>
      %dma_start3A_37 = arith.constant 0 : i32
      %dma_start3A_38 = tpu.memref_slice %arg4[%add3A_12, %dma_start3A_37] : memref<1280x256xi32, #tpu.memory_space<hbm>> -> memref<1x256xi32, #tpu.memory_space<hbm>>
      %dma_start3A_39 = tpu.memref_squeeze %dma_start3A_38 : memref<1x256xi32, #tpu.memory_space<hbm>> -> memref<256xi32, #tpu.memory_space<hbm>>
      tpu.enqueue_dma source(%dma_start3A_39 : memref<256xi32, #tpu.memory_space<hbm>>) target(%arg8 : memref<256xi32, #tpu.memory_space<vmem>>) target_semaphore(%run_scoped3A : memref<!tpu.dma_semaphore, #tpu.memory_space<semaphore_mem>>)
      %dma_wait3A_40 = arith.constant 0 : i32
      %dma_wait3A_41 = tpu.memref_slice %arg4[%add3A_12, %dma_wait3A_40] : memref<1280x256xi32, #tpu.memory_space<hbm>> -> memref<1x256xi32, #tpu.memory_space<hbm>>
      %dma_wait3A_42 = tpu.memref_squeeze %dma_wait3A_41 : memref<1x256xi32, #tpu.memory_space<hbm>> -> memref<256xi32, #tpu.memory_space<hbm>>
      %dma_wait3A_43 = arith.constant 0 : i32
      %dma_wait3A_44 = tpu.memref_slice %arg4[%add3A_12, %dma_wait3A_43] : memref<1280x256xi32, #tpu.memory_space<hbm>> -> memref<1x256xi32, #tpu.memory_space<hbm>>
      %dma_wait3A_45 = tpu.memref_squeeze %dma_wait3A_44 : memref<1x256xi32, #tpu.memory_space<hbm>> -> memref<256xi32, #tpu.memory_space<hbm>>
      tpu.wait_dma2 semaphore(%run_scoped3A : memref<!tpu.dma_semaphore, #tpu.memory_space<semaphore_mem>>) src(%dma_wait3A_45 : memref<256xi32, #tpu.memory_space<hbm>>) dst(%arg8 : memref<256xi32, #tpu.memory_space<vmem>>)
      tpu.yield
    }) : () -> ()
    %dma_start3A = arith.constant 0 : i32
    %dma_start3A_13 = arith.constant 0 : i32
    %dma_start3A_14 = tpu.memref_slice %arg16[%dma_start3A, %dma_start3A_13] : memref<10240x64xf32, #tpu.memory_space<vmem_shared>> -> memref<10240x64xf32, #tpu.memory_space<vmem_shared>>
    tpu.enqueue_indirect_dma source(%dma_start3A_14 : memref<10240x64xf32, #tpu.memory_space<vmem_shared>>) target(%arg10 : memref<256x64xf32, #tpu.memory_space<vmem>>) offsets(%arg6 : memref<256xi32, #tpu.memory_space<vmem>>) semaphore(%arg12 : memref<!tpu.dma_semaphore, #tpu.memory_space<semaphore_mem>>)
    %scan3A = arith.constant 0 : i32
    %scan3A_15 = arith.constant 0 : i32
    %scan3A_16 = arith.constant 40 : i32
    %scan3A_17 = arith.addi %scan3A_15, %scan3A_16 : i32
    %scan3A_18 = arith.constant 1 : i32
    %scan3A_19 = scf.for %scan3A_34 = %scan3A_15 to %scan3A_17 step %scan3A_18 iter_args(%scan3A_35 = %scan3A) -> (i32)  : i32 {
      %mul3A_36 = arith.constant 2 : i32
      %mul3A_37 = arith.muli %mul3A_36, %scan3A_34 : i32
      %gt3A = arith.constant 0 : i32
      %gt3A_38 = arith.cmpi sgt, %scan3A_34, %gt3A : i32
      %convert_element_type3A_39 = arith.extui %gt3A_38 : i1 to i32
      %cond3A_40 = arith.constant 0 : i32
      %cond3A_41 = arith.cmpi ne, %convert_element_type3A_39, %cond3A_40 : i32
      scf.if %cond3A_41 {
        %sub3A = arith.constant 1 : i32
        %sub3A_73 = arith.subi %mul3A_37, %sub3A : i32
        %dma_wait3A_74 = arith.constant 0 : i32
        %dma_wait3A_75 = arith.constant 0 : i32
        %dma_wait3A_76 = tpu.memref_slice %arg17[%dma_wait3A_74, %dma_wait3A_75] : memref<10240x64xf32, #tpu.memory_space<vmem_shared>> -> memref<10240x64xf32, #tpu.memory_space<vmem_shared>>
        tpu.wait_indirect_dma semaphore(%arg15 : memref<!tpu.dma_semaphore, #tpu.memory_space<semaphore_mem>>) src(%arg11 : memref<256x64xf32, #tpu.memory_space<vmem>>) dst(%dma_wait3A_76 : memref<10240x64xf32, #tpu.memory_space<vmem_shared>>)
      } else {
      }
      %dma_wait3A_42 = arith.constant 0 : i32
      %dma_wait3A_43 = arith.constant 0 : i32
      %dma_wait3A_44 = tpu.memref_slice %arg16[%dma_wait3A_42, %dma_wait3A_43] : memref<10240x64xf32, #tpu.memory_space<vmem_shared>> -> memref<10240x64xf32, #tpu.memory_space<vmem_shared>>
      tpu.wait_indirect_dma semaphore(%arg12 : memref<!tpu.dma_semaphore, #tpu.memory_space<semaphore_mem>>) src(%dma_wait3A_44 : memref<10240x64xf32, #tpu.memory_space<vmem_shared>>) dst(%arg10 : memref<256x64xf32, #tpu.memory_space<vmem>>)
      %add3A_45 = arith.constant 1 : i32
      %add3A_46 = arith.addi %mul3A_37, %add3A_45 : i32
      %add3A_47 = arith.addi %mul3A_9, %add3A_46 : i32
      "tpu.region"() ({
        %run_scoped3A = tpu.sem_alloc : memref<!tpu.dma_semaphore, #tpu.memory_space<semaphore_mem>>
        %dma_start3A_73 = arith.constant 0 : i32
        %dma_start3A_74 = tpu.memref_slice %arg3[%add3A_47, %dma_start3A_73] : memref<1280x256xi32, #tpu.memory_space<hbm>> -> memref<1x256xi32, #tpu.memory_space<hbm>>
        %dma_start3A_75 = tpu.memref_squeeze %dma_start3A_74 : memref<1x256xi32, #tpu.memory_space<hbm>> -> memref<256xi32, #tpu.memory_space<hbm>>
        %dma_start3A_76 = arith.constant 0 : i32
        %dma_start3A_77 = tpu.memref_slice %arg3[%add3A_47, %dma_start3A_76] : memref<1280x256xi32, #tpu.memory_space<hbm>> -> memref<1x256xi32, #tpu.memory_space<hbm>>
        %dma_start3A_78 = tpu.memref_squeeze %dma_start3A_77 : memref<1x256xi32, #tpu.memory_space<hbm>> -> memref<256xi32, #tpu.memory_space<hbm>>
        tpu.enqueue_dma source(%dma_start3A_78 : memref<256xi32, #tpu.memory_space<hbm>>) target(%arg7 : memref<256xi32, #tpu.memory_space<vmem>>) target_semaphore(%run_scoped3A : memref<!tpu.dma_semaphore, #tpu.memory_space<semaphore_mem>>)
        %dma_wait3A_79 = arith.constant 0 : i32
        %dma_wait3A_80 = tpu.memref_slice %arg3[%add3A_47, %dma_wait3A_79] : memref<1280x256xi32, #tpu.memory_space<hbm>> -> memref<1x256xi32, #tpu.memory_space<hbm>>
        %dma_wait3A_81 = tpu.memref_squeeze %dma_wait3A_80 : memref<1x256xi32, #tpu.memory_space<hbm>> -> memref<256xi32, #tpu.memory_space<hbm>>
        %dma_wait3A_82 = arith.constant 0 : i32
        %dma_wait3A_83 = tpu.memref_slice %arg3[%add3A_47, %dma_wait3A_82] : memref<1280x256xi32, #tpu.memory_space<hbm>> -> memref<1x256xi32, #tpu.memory_space<hbm>>
        %dma_wait3A_84 = tpu.memref_squeeze %dma_wait3A_83 : memref<1x256xi32, #tpu.memory_space<hbm>> -> memref<256xi32, #tpu.memory_space<hbm>>
        tpu.wait_dma2 semaphore(%run_scoped3A : memref<!tpu.dma_semaphore, #tpu.memory_space<semaphore_mem>>) src(%dma_wait3A_84 : memref<256xi32, #tpu.memory_space<hbm>>) dst(%arg7 : memref<256xi32, #tpu.memory_space<vmem>>)
        tpu.yield
      }) : () -> ()
      %add3A_48 = arith.addi %mul3A_9, %add3A_46 : i32
      "tpu.region"() ({
        %run_scoped3A = tpu.sem_alloc : memref<!tpu.dma_semaphore, #tpu.memory_space<semaphore_mem>>
        %dma_start3A_73 = arith.constant 0 : i32
        %dma_start3A_74 = tpu.memref_slice %arg4[%add3A_48, %dma_start3A_73] : memref<1280x256xi32, #tpu.memory_space<hbm>> -> memref<1x256xi32, #tpu.memory_space<hbm>>
        %dma_start3A_75 = tpu.memref_squeeze %dma_start3A_74 : memref<1x256xi32, #tpu.memory_space<hbm>> -> memref<256xi32, #tpu.memory_space<hbm>>
        %dma_start3A_76 = arith.constant 0 : i32
        %dma_start3A_77 = tpu.memref_slice %arg4[%add3A_48, %dma_start3A_76] : memref<1280x256xi32, #tpu.memory_space<hbm>> -> memref<1x256xi32, #tpu.memory_space<hbm>>
        %dma_start3A_78 = tpu.memref_squeeze %dma_start3A_77 : memref<1x256xi32, #tpu.memory_space<hbm>> -> memref<256xi32, #tpu.memory_space<hbm>>
        tpu.enqueue_dma source(%dma_start3A_78 : memref<256xi32, #tpu.memory_space<hbm>>) target(%arg9 : memref<256xi32, #tpu.memory_space<vmem>>) target_semaphore(%run_scoped3A : memref<!tpu.dma_semaphore, #tpu.memory_space<semaphore_mem>>)
        %dma_wait3A_79 = arith.constant 0 : i32
        %dma_wait3A_80 = tpu.memref_slice %arg4[%add3A_48, %dma_wait3A_79] : memref<1280x256xi32, #tpu.memory_space<hbm>> -> memref<1x256xi32, #tpu.memory_space<hbm>>
        %dma_wait3A_81 = tpu.memref_squeeze %dma_wait3A_80 : memref<1x256xi32, #tpu.memory_space<hbm>> -> memref<256xi32, #tpu.memory_space<hbm>>
        %dma_wait3A_82 = arith.constant 0 : i32
        %dma_wait3A_83 = tpu.memref_slice %arg4[%add3A_48, %dma_wait3A_82] : memref<1280x256xi32, #tpu.memory_space<hbm>> -> memref<1x256xi32, #tpu.memory_space<hbm>>
        %dma_wait3A_84 = tpu.memref_squeeze %dma_wait3A_83 : memref<1x256xi32, #tpu.memory_space<hbm>> -> memref<256xi32, #tpu.memory_space<hbm>>
        tpu.wait_dma2 semaphore(%run_scoped3A : memref<!tpu.dma_semaphore, #tpu.memory_space<semaphore_mem>>) src(%dma_wait3A_84 : memref<256xi32, #tpu.memory_space<hbm>>) dst(%arg9 : memref<256xi32, #tpu.memory_space<vmem>>)
        tpu.yield
      }) : () -> ()
      %dma_start3A_49 = arith.constant 0 : i32
      %dma_start3A_50 = arith.constant 0 : i32
      %dma_start3A_51 = tpu.memref_slice %arg16[%dma_start3A_49, %dma_start3A_50] : memref<10240x64xf32, #tpu.memory_space<vmem_shared>> -> memref<10240x64xf32, #tpu.memory_space<vmem_shared>>
      tpu.enqueue_indirect_dma source(%dma_start3A_51 : memref<10240x64xf32, #tpu.memory_space<vmem_shared>>) target(%arg11 : memref<256x64xf32, #tpu.memory_space<vmem>>) offsets(%arg7 : memref<256xi32, #tpu.memory_space<vmem>>) semaphore(%arg13 : memref<!tpu.dma_semaphore, #tpu.memory_space<semaphore_mem>>)
      %dma_start3A_52 = arith.constant 0 : i32
      %dma_start3A_53 = arith.constant 0 : i32
      %dma_start3A_54 = tpu.memref_slice %arg17[%dma_start3A_52, %dma_start3A_53] : memref<10240x64xf32, #tpu.memory_space<vmem_shared>> -> memref<10240x64xf32, #tpu.memory_space<vmem_shared>>
      tpu.enqueue_indirect_dma source(%arg10 : memref<256x64xf32, #tpu.memory_space<vmem>>) target(%dma_start3A_54 : memref<10240x64xf32, #tpu.memory_space<vmem_shared>>) offsets(%arg8 : memref<256xi32, #tpu.memory_space<vmem>>) semaphore(%arg14 : memref<!tpu.dma_semaphore, #tpu.memory_space<semaphore_mem>>) {add = true}
      %add3A_55 = arith.constant 1 : i32
      %add3A_56 = arith.addi %mul3A_37, %add3A_55 : i32
      %dma_wait3A_57 = arith.constant 0 : i32
      %dma_wait3A_58 = arith.constant 0 : i32
      %dma_wait3A_59 = tpu.memref_slice %arg16[%dma_wait3A_57, %dma_wait3A_58] : memref<10240x64xf32, #tpu.memory_space<vmem_shared>> -> memref<10240x64xf32, #tpu.memory_space<vmem_shared>>
      tpu.wait_indirect_dma semaphore(%arg13 : memref<!tpu.dma_semaphore, #tpu.memory_space<semaphore_mem>>) src(%dma_wait3A_59 : memref<10240x64xf32, #tpu.memory_space<vmem_shared>>) dst(%arg11 : memref<256x64xf32, #tpu.memory_space<vmem>>)
      %dma_wait3A_60 = arith.constant 0 : i32
      %dma_wait3A_61 = arith.constant 0 : i32
      %dma_wait3A_62 = tpu.memref_slice %arg17[%dma_wait3A_60, %dma_wait3A_61] : memref<10240x64xf32, #tpu.memory_space<vmem_shared>> -> memref<10240x64xf32, #tpu.memory_space<vmem_shared>>
      tpu.wait_indirect_dma semaphore(%arg14 : memref<!tpu.dma_semaphore, #tpu.memory_space<semaphore_mem>>) src(%arg10 : memref<256x64xf32, #tpu.memory_space<vmem>>) dst(%dma_wait3A_62 : memref<10240x64xf32, #tpu.memory_space<vmem_shared>>)
      %lt3A = arith.constant 39 : i32
      %lt3A_63 = arith.cmpi slt, %scan3A_34, %lt3A : i32
      %convert_element_type3A_64 = arith.extui %lt3A_63 : i1 to i32
      %cond3A_65 = arith.constant 0 : i32
      %cond3A_66 = arith.cmpi ne, %convert_element_type3A_64, %cond3A_65 : i32
      scf.if %cond3A_66 {
        %add3A_73 = arith.constant 2 : i32
        %add3A_74 = arith.addi %mul3A_37, %add3A_73 : i32
        %add3A_75 = arith.addi %mul3A_9, %add3A_74 : i32
        "tpu.region"() ({
          %run_scoped3A = tpu.sem_alloc : memref<!tpu.dma_semaphore, #tpu.memory_space<semaphore_mem>>
          %dma_start3A_80 = arith.constant 0 : i32
          %dma_start3A_81 = tpu.memref_slice %arg3[%add3A_75, %dma_start3A_80] : memref<1280x256xi32, #tpu.memory_space<hbm>> -> memref<1x256xi32, #tpu.memory_space<hbm>>
          %dma_start3A_82 = tpu.memref_squeeze %dma_start3A_81 : memref<1x256xi32, #tpu.memory_space<hbm>> -> memref<256xi32, #tpu.memory_space<hbm>>
          %dma_start3A_83 = arith.constant 0 : i32
          %dma_start3A_84 = tpu.memref_slice %arg3[%add3A_75, %dma_start3A_83] : memref<1280x256xi32, #tpu.memory_space<hbm>> -> memref<1x256xi32, #tpu.memory_space<hbm>>
          %dma_start3A_85 = tpu.memref_squeeze %dma_start3A_84 : memref<1x256xi32, #tpu.memory_space<hbm>> -> memref<256xi32, #tpu.memory_space<hbm>>
          tpu.enqueue_dma source(%dma_start3A_85 : memref<256xi32, #tpu.memory_space<hbm>>) target(%arg6 : memref<256xi32, #tpu.memory_space<vmem>>) target_semaphore(%run_scoped3A : memref<!tpu.dma_semaphore, #tpu.memory_space<semaphore_mem>>)
          %dma_wait3A_86 = arith.constant 0 : i32
          %dma_wait3A_87 = tpu.memref_slice %arg3[%add3A_75, %dma_wait3A_86] : memref<1280x256xi32, #tpu.memory_space<hbm>> -> memref<1x256xi32, #tpu.memory_space<hbm>>
          %dma_wait3A_88 = tpu.memref_squeeze %dma_wait3A_87 : memref<1x256xi32, #tpu.memory_space<hbm>> -> memref<256xi32, #tpu.memory_space<hbm>>
          %dma_wait3A_89 = arith.constant 0 : i32
          %dma_wait3A_90 = tpu.memref_slice %arg3[%add3A_75, %dma_wait3A_89] : memref<1280x256xi32, #tpu.memory_space<hbm>> -> memref<1x256xi32, #tpu.memory_space<hbm>>
          %dma_wait3A_91 = tpu.memref_squeeze %dma_wait3A_90 : memref<1x256xi32, #tpu.memory_space<hbm>> -> memref<256xi32, #tpu.memory_space<hbm>>
          tpu.wait_dma2 semaphore(%run_scoped3A : memref<!tpu.dma_semaphore, #tpu.memory_space<semaphore_mem>>) src(%dma_wait3A_91 : memref<256xi32, #tpu.memory_space<hbm>>) dst(%arg6 : memref<256xi32, #tpu.memory_space<vmem>>)
          tpu.yield
        }) : () -> ()
        %add3A_76 = arith.addi %mul3A_9, %add3A_74 : i32
        "tpu.region"() ({
          %run_scoped3A = tpu.sem_alloc : memref<!tpu.dma_semaphore, #tpu.memory_space<semaphore_mem>>
          %dma_start3A_80 = arith.constant 0 : i32
          %dma_start3A_81 = tpu.memref_slice %arg4[%add3A_76, %dma_start3A_80] : memref<1280x256xi32, #tpu.memory_space<hbm>> -> memref<1x256xi32, #tpu.memory_space<hbm>>
          %dma_start3A_82 = tpu.memref_squeeze %dma_start3A_81 : memref<1x256xi32, #tpu.memory_space<hbm>> -> memref<256xi32, #tpu.memory_space<hbm>>
          %dma_start3A_83 = arith.constant 0 : i32
          %dma_start3A_84 = tpu.memref_slice %arg4[%add3A_76, %dma_start3A_83] : memref<1280x256xi32, #tpu.memory_space<hbm>> -> memref<1x256xi32, #tpu.memory_space<hbm>>
          %dma_start3A_85 = tpu.memref_squeeze %dma_start3A_84 : memref<1x256xi32, #tpu.memory_space<hbm>> -> memref<256xi32, #tpu.memory_space<hbm>>
          tpu.enqueue_dma source(%dma_start3A_85 : memref<256xi32, #tpu.memory_space<hbm>>) target(%arg8 : memref<256xi32, #tpu.memory_space<vmem>>) target_semaphore(%run_scoped3A : memref<!tpu.dma_semaphore, #tpu.memory_space<semaphore_mem>>)
          %dma_wait3A_86 = arith.constant 0 : i32
          %dma_wait3A_87 = tpu.memref_slice %arg4[%add3A_76, %dma_wait3A_86] : memref<1280x256xi32, #tpu.memory_space<hbm>> -> memref<1x256xi32, #tpu.memory_space<hbm>>
          %dma_wait3A_88 = tpu.memref_squeeze %dma_wait3A_87 : memref<1x256xi32, #tpu.memory_space<hbm>> -> memref<256xi32, #tpu.memory_space<hbm>>
          %dma_wait3A_89 = arith.constant 0 : i32
          %dma_wait3A_90 = tpu.memref_slice %arg4[%add3A_76, %dma_wait3A_89] : memref<1280x256xi32, #tpu.memory_space<hbm>> -> memref<1x256xi32, #tpu.memory_space<hbm>>
          %dma_wait3A_91 = tpu.memref_squeeze %dma_wait3A_90 : memref<1x256xi32, #tpu.memory_space<hbm>> -> memref<256xi32, #tpu.memory_space<hbm>>
          tpu.wait_dma2 semaphore(%run_scoped3A : memref<!tpu.dma_semaphore, #tpu.memory_space<semaphore_mem>>) src(%dma_wait3A_91 : memref<256xi32, #tpu.memory_space<hbm>>) dst(%arg8 : memref<256xi32, #tpu.memory_space<vmem>>)
          tpu.yield
        }) : () -> ()
        %dma_start3A_77 = arith.constant 0 : i32
        %dma_start3A_78 = arith.constant 0 : i32
        %dma_start3A_79 = tpu.memref_slice %arg16[%dma_start3A_77, %dma_start3A_78] : memref<10240x64xf32, #tpu.memory_space<vmem_shared>> -> memref<10240x64xf32, #tpu.memory_space<vmem_shared>>
        tpu.enqueue_indirect_dma source(%dma_start3A_79 : memref<10240x64xf32, #tpu.memory_space<vmem_shared>>) target(%arg10 : memref<256x64xf32, #tpu.memory_space<vmem>>) offsets(%arg6 : memref<256xi32, #tpu.memory_space<vmem>>) semaphore(%arg12 : memref<!tpu.dma_semaphore, #tpu.memory_space<semaphore_mem>>)
      } else {
      }
      %add3A_67 = arith.constant 1 : i32
      %add3A_68 = arith.addi %mul3A_37, %add3A_67 : i32
      %dma_start3A_69 = arith.constant 0 : i32
      %dma_start3A_70 = arith.constant 0 : i32
      %dma_start3A_71 = tpu.memref_slice %arg17[%dma_start3A_69, %dma_start3A_70] : memref<10240x64xf32, #tpu.memory_space<vmem_shared>> -> memref<10240x64xf32, #tpu.memory_space<vmem_shared>>
      tpu.enqueue_indirect_dma source(%arg11 : memref<256x64xf32, #tpu.memory_space<vmem>>) target(%dma_start3A_71 : memref<10240x64xf32, #tpu.memory_space<vmem_shared>>) offsets(%arg9 : memref<256xi32, #tpu.memory_space<vmem>>) semaphore(%arg15 : memref<!tpu.dma_semaphore, #tpu.memory_space<semaphore_mem>>) {add = true}
      %scan3A_72 = arith.constant 0 : i32
      scf.yield %scan3A_72 : i32
    }
    %scan3A_20 = arith.constant 40 : i32
    %dma_wait3A = arith.constant 0 : i32
    %dma_wait3A_21 = arith.constant 0 : i32
    %dma_wait3A_22 = tpu.memref_slice %arg17[%dma_wait3A, %dma_wait3A_21] : memref<10240x64xf32, #tpu.memory_space<vmem_shared>> -> memref<10240x64xf32, #tpu.memory_space<vmem_shared>>
    tpu.wait_indirect_dma semaphore(%arg15 : memref<!tpu.dma_semaphore, #tpu.memory_space<semaphore_mem>>) src(%arg11 : memref<256x64xf32, #tpu.memory_space<vmem>>) dst(%dma_wait3A_22 : memref<10240x64xf32, #tpu.memory_space<vmem_shared>>)
    %barrier3A_23 = arith.constant 0 : index
    tpu.barrier barrier_id(%barrier3A_23)
    %eq3A_24 = arith.constant 0 : i32
    %eq3A_25 = arith.cmpi eq, %arg0, %eq3A_24 : i32
    %convert_element_type3A_26 = arith.extui %eq3A_25 : i1 to i32
    %cond3A_27 = arith.constant 0 : i32
    %cond3A_28 = arith.cmpi ne, %convert_element_type3A_26, %cond3A_27 : i32
    scf.if %cond3A_28 {
      "tpu.region"() ({
        %run_scoped3A = tpu.sem_alloc : memref<!tpu.dma_semaphore, #tpu.memory_space<semaphore_mem>>
        %dma_start3A_34 = arith.constant 0 : i32
        %dma_start3A_35 = tpu.memref_slice %arg5[%mul3A_0, %dma_start3A_34] : memref<10240x128xf32, #tpu.memory_space<hbm>> -> memref<640x64xf32, #tpu.memory_space<hbm>>
        %dma_start3A_36 = arith.constant 0 : i32
        %dma_start3A_37 = tpu.memref_slice %arg17[%mul3A_0, %dma_start3A_36] : memref<10240x64xf32, #tpu.memory_space<vmem_shared>> -> memref<640x64xf32, #tpu.memory_space<vmem_shared>>
        tpu.enqueue_dma source(%dma_start3A_37 : memref<640x64xf32, #tpu.memory_space<vmem_shared>>) target(%dma_start3A_35 : memref<640x64xf32, #tpu.memory_space<hbm>>) target_semaphore(%run_scoped3A : memref<!tpu.dma_semaphore, #tpu.memory_space<semaphore_mem>>)
        %dma_wait3A_38 = arith.constant 0 : i32
        %dma_wait3A_39 = tpu.memref_slice %arg5[%mul3A_0, %dma_wait3A_38] : memref<10240x128xf32, #tpu.memory_space<hbm>> -> memref<640x64xf32, #tpu.memory_space<hbm>>
        %dma_wait3A_40 = arith.constant 0 : i32
        %dma_wait3A_41 = tpu.memref_slice %arg17[%mul3A_0, %dma_wait3A_40] : memref<10240x64xf32, #tpu.memory_space<vmem_shared>> -> memref<640x64xf32, #tpu.memory_space<vmem_shared>>
        tpu.wait_dma2 semaphore(%run_scoped3A : memref<!tpu.dma_semaphore, #tpu.memory_space<semaphore_mem>>) src(%dma_wait3A_41 : memref<640x64xf32, #tpu.memory_space<vmem_shared>>) dst(%dma_wait3A_39 : memref<640x64xf32, #tpu.memory_space<hbm>>)
        tpu.yield
      }) : () -> ()
    } else {
    }
    %eq3A_29 = arith.constant 1 : i32
    %eq3A_30 = arith.cmpi eq, %arg0, %eq3A_29 : i32
    %convert_element_type3A_31 = arith.extui %eq3A_30 : i1 to i32
    %cond3A_32 = arith.constant 0 : i32
    %cond3A_33 = arith.cmpi ne, %convert_element_type3A_31, %cond3A_32 : i32
    scf.if %cond3A_33 {
      "tpu.region"() ({
        %run_scoped3A = tpu.sem_alloc : memref<!tpu.dma_semaphore, #tpu.memory_space<semaphore_mem>>
        %dma_start3A_34 = arith.constant 64 : i32
        %dma_start3A_35 = tpu.memref_slice %arg5[%mul3A_0, %dma_start3A_34] : memref<10240x128xf32, #tpu.memory_space<hbm>> -> memref<640x64xf32, #tpu.memory_space<hbm>>
        %dma_start3A_36 = arith.constant 0 : i32
        %dma_start3A_37 = tpu.memref_slice %arg17[%mul3A_0, %dma_start3A_36] : memref<10240x64xf32, #tpu.memory_space<vmem_shared>> -> memref<640x64xf32, #tpu.memory_space<vmem_shared>>
        tpu.enqueue_dma source(%dma_start3A_37 : memref<640x64xf32, #tpu.memory_space<vmem_shared>>) target(%dma_start3A_35 : memref<640x64xf32, #tpu.memory_space<hbm>>) target_semaphore(%run_scoped3A : memref<!tpu.dma_semaphore, #tpu.memory_space<semaphore_mem>>)
        %dma_wait3A_38 = arith.constant 64 : i32
        %dma_wait3A_39 = tpu.memref_slice %arg5[%mul3A_0, %dma_wait3A_38] : memref<10240x128xf32, #tpu.memory_space<hbm>> -> memref<640x64xf32, #tpu.memory_space<hbm>>
        %dma_wait3A_40 = arith.constant 0 : i32
        %dma_wait3A_41 = tpu.memref_slice %arg17[%mul3A_0, %dma_wait3A_40] : memref<10240x64xf32, #tpu.memory_space<vmem_shared>> -> memref<640x64xf32, #tpu.memory_space<vmem_shared>>
        tpu.wait_dma2 semaphore(%run_scoped3A : memref<!tpu.dma_semaphore, #tpu.memory_space<semaphore_mem>>) src(%dma_wait3A_41 : memref<640x64xf32, #tpu.memory_space<vmem_shared>>) dst(%dma_wait3A_39 : memref<640x64xf32, #tpu.memory_space<hbm>>)
        tpu.yield
      }) : () -> ()
    } else {
    }
    return
  }
}

#map = affine_map<(d0, d1) -> (0, 0)>
module attributes {stable_mosaic.version = 14 : i64} {
  func.func @_agg_kernel_body(%arg0: i32, %arg1: i32, %arg2: memref<10240x128xf32, #tpu.memory_space<hbm>>, %arg3: memref<1280x256xi32, #tpu.memory_space<hbm>>, %arg4: memref<1280x256xi32, #tpu.memory_space<hbm>>, %arg5: memref<10240x128xf32, #tpu.memory_space<hbm>>, %arg6: memref<256xi32, #tpu.memory_space<vmem>>, %arg7: memref<256xi32, #tpu.memory_space<vmem>>, %arg8: memref<256xi32, #tpu.memory_space<vmem>>, %arg9: memref<256xi32, #tpu.memory_space<vmem>>, %arg10: memref<256x64xf32, #tpu.memory_space<vmem>>, %arg11: memref<256x64xf32, #tpu.memory_space<vmem>>, %arg12: memref<!tpu.dma_semaphore, #tpu.memory_space<semaphore_mem>>, %arg13: memref<!tpu.dma_semaphore, #tpu.memory_space<semaphore_mem>>, %arg14: memref<!tpu.dma_semaphore, #tpu.memory_space<semaphore_mem>>, %arg15: memref<!tpu.dma_semaphore, #tpu.memory_space<semaphore_mem>>, %arg16: memref<10240x64xf32, #tpu.memory_space<vmem_shared>>, %arg17: memref<10240x64xf32, #tpu.memory_space<vmem_shared>>) attributes {dimension_semantics = [#tpu.dimension_semantics<core_parallel>, #tpu.dimension_semantics<subcore_parallel>], iteration_bounds = array<i64: 2, 16>, scalar_prefetch = 0 : i64, scratch_operands = 12 : i64, tpu.core_type = #tpu.core_type<sc_vector_subcore>, window_params = [{transform_indices = #map}, {transform_indices = #map}, {transform_indices = #map}, {transform_indices = #map}]} {
    %mul3A = arith.constant 640 : i32
    %mul3A_0 = arith.muli %arg1, %mul3A : i32
    %eq3A = arith.constant 0 : i32
    %eq3A_1 = arith.cmpi eq, %arg0, %eq3A : i32
    %convert_element_type3A = arith.extui %eq3A_1 : i1 to i32
    %cond3A = arith.constant 0 : i32
    %cond3A_2 = arith.cmpi ne, %convert_element_type3A, %cond3A : i32
    scf.if %cond3A_2 {
      "tpu.region"() ({
        %run_scoped3A = tpu.sem_alloc : memref<!tpu.dma_semaphore, #tpu.memory_space<semaphore_mem>>
        %dma_start3A_34 = arith.constant 0 : i32
        %dma_start3A_35 = tpu.memref_slice %arg16[%mul3A_0, %dma_start3A_34] : memref<10240x64xf32, #tpu.memory_space<vmem_shared>> -> memref<640x64xf32, #tpu.memory_space<vmem_shared>>
        %dma_start3A_36 = arith.constant 0 : i32
        %dma_start3A_37 = tpu.memref_slice %arg2[%mul3A_0, %dma_start3A_36] : memref<10240x128xf32, #tpu.memory_space<hbm>> -> memref<640x64xf32, #tpu.memory_space<hbm>>
        tpu.enqueue_dma source(%dma_start3A_37 : memref<640x64xf32, #tpu.memory_space<hbm>>) target(%dma_start3A_35 : memref<640x64xf32, #tpu.memory_space<vmem_shared>>) target_semaphore(%run_scoped3A : memref<!tpu.dma_semaphore, #tpu.memory_space<semaphore_mem>>)
        %dma_wait3A_38 = arith.constant 0 : i32
        %dma_wait3A_39 = tpu.memref_slice %arg16[%mul3A_0, %dma_wait3A_38] : memref<10240x64xf32, #tpu.memory_space<vmem_shared>> -> memref<640x64xf32, #tpu.memory_space<vmem_shared>>
        %dma_wait3A_40 = arith.constant 0 : i32
        %dma_wait3A_41 = tpu.memref_slice %arg2[%mul3A_0, %dma_wait3A_40] : memref<10240x128xf32, #tpu.memory_space<hbm>> -> memref<640x64xf32, #tpu.memory_space<hbm>>
        tpu.wait_dma2 semaphore(%run_scoped3A : memref<!tpu.dma_semaphore, #tpu.memory_space<semaphore_mem>>) src(%dma_wait3A_41 : memref<640x64xf32, #tpu.memory_space<hbm>>) dst(%dma_wait3A_39 : memref<640x64xf32, #tpu.memory_space<vmem_shared>>)
        tpu.yield
      }) : () -> ()
      "tpu.region"() ({
        %run_scoped3A = tpu.sem_alloc : memref<!tpu.dma_semaphore, #tpu.memory_space<semaphore_mem>>
        %dma_start3A_34 = arith.constant 0 : i32
        %dma_start3A_35 = tpu.memref_slice %arg17[%mul3A_0, %dma_start3A_34] : memref<10240x64xf32, #tpu.memory_space<vmem_shared>> -> memref<640x64xf32, #tpu.memory_space<vmem_shared>>
        %dma_start3A_36 = arith.constant 0 : i32
        %dma_start3A_37 = tpu.memref_slice %arg2[%mul3A_0, %dma_start3A_36] : memref<10240x128xf32, #tpu.memory_space<hbm>> -> memref<640x64xf32, #tpu.memory_space<hbm>>
        tpu.enqueue_dma source(%dma_start3A_37 : memref<640x64xf32, #tpu.memory_space<hbm>>) target(%dma_start3A_35 : memref<640x64xf32, #tpu.memory_space<vmem_shared>>) target_semaphore(%run_scoped3A : memref<!tpu.dma_semaphore, #tpu.memory_space<semaphore_mem>>)
        %dma_wait3A_38 = arith.constant 0 : i32
        %dma_wait3A_39 = tpu.memref_slice %arg17[%mul3A_0, %dma_wait3A_38] : memref<10240x64xf32, #tpu.memory_space<vmem_shared>> -> memref<640x64xf32, #tpu.memory_space<vmem_shared>>
        %dma_wait3A_40 = arith.constant 0 : i32
        %dma_wait3A_41 = tpu.memref_slice %arg2[%mul3A_0, %dma_wait3A_40] : memref<10240x128xf32, #tpu.memory_space<hbm>> -> memref<640x64xf32, #tpu.memory_space<hbm>>
        tpu.wait_dma2 semaphore(%run_scoped3A : memref<!tpu.dma_semaphore, #tpu.memory_space<semaphore_mem>>) src(%dma_wait3A_41 : memref<640x64xf32, #tpu.memory_space<hbm>>) dst(%dma_wait3A_39 : memref<640x64xf32, #tpu.memory_space<vmem_shared>>)
        tpu.yield
      }) : () -> ()
    } else {
    }
    %eq3A_3 = arith.constant 1 : i32
    %eq3A_4 = arith.cmpi eq, %arg0, %eq3A_3 : i32
    %convert_element_type3A_5 = arith.extui %eq3A_4 : i1 to i32
    %cond3A_6 = arith.constant 0 : i32
    %cond3A_7 = arith.cmpi ne, %convert_element_type3A_5, %cond3A_6 : i32
    scf.if %cond3A_7 {
      "tpu.region"() ({
        %run_scoped3A = tpu.sem_alloc : memref<!tpu.dma_semaphore, #tpu.memory_space<semaphore_mem>>
        %dma_start3A_34 = arith.constant 0 : i32
        %dma_start3A_35 = tpu.memref_slice %arg16[%mul3A_0, %dma_start3A_34] : memref<10240x64xf32, #tpu.memory_space<vmem_shared>> -> memref<640x64xf32, #tpu.memory_space<vmem_shared>>
        %dma_start3A_36 = arith.constant 64 : i32
        %dma_start3A_37 = tpu.memref_slice %arg2[%mul3A_0, %dma_start3A_36] : memref<10240x128xf32, #tpu.memory_space<hbm>> -> memref<640x64xf32, #tpu.memory_space<hbm>>
        tpu.enqueue_dma source(%dma_start3A_37 : memref<640x64xf32, #tpu.memory_space<hbm>>) target(%dma_start3A_35 : memref<640x64xf32, #tpu.memory_space<vmem_shared>>) target_semaphore(%run_scoped3A : memref<!tpu.dma_semaphore, #tpu.memory_space<semaphore_mem>>)
        %dma_wait3A_38 = arith.constant 0 : i32
        %dma_wait3A_39 = tpu.memref_slice %arg16[%mul3A_0, %dma_wait3A_38] : memref<10240x64xf32, #tpu.memory_space<vmem_shared>> -> memref<640x64xf32, #tpu.memory_space<vmem_shared>>
        %dma_wait3A_40 = arith.constant 64 : i32
        %dma_wait3A_41 = tpu.memref_slice %arg2[%mul3A_0, %dma_wait3A_40] : memref<10240x128xf32, #tpu.memory_space<hbm>> -> memref<640x64xf32, #tpu.memory_space<hbm>>
        tpu.wait_dma2 semaphore(%run_scoped3A : memref<!tpu.dma_semaphore, #tpu.memory_space<semaphore_mem>>) src(%dma_wait3A_41 : memref<640x64xf32, #tpu.memory_space<hbm>>) dst(%dma_wait3A_39 : memref<640x64xf32, #tpu.memory_space<vmem_shared>>)
        tpu.yield
      }) : () -> ()
      "tpu.region"() ({
        %run_scoped3A = tpu.sem_alloc : memref<!tpu.dma_semaphore, #tpu.memory_space<semaphore_mem>>
        %dma_start3A_34 = arith.constant 0 : i32
        %dma_start3A_35 = tpu.memref_slice %arg17[%mul3A_0, %dma_start3A_34] : memref<10240x64xf32, #tpu.memory_space<vmem_shared>> -> memref<640x64xf32, #tpu.memory_space<vmem_shared>>
        %dma_start3A_36 = arith.constant 64 : i32
        %dma_start3A_37 = tpu.memref_slice %arg2[%mul3A_0, %dma_start3A_36] : memref<10240x128xf32, #tpu.memory_space<hbm>> -> memref<640x64xf32, #tpu.memory_space<hbm>>
        tpu.enqueue_dma source(%dma_start3A_37 : memref<640x64xf32, #tpu.memory_space<hbm>>) target(%dma_start3A_35 : memref<640x64xf32, #tpu.memory_space<vmem_shared>>) target_semaphore(%run_scoped3A : memref<!tpu.dma_semaphore, #tpu.memory_space<semaphore_mem>>)
        %dma_wait3A_38 = arith.constant 0 : i32
        %dma_wait3A_39 = tpu.memref_slice %arg17[%mul3A_0, %dma_wait3A_38] : memref<10240x64xf32, #tpu.memory_space<vmem_shared>> -> memref<640x64xf32, #tpu.memory_space<vmem_shared>>
        %dma_wait3A_40 = arith.constant 64 : i32
        %dma_wait3A_41 = tpu.memref_slice %arg2[%mul3A_0, %dma_wait3A_40] : memref<10240x128xf32, #tpu.memory_space<hbm>> -> memref<640x64xf32, #tpu.memory_space<hbm>>
        tpu.wait_dma2 semaphore(%run_scoped3A : memref<!tpu.dma_semaphore, #tpu.memory_space<semaphore_mem>>) src(%dma_wait3A_41 : memref<640x64xf32, #tpu.memory_space<hbm>>) dst(%dma_wait3A_39 : memref<640x64xf32, #tpu.memory_space<vmem_shared>>)
        tpu.yield
      }) : () -> ()
    } else {
    }
    %mul3A_8 = arith.constant 80 : i32
    %mul3A_9 = arith.muli %arg1, %mul3A_8 : i32
    %barrier3A = arith.constant 0 : index
    tpu.barrier barrier_id(%barrier3A)
    %add3A = arith.constant 0 : i32
    %add3A_10 = arith.addi %mul3A_9, %add3A : i32
    "tpu.region"() ({
      %run_scoped3A = tpu.sem_alloc : memref<!tpu.dma_semaphore, #tpu.memory_space<semaphore_mem>>
      %dma_start3A_34 = arith.constant 0 : i32
      %dma_start3A_35 = tpu.memref_slice %arg3[%add3A_10, %dma_start3A_34] : memref<1280x256xi32, #tpu.memory_space<hbm>> -> memref<1x256xi32, #tpu.memory_space<hbm>>
      %dma_start3A_36 = tpu.memref_squeeze %dma_start3A_35 : memref<1x256xi32, #tpu.memory_space<hbm>> -> memref<256xi32, #tpu.memory_space<hbm>>
      %dma_start3A_37 = arith.constant 0 : i32
      %dma_start3A_38 = tpu.memref_slice %arg3[%add3A_10, %dma_start3A_37] : memref<1280x256xi32, #tpu.memory_space<hbm>> -> memref<1x256xi32, #tpu.memory_space<hbm>>
      %dma_start3A_39 = tpu.memref_squeeze %dma_start3A_38 : memref<1x256xi32, #tpu.memory_space<hbm>> -> memref<256xi32, #tpu.memory_space<hbm>>
      tpu.enqueue_dma source(%dma_start3A_39 : memref<256xi32, #tpu.memory_space<hbm>>) target(%arg6 : memref<256xi32, #tpu.memory_space<vmem>>) target_semaphore(%run_scoped3A : memref<!tpu.dma_semaphore, #tpu.memory_space<semaphore_mem>>)
      %dma_wait3A_40 = arith.constant 0 : i32
      %dma_wait3A_41 = tpu.memref_slice %arg3[%add3A_10, %dma_wait3A_40] : memref<1280x256xi32, #tpu.memory_space<hbm>> -> memref<1x256xi32, #tpu.memory_space<hbm>>
      %dma_wait3A_42 = tpu.memref_squeeze %dma_wait3A_41 : memref<1x256xi32, #tpu.memory_space<hbm>> -> memref<256xi32, #tpu.memory_space<hbm>>
      %dma_wait3A_43 = arith.constant 0 : i32
      %dma_wait3A_44 = tpu.memref_slice %arg3[%add3A_10, %dma_wait3A_43] : memref<1280x256xi32, #tpu.memory_space<hbm>> -> memref<1x256xi32, #tpu.memory_space<hbm>>
      %dma_wait3A_45 = tpu.memref_squeeze %dma_wait3A_44 : memref<1x256xi32, #tpu.memory_space<hbm>> -> memref<256xi32, #tpu.memory_space<hbm>>
      tpu.wait_dma2 semaphore(%run_scoped3A : memref<!tpu.dma_semaphore, #tpu.memory_space<semaphore_mem>>) src(%dma_wait3A_45 : memref<256xi32, #tpu.memory_space<hbm>>) dst(%arg6 : memref<256xi32, #tpu.memory_space<vmem>>)
      tpu.yield
    }) : () -> ()
    %add3A_11 = arith.constant 0 : i32
    %add3A_12 = arith.addi %mul3A_9, %add3A_11 : i32
    "tpu.region"() ({
      %run_scoped3A = tpu.sem_alloc : memref<!tpu.dma_semaphore, #tpu.memory_space<semaphore_mem>>
      %dma_start3A_34 = arith.constant 0 : i32
      %dma_start3A_35 = tpu.memref_slice %arg4[%add3A_12, %dma_start3A_34] : memref<1280x256xi32, #tpu.memory_space<hbm>> -> memref<1x256xi32, #tpu.memory_space<hbm>>
      %dma_start3A_36 = tpu.memref_squeeze %dma_start3A_35 : memref<1x256xi32, #tpu.memory_space<hbm>> -> memref<256xi32, #tpu.memory_space<hbm>>
      %dma_start3A_37 = arith.constant 0 : i32
      %dma_start3A_38 = tpu.memref_slice %arg4[%add3A_12, %dma_start3A_37] : memref<1280x256xi32, #tpu.memory_space<hbm>> -> memref<1x256xi32, #tpu.memory_space<hbm>>
      %dma_start3A_39 = tpu.memref_squeeze %dma_start3A_38 : memref<1x256xi32, #tpu.memory_space<hbm>> -> memref<256xi32, #tpu.memory_space<hbm>>
      tpu.enqueue_dma source(%dma_start3A_39 : memref<256xi32, #tpu.memory_space<hbm>>) target(%arg8 : memref<256xi32, #tpu.memory_space<vmem>>) target_semaphore(%run_scoped3A : memref<!tpu.dma_semaphore, #tpu.memory_space<semaphore_mem>>)
      %dma_wait3A_40 = arith.constant 0 : i32
      %dma_wait3A_41 = tpu.memref_slice %arg4[%add3A_12, %dma_wait3A_40] : memref<1280x256xi32, #tpu.memory_space<hbm>> -> memref<1x256xi32, #tpu.memory_space<hbm>>
      %dma_wait3A_42 = tpu.memref_squeeze %dma_wait3A_41 : memref<1x256xi32, #tpu.memory_space<hbm>> -> memref<256xi32, #tpu.memory_space<hbm>>
      %dma_wait3A_43 = arith.constant 0 : i32
      %dma_wait3A_44 = tpu.memref_slice %arg4[%add3A_12, %dma_wait3A_43] : memref<1280x256xi32, #tpu.memory_space<hbm>> -> memref<1x256xi32, #tpu.memory_space<hbm>>
      %dma_wait3A_45 = tpu.memref_squeeze %dma_wait3A_44 : memref<1x256xi32, #tpu.memory_space<hbm>> -> memref<256xi32, #tpu.memory_space<hbm>>
      tpu.wait_dma2 semaphore(%run_scoped3A : memref<!tpu.dma_semaphore, #tpu.memory_space<semaphore_mem>>) src(%dma_wait3A_45 : memref<256xi32, #tpu.memory_space<hbm>>) dst(%arg8 : memref<256xi32, #tpu.memory_space<vmem>>)
      tpu.yield
    }) : () -> ()
    %dma_start3A = arith.constant 0 : i32
    %dma_start3A_13 = arith.constant 0 : i32
    %dma_start3A_14 = tpu.memref_slice %arg16[%dma_start3A, %dma_start3A_13] : memref<10240x64xf32, #tpu.memory_space<vmem_shared>> -> memref<10240x64xf32, #tpu.memory_space<vmem_shared>>
    tpu.enqueue_indirect_dma source(%dma_start3A_14 : memref<10240x64xf32, #tpu.memory_space<vmem_shared>>) target(%arg10 : memref<256x64xf32, #tpu.memory_space<vmem>>) offsets(%arg6 : memref<256xi32, #tpu.memory_space<vmem>>) semaphore(%arg12 : memref<!tpu.dma_semaphore, #tpu.memory_space<semaphore_mem>>)
    %scan3A = arith.constant 0 : i32
    %scan3A_15 = arith.constant 0 : i32
    %scan3A_16 = arith.constant 40 : i32
    %scan3A_17 = arith.addi %scan3A_15, %scan3A_16 : i32
    %scan3A_18 = arith.constant 1 : i32
    %scan3A_19 = scf.for %scan3A_34 = %scan3A_15 to %scan3A_17 step %scan3A_18 iter_args(%scan3A_35 = %scan3A) -> (i32)  : i32 {
      %mul3A_36 = arith.constant 2 : i32
      %mul3A_37 = arith.muli %mul3A_36, %scan3A_34 : i32
      %gt3A = arith.constant 0 : i32
      %gt3A_38 = arith.cmpi sgt, %scan3A_34, %gt3A : i32
      %convert_element_type3A_39 = arith.extui %gt3A_38 : i1 to i32
      %cond3A_40 = arith.constant 0 : i32
      %cond3A_41 = arith.cmpi ne, %convert_element_type3A_39, %cond3A_40 : i32
      scf.if %cond3A_41 {
        %sub3A = arith.constant 1 : i32
        %sub3A_73 = arith.subi %mul3A_37, %sub3A : i32
        %dma_wait3A_74 = arith.constant 0 : i32
        %dma_wait3A_75 = arith.constant 0 : i32
        %dma_wait3A_76 = tpu.memref_slice %arg17[%dma_wait3A_74, %dma_wait3A_75] : memref<10240x64xf32, #tpu.memory_space<vmem_shared>> -> memref<10240x64xf32, #tpu.memory_space<vmem_shared>>
        tpu.wait_indirect_dma semaphore(%arg15 : memref<!tpu.dma_semaphore, #tpu.memory_space<semaphore_mem>>) src(%arg11 : memref<256x64xf32, #tpu.memory_space<vmem>>) dst(%dma_wait3A_76 : memref<10240x64xf32, #tpu.memory_space<vmem_shared>>)
      } else {
      }
      %dma_wait3A_42 = arith.constant 0 : i32
      %dma_wait3A_43 = arith.constant 0 : i32
      %dma_wait3A_44 = tpu.memref_slice %arg16[%dma_wait3A_42, %dma_wait3A_43] : memref<10240x64xf32, #tpu.memory_space<vmem_shared>> -> memref<10240x64xf32, #tpu.memory_space<vmem_shared>>
      tpu.wait_indirect_dma semaphore(%arg12 : memref<!tpu.dma_semaphore, #tpu.memory_space<semaphore_mem>>) src(%dma_wait3A_44 : memref<10240x64xf32, #tpu.memory_space<vmem_shared>>) dst(%arg10 : memref<256x64xf32, #tpu.memory_space<vmem>>)
      %add3A_45 = arith.constant 1 : i32
      %add3A_46 = arith.addi %mul3A_37, %add3A_45 : i32
      %add3A_47 = arith.addi %mul3A_9, %add3A_46 : i32
      "tpu.region"() ({
        %run_scoped3A = tpu.sem_alloc : memref<!tpu.dma_semaphore, #tpu.memory_space<semaphore_mem>>
        %dma_start3A_73 = arith.constant 0 : i32
        %dma_start3A_74 = tpu.memref_slice %arg3[%add3A_47, %dma_start3A_73] : memref<1280x256xi32, #tpu.memory_space<hbm>> -> memref<1x256xi32, #tpu.memory_space<hbm>>
        %dma_start3A_75 = tpu.memref_squeeze %dma_start3A_74 : memref<1x256xi32, #tpu.memory_space<hbm>> -> memref<256xi32, #tpu.memory_space<hbm>>
        %dma_start3A_76 = arith.constant 0 : i32
        %dma_start3A_77 = tpu.memref_slice %arg3[%add3A_47, %dma_start3A_76] : memref<1280x256xi32, #tpu.memory_space<hbm>> -> memref<1x256xi32, #tpu.memory_space<hbm>>
        %dma_start3A_78 = tpu.memref_squeeze %dma_start3A_77 : memref<1x256xi32, #tpu.memory_space<hbm>> -> memref<256xi32, #tpu.memory_space<hbm>>
        tpu.enqueue_dma source(%dma_start3A_78 : memref<256xi32, #tpu.memory_space<hbm>>) target(%arg7 : memref<256xi32, #tpu.memory_space<vmem>>) target_semaphore(%run_scoped3A : memref<!tpu.dma_semaphore, #tpu.memory_space<semaphore_mem>>)
        %dma_wait3A_79 = arith.constant 0 : i32
        %dma_wait3A_80 = tpu.memref_slice %arg3[%add3A_47, %dma_wait3A_79] : memref<1280x256xi32, #tpu.memory_space<hbm>> -> memref<1x256xi32, #tpu.memory_space<hbm>>
        %dma_wait3A_81 = tpu.memref_squeeze %dma_wait3A_80 : memref<1x256xi32, #tpu.memory_space<hbm>> -> memref<256xi32, #tpu.memory_space<hbm>>
        %dma_wait3A_82 = arith.constant 0 : i32
        %dma_wait3A_83 = tpu.memref_slice %arg3[%add3A_47, %dma_wait3A_82] : memref<1280x256xi32, #tpu.memory_space<hbm>> -> memref<1x256xi32, #tpu.memory_space<hbm>>
        %dma_wait3A_84 = tpu.memref_squeeze %dma_wait3A_83 : memref<1x256xi32, #tpu.memory_space<hbm>> -> memref<256xi32, #tpu.memory_space<hbm>>
        tpu.wait_dma2 semaphore(%run_scoped3A : memref<!tpu.dma_semaphore, #tpu.memory_space<semaphore_mem>>) src(%dma_wait3A_84 : memref<256xi32, #tpu.memory_space<hbm>>) dst(%arg7 : memref<256xi32, #tpu.memory_space<vmem>>)
        tpu.yield
      }) : () -> ()
      %add3A_48 = arith.addi %mul3A_9, %add3A_46 : i32
      "tpu.region"() ({
        %run_scoped3A = tpu.sem_alloc : memref<!tpu.dma_semaphore, #tpu.memory_space<semaphore_mem>>
        %dma_start3A_73 = arith.constant 0 : i32
        %dma_start3A_74 = tpu.memref_slice %arg4[%add3A_48, %dma_start3A_73] : memref<1280x256xi32, #tpu.memory_space<hbm>> -> memref<1x256xi32, #tpu.memory_space<hbm>>
        %dma_start3A_75 = tpu.memref_squeeze %dma_start3A_74 : memref<1x256xi32, #tpu.memory_space<hbm>> -> memref<256xi32, #tpu.memory_space<hbm>>
        %dma_start3A_76 = arith.constant 0 : i32
        %dma_start3A_77 = tpu.memref_slice %arg4[%add3A_48, %dma_start3A_76] : memref<1280x256xi32, #tpu.memory_space<hbm>> -> memref<1x256xi32, #tpu.memory_space<hbm>>
        %dma_start3A_78 = tpu.memref_squeeze %dma_start3A_77 : memref<1x256xi32, #tpu.memory_space<hbm>> -> memref<256xi32, #tpu.memory_space<hbm>>
        tpu.enqueue_dma source(%dma_start3A_78 : memref<256xi32, #tpu.memory_space<hbm>>) target(%arg9 : memref<256xi32, #tpu.memory_space<vmem>>) target_semaphore(%run_scoped3A : memref<!tpu.dma_semaphore, #tpu.memory_space<semaphore_mem>>)
        %dma_wait3A_79 = arith.constant 0 : i32
        %dma_wait3A_80 = tpu.memref_slice %arg4[%add3A_48, %dma_wait3A_79] : memref<1280x256xi32, #tpu.memory_space<hbm>> -> memref<1x256xi32, #tpu.memory_space<hbm>>
        %dma_wait3A_81 = tpu.memref_squeeze %dma_wait3A_80 : memref<1x256xi32, #tpu.memory_space<hbm>> -> memref<256xi32, #tpu.memory_space<hbm>>
        %dma_wait3A_82 = arith.constant 0 : i32
        %dma_wait3A_83 = tpu.memref_slice %arg4[%add3A_48, %dma_wait3A_82] : memref<1280x256xi32, #tpu.memory_space<hbm>> -> memref<1x256xi32, #tpu.memory_space<hbm>>
        %dma_wait3A_84 = tpu.memref_squeeze %dma_wait3A_83 : memref<1x256xi32, #tpu.memory_space<hbm>> -> memref<256xi32, #tpu.memory_space<hbm>>
        tpu.wait_dma2 semaphore(%run_scoped3A : memref<!tpu.dma_semaphore, #tpu.memory_space<semaphore_mem>>) src(%dma_wait3A_84 : memref<256xi32, #tpu.memory_space<hbm>>) dst(%arg9 : memref<256xi32, #tpu.memory_space<vmem>>)
        tpu.yield
      }) : () -> ()
      %dma_start3A_49 = arith.constant 0 : i32
      %dma_start3A_50 = arith.constant 0 : i32
      %dma_start3A_51 = tpu.memref_slice %arg16[%dma_start3A_49, %dma_start3A_50] : memref<10240x64xf32, #tpu.memory_space<vmem_shared>> -> memref<10240x64xf32, #tpu.memory_space<vmem_shared>>
      tpu.enqueue_indirect_dma source(%dma_start3A_51 : memref<10240x64xf32, #tpu.memory_space<vmem_shared>>) target(%arg11 : memref<256x64xf32, #tpu.memory_space<vmem>>) offsets(%arg7 : memref<256xi32, #tpu.memory_space<vmem>>) semaphore(%arg13 : memref<!tpu.dma_semaphore, #tpu.memory_space<semaphore_mem>>)
      %dma_start3A_52 = arith.constant 0 : i32
      %dma_start3A_53 = arith.constant 0 : i32
      %dma_start3A_54 = tpu.memref_slice %arg17[%dma_start3A_52, %dma_start3A_53] : memref<10240x64xf32, #tpu.memory_space<vmem_shared>> -> memref<10240x64xf32, #tpu.memory_space<vmem_shared>>
      tpu.enqueue_indirect_dma source(%arg10 : memref<256x64xf32, #tpu.memory_space<vmem>>) target(%dma_start3A_54 : memref<10240x64xf32, #tpu.memory_space<vmem_shared>>) offsets(%arg8 : memref<256xi32, #tpu.memory_space<vmem>>) semaphore(%arg14 : memref<!tpu.dma_semaphore, #tpu.memory_space<semaphore_mem>>) {add = true}
      %add3A_55 = arith.constant 1 : i32
      %add3A_56 = arith.addi %mul3A_37, %add3A_55 : i32
      %dma_wait3A_57 = arith.constant 0 : i32
      %dma_wait3A_58 = arith.constant 0 : i32
      %dma_wait3A_59 = tpu.memref_slice %arg16[%dma_wait3A_57, %dma_wait3A_58] : memref<10240x64xf32, #tpu.memory_space<vmem_shared>> -> memref<10240x64xf32, #tpu.memory_space<vmem_shared>>
      tpu.wait_indirect_dma semaphore(%arg13 : memref<!tpu.dma_semaphore, #tpu.memory_space<semaphore_mem>>) src(%dma_wait3A_59 : memref<10240x64xf32, #tpu.memory_space<vmem_shared>>) dst(%arg11 : memref<256x64xf32, #tpu.memory_space<vmem>>)
      %dma_wait3A_60 = arith.constant 0 : i32
      %dma_wait3A_61 = arith.constant 0 : i32
      %dma_wait3A_62 = tpu.memref_slice %arg17[%dma_wait3A_60, %dma_wait3A_61] : memref<10240x64xf32, #tpu.memory_space<vmem_shared>> -> memref<10240x64xf32, #tpu.memory_space<vmem_shared>>
      tpu.wait_indirect_dma semaphore(%arg14 : memref<!tpu.dma_semaphore, #tpu.memory_space<semaphore_mem>>) src(%arg10 : memref<256x64xf32, #tpu.memory_space<vmem>>) dst(%dma_wait3A_62 : memref<10240x64xf32, #tpu.memory_space<vmem_shared>>)
      %lt3A = arith.constant 39 : i32
      %lt3A_63 = arith.cmpi slt, %scan3A_34, %lt3A : i32
      %convert_element_type3A_64 = arith.extui %lt3A_63 : i1 to i32
      %cond3A_65 = arith.constant 0 : i32
      %cond3A_66 = arith.cmpi ne, %convert_element_type3A_64, %cond3A_65 : i32
      scf.if %cond3A_66 {
        %add3A_73 = arith.constant 2 : i32
        %add3A_74 = arith.addi %mul3A_37, %add3A_73 : i32
        %add3A_75 = arith.addi %mul3A_9, %add3A_74 : i32
        "tpu.region"() ({
          %run_scoped3A = tpu.sem_alloc : memref<!tpu.dma_semaphore, #tpu.memory_space<semaphore_mem>>
          %dma_start3A_80 = arith.constant 0 : i32
          %dma_start3A_81 = tpu.memref_slice %arg3[%add3A_75, %dma_start3A_80] : memref<1280x256xi32, #tpu.memory_space<hbm>> -> memref<1x256xi32, #tpu.memory_space<hbm>>
          %dma_start3A_82 = tpu.memref_squeeze %dma_start3A_81 : memref<1x256xi32, #tpu.memory_space<hbm>> -> memref<256xi32, #tpu.memory_space<hbm>>
          %dma_start3A_83 = arith.constant 0 : i32
          %dma_start3A_84 = tpu.memref_slice %arg3[%add3A_75, %dma_start3A_83] : memref<1280x256xi32, #tpu.memory_space<hbm>> -> memref<1x256xi32, #tpu.memory_space<hbm>>
          %dma_start3A_85 = tpu.memref_squeeze %dma_start3A_84 : memref<1x256xi32, #tpu.memory_space<hbm>> -> memref<256xi32, #tpu.memory_space<hbm>>
          tpu.enqueue_dma source(%dma_start3A_85 : memref<256xi32, #tpu.memory_space<hbm>>) target(%arg6 : memref<256xi32, #tpu.memory_space<vmem>>) target_semaphore(%run_scoped3A : memref<!tpu.dma_semaphore, #tpu.memory_space<semaphore_mem>>)
          %dma_wait3A_86 = arith.constant 0 : i32
          %dma_wait3A_87 = tpu.memref_slice %arg3[%add3A_75, %dma_wait3A_86] : memref<1280x256xi32, #tpu.memory_space<hbm>> -> memref<1x256xi32, #tpu.memory_space<hbm>>
          %dma_wait3A_88 = tpu.memref_squeeze %dma_wait3A_87 : memref<1x256xi32, #tpu.memory_space<hbm>> -> memref<256xi32, #tpu.memory_space<hbm>>
          %dma_wait3A_89 = arith.constant 0 : i32
          %dma_wait3A_90 = tpu.memref_slice %arg3[%add3A_75, %dma_wait3A_89] : memref<1280x256xi32, #tpu.memory_space<hbm>> -> memref<1x256xi32, #tpu.memory_space<hbm>>
          %dma_wait3A_91 = tpu.memref_squeeze %dma_wait3A_90 : memref<1x256xi32, #tpu.memory_space<hbm>> -> memref<256xi32, #tpu.memory_space<hbm>>
          tpu.wait_dma2 semaphore(%run_scoped3A : memref<!tpu.dma_semaphore, #tpu.memory_space<semaphore_mem>>) src(%dma_wait3A_91 : memref<256xi32, #tpu.memory_space<hbm>>) dst(%arg6 : memref<256xi32, #tpu.memory_space<vmem>>)
          tpu.yield
        }) : () -> ()
        %add3A_76 = arith.addi %mul3A_9, %add3A_74 : i32
        "tpu.region"() ({
          %run_scoped3A = tpu.sem_alloc : memref<!tpu.dma_semaphore, #tpu.memory_space<semaphore_mem>>
          %dma_start3A_80 = arith.constant 0 : i32
          %dma_start3A_81 = tpu.memref_slice %arg4[%add3A_76, %dma_start3A_80] : memref<1280x256xi32, #tpu.memory_space<hbm>> -> memref<1x256xi32, #tpu.memory_space<hbm>>
          %dma_start3A_82 = tpu.memref_squeeze %dma_start3A_81 : memref<1x256xi32, #tpu.memory_space<hbm>> -> memref<256xi32, #tpu.memory_space<hbm>>
          %dma_start3A_83 = arith.constant 0 : i32
          %dma_start3A_84 = tpu.memref_slice %arg4[%add3A_76, %dma_start3A_83] : memref<1280x256xi32, #tpu.memory_space<hbm>> -> memref<1x256xi32, #tpu.memory_space<hbm>>
          %dma_start3A_85 = tpu.memref_squeeze %dma_start3A_84 : memref<1x256xi32, #tpu.memory_space<hbm>> -> memref<256xi32, #tpu.memory_space<hbm>>
          tpu.enqueue_dma source(%dma_start3A_85 : memref<256xi32, #tpu.memory_space<hbm>>) target(%arg8 : memref<256xi32, #tpu.memory_space<vmem>>) target_semaphore(%run_scoped3A : memref<!tpu.dma_semaphore, #tpu.memory_space<semaphore_mem>>)
          %dma_wait3A_86 = arith.constant 0 : i32
          %dma_wait3A_87 = tpu.memref_slice %arg4[%add3A_76, %dma_wait3A_86] : memref<1280x256xi32, #tpu.memory_space<hbm>> -> memref<1x256xi32, #tpu.memory_space<hbm>>
          %dma_wait3A_88 = tpu.memref_squeeze %dma_wait3A_87 : memref<1x256xi32, #tpu.memory_space<hbm>> -> memref<256xi32, #tpu.memory_space<hbm>>
          %dma_wait3A_89 = arith.constant 0 : i32
          %dma_wait3A_90 = tpu.memref_slice %arg4[%add3A_76, %dma_wait3A_89] : memref<1280x256xi32, #tpu.memory_space<hbm>> -> memref<1x256xi32, #tpu.memory_space<hbm>>
          %dma_wait3A_91 = tpu.memref_squeeze %dma_wait3A_90 : memref<1x256xi32, #tpu.memory_space<hbm>> -> memref<256xi32, #tpu.memory_space<hbm>>
          tpu.wait_dma2 semaphore(%run_scoped3A : memref<!tpu.dma_semaphore, #tpu.memory_space<semaphore_mem>>) src(%dma_wait3A_91 : memref<256xi32, #tpu.memory_space<hbm>>) dst(%arg8 : memref<256xi32, #tpu.memory_space<vmem>>)
          tpu.yield
        }) : () -> ()
        %dma_start3A_77 = arith.constant 0 : i32
        %dma_start3A_78 = arith.constant 0 : i32
        %dma_start3A_79 = tpu.memref_slice %arg16[%dma_start3A_77, %dma_start3A_78] : memref<10240x64xf32, #tpu.memory_space<vmem_shared>> -> memref<10240x64xf32, #tpu.memory_space<vmem_shared>>
        tpu.enqueue_indirect_dma source(%dma_start3A_79 : memref<10240x64xf32, #tpu.memory_space<vmem_shared>>) target(%arg10 : memref<256x64xf32, #tpu.memory_space<vmem>>) offsets(%arg6 : memref<256xi32, #tpu.memory_space<vmem>>) semaphore(%arg12 : memref<!tpu.dma_semaphore, #tpu.memory_space<semaphore_mem>>)
      } else {
      }
      %add3A_67 = arith.constant 1 : i32
      %add3A_68 = arith.addi %mul3A_37, %add3A_67 : i32
      %dma_start3A_69 = arith.constant 0 : i32
      %dma_start3A_70 = arith.constant 0 : i32
      %dma_start3A_71 = tpu.memref_slice %arg17[%dma_start3A_69, %dma_start3A_70] : memref<10240x64xf32, #tpu.memory_space<vmem_shared>> -> memref<10240x64xf32, #tpu.memory_space<vmem_shared>>
      tpu.enqueue_indirect_dma source(%arg11 : memref<256x64xf32, #tpu.memory_space<vmem>>) target(%dma_start3A_71 : memref<10240x64xf32, #tpu.memory_space<vmem_shared>>) offsets(%arg9 : memref<256xi32, #tpu.memory_space<vmem>>) semaphore(%arg15 : memref<!tpu.dma_semaphore, #tpu.memory_space<semaphore_mem>>) {add = true}
      %scan3A_72 = arith.constant 0 : i32
      scf.yield %scan3A_72 : i32
    }
    %scan3A_20 = arith.constant 40 : i32
    %dma_wait3A = arith.constant 0 : i32
    %dma_wait3A_21 = arith.constant 0 : i32
    %dma_wait3A_22 = tpu.memref_slice %arg17[%dma_wait3A, %dma_wait3A_21] : memref<10240x64xf32, #tpu.memory_space<vmem_shared>> -> memref<10240x64xf32, #tpu.memory_space<vmem_shared>>
    tpu.wait_indirect_dma semaphore(%arg15 : memref<!tpu.dma_semaphore, #tpu.memory_space<semaphore_mem>>) src(%arg11 : memref<256x64xf32, #tpu.memory_space<vmem>>) dst(%dma_wait3A_22 : memref<10240x64xf32, #tpu.memory_space<vmem_shared>>)
    %barrier3A_23 = arith.constant 0 : index
    tpu.barrier barrier_id(%barrier3A_23)
    %eq3A_24 = arith.constant 0 : i32
    %eq3A_25 = arith.cmpi eq, %arg0, %eq3A_24 : i32
    %convert_element_type3A_26 = arith.extui %eq3A_25 : i1 to i32
    %cond3A_27 = arith.constant 0 : i32
    %cond3A_28 = arith.cmpi ne, %convert_element_type3A_26, %cond3A_27 : i32
    scf.if %cond3A_28 {
      "tpu.region"() ({
        %run_scoped3A = tpu.sem_alloc : memref<!tpu.dma_semaphore, #tpu.memory_space<semaphore_mem>>
        %dma_start3A_34 = arith.constant 0 : i32
        %dma_start3A_35 = tpu.memref_slice %arg5[%mul3A_0, %dma_start3A_34] : memref<10240x128xf32, #tpu.memory_space<hbm>> -> memref<640x64xf32, #tpu.memory_space<hbm>>
        %dma_start3A_36 = arith.constant 0 : i32
        %dma_start3A_37 = tpu.memref_slice %arg17[%mul3A_0, %dma_start3A_36] : memref<10240x64xf32, #tpu.memory_space<vmem_shared>> -> memref<640x64xf32, #tpu.memory_space<vmem_shared>>
        tpu.enqueue_dma source(%dma_start3A_37 : memref<640x64xf32, #tpu.memory_space<vmem_shared>>) target(%dma_start3A_35 : memref<640x64xf32, #tpu.memory_space<hbm>>) target_semaphore(%run_scoped3A : memref<!tpu.dma_semaphore, #tpu.memory_space<semaphore_mem>>)
        %dma_wait3A_38 = arith.constant 0 : i32
        %dma_wait3A_39 = tpu.memref_slice %arg5[%mul3A_0, %dma_wait3A_38] : memref<10240x128xf32, #tpu.memory_space<hbm>> -> memref<640x64xf32, #tpu.memory_space<hbm>>
        %dma_wait3A_40 = arith.constant 0 : i32
        %dma_wait3A_41 = tpu.memref_slice %arg17[%mul3A_0, %dma_wait3A_40] : memref<10240x64xf32, #tpu.memory_space<vmem_shared>> -> memref<640x64xf32, #tpu.memory_space<vmem_shared>>
        tpu.wait_dma2 semaphore(%run_scoped3A : memref<!tpu.dma_semaphore, #tpu.memory_space<semaphore_mem>>) src(%dma_wait3A_41 : memref<640x64xf32, #tpu.memory_space<vmem_shared>>) dst(%dma_wait3A_39 : memref<640x64xf32, #tpu.memory_space<hbm>>)
        tpu.yield
      }) : () -> ()
    } else {
    }
    %eq3A_29 = arith.constant 1 : i32
    %eq3A_30 = arith.cmpi eq, %arg0, %eq3A_29 : i32
    %convert_element_type3A_31 = arith.extui %eq3A_30 : i1 to i32
    %cond3A_32 = arith.constant 0 : i32
    %cond3A_33 = arith.cmpi ne, %convert_element_type3A_31, %cond3A_32 : i32
    scf.if %cond3A_33 {
      "tpu.region"() ({
        %run_scoped3A = tpu.sem_alloc : memref<!tpu.dma_semaphore, #tpu.memory_space<semaphore_mem>>
        %dma_start3A_34 = arith.constant 64 : i32
        %dma_start3A_35 = tpu.memref_slice %arg5[%mul3A_0, %dma_start3A_34] : memref<10240x128xf32, #tpu.memory_space<hbm>> -> memref<640x64xf32, #tpu.memory_space<hbm>>
        %dma_start3A_36 = arith.constant 0 : i32
        %dma_start3A_37 = tpu.memref_slice %arg17[%mul3A_0, %dma_start3A_36] : memref<10240x64xf32, #tpu.memory_space<vmem_shared>> -> memref<640x64xf32, #tpu.memory_space<vmem_shared>>
        tpu.enqueue_dma source(%dma_start3A_37 : memref<640x64xf32, #tpu.memory_space<vmem_shared>>) target(%dma_start3A_35 : memref<640x64xf32, #tpu.memory_space<hbm>>) target_semaphore(%run_scoped3A : memref<!tpu.dma_semaphore, #tpu.memory_space<semaphore_mem>>)
        %dma_wait3A_38 = arith.constant 64 : i32
        %dma_wait3A_39 = tpu.memref_slice %arg5[%mul3A_0, %dma_wait3A_38] : memref<10240x128xf32, #tpu.memory_space<hbm>> -> memref<640x64xf32, #tpu.memory_space<hbm>>
        %dma_wait3A_40 = arith.constant 0 : i32
        %dma_wait3A_41 = tpu.memref_slice %arg17[%mul3A_0, %dma_wait3A_40] : memref<10240x64xf32, #tpu.memory_space<vmem_shared>> -> memref<640x64xf32, #tpu.memory_space<vmem_shared>>
        tpu.wait_dma2 semaphore(%run_scoped3A : memref<!tpu.dma_semaphore, #tpu.memory_space<semaphore_mem>>) src(%dma_wait3A_41 : memref<640x64xf32, #tpu.memory_space<vmem_shared>>) dst(%dma_wait3A_39 : memref<640x64xf32, #tpu.memory_space<hbm>>)
        tpu.yield
      }) : () -> ()
    } else {
    }
    return
  }
}

module attributes {stable_mosaic.version = 14 : i64} {
  func.func @_tc_pre_body(%arg0: memref<10240x128xf32, #tpu.memory_space<vmem>>, %arg1: memref<2x10240x16xf32, #tpu.memory_space<vmem>>, %arg2: memref<10240x128xf32, #tpu.memory_space<vmem>>) attributes {dimension_semantics = [], scalar_prefetch = 0 : i64, scratch_operands = 0 : i64, tpu.core_type = #tpu.core_type<tc>} {
    %get3A = arith.constant 0 : index
    %get3A_0 = arith.constant 0 : index
    %get3A_1 = arith.constant 0 : index
    %get3A_2 = vector.load %arg1[%get3A, %get3A_0, %get3A_1] : memref<2x10240x16xf32, #tpu.memory_space<vmem>>, vector<1x10240x1xf32>
    %get3A_3 = vector.shape_cast %get3A_2 : vector<1x10240x1xf32> to vector<10240xf32>
    %add3A = arith.constant 1.000000e+00 : f32
    %add3A_4 = vector.broadcast %add3A : f32 to vector<10240xf32>
    %add3A_5 = arith.addf %add3A_4, %get3A_3 : vector<10240xf32>
    %get3A_6 = arith.constant 1 : index
    %get3A_7 = arith.constant 0 : index
    %get3A_8 = arith.constant 0 : index
    %get3A_9 = vector.load %arg1[%get3A_6, %get3A_7, %get3A_8] : memref<2x10240x16xf32, #tpu.memory_space<vmem>>, vector<1x10240x1xf32>
    %get3A_10 = vector.shape_cast %get3A_9 : vector<1x10240x1xf32> to vector<10240xf32>
    %add3A_11 = arith.addf %add3A_5, %get3A_10 : vector<10240xf32>
    %rsqrt3A = math.rsqrt %add3A_11 : vector<10240xf32>
    %get3A_12 = arith.constant 0 : index
    %get3A_13 = arith.constant 0 : index
    %get3A_14 = vector.load %arg0[%get3A_12, %get3A_13] : memref<10240x128xf32, #tpu.memory_space<vmem>>, vector<10240x128xf32>
    %broadcast_in_dim3A = vector.shape_cast %rsqrt3A : vector<10240xf32> to vector<10240x1xf32>
    %mul3A = vector.broadcast %broadcast_in_dim3A : vector<10240x1xf32> to vector<10240x128xf32>
    %mul3A_15 = arith.mulf %get3A_14, %mul3A : vector<10240x128xf32>
    %swap3A = arith.constant 0 : index
    %swap3A_16 = arith.constant 0 : index
    %swap3A_17 = vector.load %arg2[%swap3A, %swap3A_16] : memref<10240x128xf32, #tpu.memory_space<vmem>>, vector<10240x128xf32>
    tpu.vector_store %arg2[%swap3A, %swap3A_16], %mul3A_15 {strides = array<i32>} : memref<10240x128xf32, #tpu.memory_space<vmem>>, vector<10240x128xf32>,
    return
  }
}

module attributes {stable_mosaic.version = 14 : i64} {
  func.func @_tc_mid_body(%arg0: memref<10240x128xf32, #tpu.memory_space<vmem>>, %arg1: memref<2x10240x16xf32, #tpu.memory_space<vmem>>, %arg2: memref<128x128xf32, #tpu.memory_space<vmem>>, %arg3: memref<128xf32, #tpu.memory_space<vmem>>, %arg4: memref<10240x128xf32, #tpu.memory_space<vmem>>) attributes {dimension_semantics = [], scalar_prefetch = 0 : i64, scratch_operands = 0 : i64, tpu.core_type = #tpu.core_type<tc>} {
    %get3A = arith.constant 0 : index
    %get3A_0 = arith.constant 0 : index
    %get3A_1 = arith.constant 0 : index
    %get3A_2 = vector.load %arg1[%get3A, %get3A_0, %get3A_1] : memref<2x10240x16xf32, #tpu.memory_space<vmem>>, vector<1x10240x1xf32>
    %get3A_3 = vector.shape_cast %get3A_2 : vector<1x10240x1xf32> to vector<10240xf32>
    %add3A = arith.constant 1.000000e+00 : f32
    %add3A_4 = vector.broadcast %add3A : f32 to vector<10240xf32>
    %add3A_5 = arith.addf %add3A_4, %get3A_3 : vector<10240xf32>
    %get3A_6 = arith.constant 1 : index
    %get3A_7 = arith.constant 0 : index
    %get3A_8 = arith.constant 0 : index
    %get3A_9 = vector.load %arg1[%get3A_6, %get3A_7, %get3A_8] : memref<2x10240x16xf32, #tpu.memory_space<vmem>>, vector<1x10240x1xf32>
    %get3A_10 = vector.shape_cast %get3A_9 : vector<1x10240x1xf32> to vector<10240xf32>
    %add3A_11 = arith.addf %add3A_5, %get3A_10 : vector<10240xf32>
    %rsqrt3A = math.rsqrt %add3A_11 : vector<10240xf32>
    %get3A_12 = arith.constant 0 : index
    %get3A_13 = arith.constant 0 : index
    %get3A_14 = vector.load %arg0[%get3A_12, %get3A_13] : memref<10240x128xf32, #tpu.memory_space<vmem>>, vector<10240x128xf32>
    %get3A_15 = arith.constant 0 : index
    %get3A_16 = arith.constant 0 : index
    %get3A_17 = vector.load %arg2[%get3A_15, %get3A_16] : memref<128x128xf32, #tpu.memory_space<vmem>>, vector<128x128xf32>
    %dot_general3A = arith.constant dense<0.000000e+00> : vector<10240x128xf32>
    %dot_general3A_18 = tpu.matmul %get3A_14, %get3A_17, %dot_general3A {dimension_numbers = #tpu.dot_dimension_numbers<[1], [0], [0], [1], [0, 0, 1, 1], [], []>, transpose_lhs_hint = false} : vector<10240x128xf32>, vector<128x128xf32>, vector<10240x128xf32> -> vector<10240x128xf32>
    %broadcast_in_dim3A = vector.shape_cast %rsqrt3A : vector<10240xf32> to vector<10240x1xf32>
    %mul3A = vector.broadcast %broadcast_in_dim3A : vector<10240x1xf32> to vector<10240x128xf32>
    %mul3A_19 = arith.mulf %dot_general3A_18, %mul3A : vector<10240x128xf32>
    %get3A_20 = arith.constant 0 : index
    %get3A_21 = vector.load %arg3[%get3A_20] : memref<128xf32, #tpu.memory_space<vmem>>, vector<128xf32>
    %broadcast_in_dim3A_22 = vector.shape_cast %get3A_21 : vector<128xf32> to vector<1x128xf32>
    %add3A_23 = vector.broadcast %broadcast_in_dim3A_22 : vector<1x128xf32> to vector<10240x128xf32>
    %add3A_24 = arith.addf %mul3A_19, %add3A_23 : vector<10240x128xf32>
    %max3A = arith.constant 0.000000e+00 : f32
    %max3A_25 = vector.broadcast %max3A : f32 to vector<10240x128xf32>
    %max3A_26 = arith.maximumf %add3A_24, %max3A_25 : vector<10240x128xf32>
    %broadcast_in_dim3A_27 = vector.shape_cast %rsqrt3A : vector<10240xf32> to vector<10240x1xf32>
    %mul3A_28 = vector.broadcast %broadcast_in_dim3A_27 : vector<10240x1xf32> to vector<10240x128xf32>
    %mul3A_29 = arith.mulf %max3A_26, %mul3A_28 : vector<10240x128xf32>
    %swap3A = arith.constant 0 : index
    %swap3A_30 = arith.constant 0 : index
    %swap3A_31 = vector.load %arg4[%swap3A, %swap3A_30] : memref<10240x128xf32, #tpu.memory_space<vmem>>, vector<10240x128xf32>
    tpu.vector_store %arg4[%swap3A, %swap3A_30], %mul3A_29 {strides = array<i32>} : memref<10240x128xf32, #tpu.memory_space<vmem>>, vector<10240x128xf32>,
    return
  }
}

module attributes {stable_mosaic.version = 14 : i64} {
  func.func @_tc_final_body(%arg0: memref<10240x128xf32, #tpu.memory_space<vmem>>, %arg1: memref<2x10240x16xf32, #tpu.memory_space<vmem>>, %arg2: memref<128x128xf32, #tpu.memory_space<vmem>>, %arg3: memref<128xf32, #tpu.memory_space<vmem>>, %arg4: memref<10240x128xf32, #tpu.memory_space<vmem>>) attributes {dimension_semantics = [], scalar_prefetch = 0 : i64, scratch_operands = 0 : i64, tpu.core_type = #tpu.core_type<tc>} {
    %get3A = arith.constant 0 : index
    %get3A_0 = arith.constant 0 : index
    %get3A_1 = arith.constant 0 : index
    %get3A_2 = vector.load %arg1[%get3A, %get3A_0, %get3A_1] : memref<2x10240x16xf32, #tpu.memory_space<vmem>>, vector<1x10240x1xf32>
    %get3A_3 = vector.shape_cast %get3A_2 : vector<1x10240x1xf32> to vector<10240xf32>
    %add3A = arith.constant 1.000000e+00 : f32
    %add3A_4 = vector.broadcast %add3A : f32 to vector<10240xf32>
    %add3A_5 = arith.addf %add3A_4, %get3A_3 : vector<10240xf32>
    %get3A_6 = arith.constant 1 : index
    %get3A_7 = arith.constant 0 : index
    %get3A_8 = arith.constant 0 : index
    %get3A_9 = vector.load %arg1[%get3A_6, %get3A_7, %get3A_8] : memref<2x10240x16xf32, #tpu.memory_space<vmem>>, vector<1x10240x1xf32>
    %get3A_10 = vector.shape_cast %get3A_9 : vector<1x10240x1xf32> to vector<10240xf32>
    %add3A_11 = arith.addf %add3A_5, %get3A_10 : vector<10240xf32>
    %rsqrt3A = math.rsqrt %add3A_11 : vector<10240xf32>
    %get3A_12 = arith.constant 0 : index
    %get3A_13 = arith.constant 0 : index
    %get3A_14 = vector.load %arg0[%get3A_12, %get3A_13] : memref<10240x128xf32, #tpu.memory_space<vmem>>, vector<10240x128xf32>
    %get3A_15 = arith.constant 0 : index
    %get3A_16 = arith.constant 0 : index
    %get3A_17 = vector.load %arg2[%get3A_15, %get3A_16] : memref<128x128xf32, #tpu.memory_space<vmem>>, vector<128x128xf32>
    %dot_general3A = arith.constant dense<0.000000e+00> : vector<10240x128xf32>
    %dot_general3A_18 = tpu.matmul %get3A_14, %get3A_17, %dot_general3A {dimension_numbers = #tpu.dot_dimension_numbers<[1], [0], [0], [1], [0, 0, 1, 1], [], []>, transpose_lhs_hint = false} : vector<10240x128xf32>, vector<128x128xf32>, vector<10240x128xf32> -> vector<10240x128xf32>
    %broadcast_in_dim3A = vector.shape_cast %rsqrt3A : vector<10240xf32> to vector<10240x1xf32>
    %mul3A = vector.broadcast %broadcast_in_dim3A : vector<10240x1xf32> to vector<10240x128xf32>
    %mul3A_19 = arith.mulf %dot_general3A_18, %mul3A : vector<10240x128xf32>
    %get3A_20 = arith.constant 0 : index
    %get3A_21 = vector.load %arg3[%get3A_20] : memref<128xf32, #tpu.memory_space<vmem>>, vector<128xf32>
    %broadcast_in_dim3A_22 = vector.shape_cast %get3A_21 : vector<128xf32> to vector<1x128xf32>
    %add3A_23 = vector.broadcast %broadcast_in_dim3A_22 : vector<1x128xf32> to vector<10240x128xf32>
    %add3A_24 = arith.addf %mul3A_19, %add3A_23 : vector<10240x128xf32>
    %swap3A = arith.constant 0 : index
    %swap3A_25 = arith.constant 0 : index
    %swap3A_26 = vector.load %arg4[%swap3A, %swap3A_25] : memref<10240x128xf32, #tpu.memory_space<vmem>>, vector<10240x128xf32>
    tpu.vector_store %arg4[%swap3A, %swap3A_25], %add3A_24 {strides = array<i32>} : memref<10240x128xf32, #tpu.memory_space<vmem>>, vector<10240x128xf32>,
    return
  }
}

</mosaic_0001>

<sc_bundles>
// kernel: kernel.10.cloned.1.call-start
scs
__scs_entry_jumppad:
0x0: {  	(pc) =	sbr.rel $0x88, $3  }
0x1: {  	(tag) =	ssettag $0x0;
	lr =	simm.s32 $0x1  }
0x2: {  	[smem:$0x3F99] =	sst lr;
	_ =	strace $0xD0000000  }
0x3: {  	_ = 	snop  }
0x4: {  	_ = 	snop  }
0x5: {  	_ = 	snop  }
0x6: {  	_ = 	snop  }
0x7: {  	_ = 	snop  }
__scs_overlays_trampoline_lowered:
0x8: {  	[smem:$0x3FA8] =	sst s0  }
0x9: {  	[smem:$0x3FA9] =	sst s1  }
0xa: {  	[smem:$0x3FAA] =	sst s2  }
0xb: {  	[smem:$0x3FAB] =	sst s3  }
0xc: {  	[smem:$0x3FAC] =	sst s4  }
0xd: {  	[smem:$0x3FAD] =	sst s5  }
0xe: {  	[smem:$0x3FAE] =	sst s6  }
0xf: {  	[smem:$0x3FAF] =	sst s7  }
0x10: {  	[smem:$0x3FB0] =	sst s8  }
0x11: {  	[smem:$0x3FB1] =	sst s9;
	s0 =	simm.s32 @!p0 $0x0  }
0x12: {  	s1 =	sld [smem:$0x3F97];
	s0 =	simm.s32 @p0 $0x1  }
0x13: {  	[smem:$0x3FB2] =	sst s0;
	s0 =	simm.s32 @!p1 $0x0  }
0x14: {  	s2 =	sld [smem:$0x3F96];
	s0 =	simm.s32 @p1 $0x1  }
0x15: {  	[smem:$0x3FB3] =	sst s0;
	s0 =	simm.s32 @!p2 $0x0  }
0x16: {  	s3 =	sld [smem:$0x3FDB];
	s0 =	simm.s32 @p2 $0x1  }
0x17: {  	s4 =	simm.s32 $0x1BF5;
	[smem:$0x3FB5] =	sst s0  }
0x18: {  	s0 =	sld [smem:$0x3F98];
	_ =	swait.ge [sflag:s4], $0x0  }
0x19: {  	s7 =	sld [smem:$0x3F99]  }
0x1a: {  	s8 =	sadd.s32 $0xFFFFE003, lr  }
0x1b: {  	s9 =	sadd.s32 $0xFFFFFEF7, lr;
	s5 =	simm.s32 $0xFFFFFFFF;
	p2 =	slt.u32 s8, $0xFFFFF086  }
0x1c: {  	p1 =	slt.u32 s9, $0xF7A;
	s5 =	simm.s32 @!p2 $0x0  }
0x1d: {  	s5 =	simm.s32 @p1 $0x1;
	p0 =	seq.s32 s7, s2  }
0x1e: {  	s7 =	smul.u32 @!p0 $0xF7A, s2;
	p2 =	seq.s32 @!p0 s5, $0x0  }
0x1f: {  	s9 =	smul.u32 $0xF7A, s1;
	s8 =	simm.s32 @!p0 $0x1BF5;
	p2 =	por !p2, p0  }
0x20: {  	[sflag:s8] =	ssyncset.s32 @!p0 $0xFFFFF086;
	s6 =	sadd.s32 @!p0 s3, s7;
	s7 =	simm.s32 @!p0 $0x108  }
0x21: {  	s3 =	sadd.s32 s3, s9;
	s6 =	sadd.s32 @!p0 $0x88, s6;
	s7 =	simm.s32 @p2 $0x1082  }
0x22: {  	[simem:s7], [sflag:s8] =	dma.local @!p0 [hbm:s6], $0xF7A  }
0x23: {  	s9 =	sor.u32 $0xD0000000, s2;
	s6 =	simm.s32 $0x108;
	_ =	swait.ge @!p0 [sflag:s8], $0x0  }
0x24: {  	s3 =	sadd.s32 $0x88, s3;
	s6 =	simm.s32 @!p1 $0x1082;
	[sflag:s4] =	ssyncset.s32 $0xFFFFF086  }
0x25: {  	[simem:s6], [sflag:s4] =	dma.local [hbm:s3], $0xF7A  }
0x26: {  	[smem:$0x3F99] =	sst s1;
	(tag) =	ssettag s2;
	_ =	strace s9  }
0x27: {  	s1 =	sld [smem:$0x3FA9]  }
0x28: {  	s2 =	sld [smem:$0x3FAA]  }
0x29: {  	s4 =	sld [smem:$0x3FAC]  }
0x2a: {  	p0 =	seq.s32 s5, $0x0;
	s5 =	sld [smem:$0x3FAD]  }
0x2b: {  	s6 =	sld [smem:$0x3FAE]  }
0x2c: {  	s7 =	sld [smem:$0x3FAF]  }
0x2d: {  	s3 =	simm.s32 $0x108;
	s8 =	sld [smem:$0x3FB0]  }
0x2e: {  	s3 =	simm.s32 @!p0 $0x1082;
	s9 =	sld [smem:$0x3FB1]  }
0x2f: {  	lr =	sadd.s32 s0, s3;
	s0 =	sld [smem:$0x3FA8]  }
0x30: {  	s3 =	sld [smem:$0x3FAB]  }
0x31: {  	[smem:$0x3FB4] =	sst s10  }
0x32: {  	s10 =	sld [smem:$0x3FB2];
	_ =	sdelay $0x3  }
0x33: {  	p0 =	seq.s32 s10, $0x1;
	s10 =	sld [smem:$0x3FB4];
	_ =	sdelay $0x3  }
0x34: {  	[smem:$0x3FB4] =	sst s10  }
0x35: {  	s10 =	sld [smem:$0x3FB3];
	_ =	sdelay $0x3  }
0x36: {  	p1 =	seq.s32 s10, $0x1;
	s10 =	sld [smem:$0x3FB4];
	_ =	sdelay $0x3  }
0x37: {  	[smem:$0x3FB4] =	sst s10  }
0x38: {  	s10 =	sld [smem:$0x3FB5]  }
0x39: {  	_ = 	snop;
	(pc) =	sbr.ind lr, $3  }
0x3a: {  	_ = 	snop  }
0x3b: {  	_ = 	snop  }
0x3c: {  	p2 =	seq.s32 s10, $0x1;
	s10 =	sld [smem:$0x3FB4]  }
0x3d: {  	_ =	shalt  }
0x3e: {  	_ =	shalt  }
0x3f: {  	_ =	shalt  }
0x40: {  	_ =	shalt  }
0x41: {  	_ =	shalt  }
0x42: {  	_ =	shalt  }
0x43: {  	_ =	shalt  }
0x44: {  	_ =	shalt  }
0x45: {  	_ =	shalt  }
0x46: {  	_ =	shalt  }
0x47: {  	_ =	shalt  }
0x48: {  	_ =	shalt  }
0x49: {  	_ =	shalt  }
0x4a: {  	_ =	shalt  }
0x4b: {  	_ =	shalt  }
0x4c: {  	_ =	shalt  }
0x4d: {  	_ =	shalt  }
0x4e: {  	_ =	shalt  }
0x4f: {  	_ =	shalt  }
0x50: {  	_ =	shalt  }
0x51: {  	_ =	shalt  }
0x52: {  	_ =	shalt  }
0x53: {  	_ =	shalt  }
0x54: {  	_ =	shalt  }
0x55: {  	_ =	shalt  }
0x56: {  	_ =	shalt  }
0x57: {  	_ =	shalt  }
0x58: {  	_ =	shalt  }
0x59: {  	_ =	shalt  }
0x5a: {  	_ =	shalt  }
0x5b: {  	_ =	shalt  }
0x5c: {  	_ =	shalt  }
0x5d: {  	_ =	shalt  }
0x5e: {  	_ =	shalt  }
0x5f: {  	_ =	shalt  }
0x60: {  	_ =	shalt  }
0x61: {  	_ =	shalt  }
0x62: {  	_ =	shalt  }
0x63: {  	_ =	shalt  }
0x64: {  	_ =	shalt  }
0x65: {  	_ =	shalt  }
0x66: {  	_ =	shalt  }
0x67: {  	_ =	shalt  }
0x68: {  	_ =	shalt  }
0x69: {  	_ =	shalt  }
0x6a: {  	_ =	shalt  }
0x6b: {  	_ =	shalt  }
0x6c: {  	_ =	shalt  }
0x6d: {  	_ =	shalt  }
0x6e: {  	_ =	shalt  }
0x6f: {  	_ =	shalt  }
0x70: {  	_ =	shalt  }
0x71: {  	_ =	shalt  }
0x72: {  	_ =	shalt  }
0x73: {  	_ =	shalt  }
0x74: {  	_ =	shalt  }
0x75: {  	_ =	shalt  }
0x76: {  	_ =	shalt  }
0x77: {  	_ =	shalt  }
0x78: {  	_ =	shalt  }
0x79: {  	_ =	shalt  }
0x7a: {  	_ =	shalt  }
0x7b: {  	_ =	shalt  }
0x7c: {  	_ =	shalt  }
0x7d: {  	_ =	shalt  }
0x7e: {  	_ =	shalt  }
0x7f: {  	_ =	shalt  }
0x80: {  	_ =	shalt  }
0x81: {  	_ =	shalt  }
0x82: {  	_ =	shalt  }
0x83: {  	_ =	shalt  }
0x84: {  	_ =	shalt  }
0x85: {  	_ =	shalt  }
0x86: {  	_ =	shalt  }
0x87: {  	_ =	shalt  }
.Lfunc_end0:
.L_simem_size_0:
called_computation_lowered:
.L_overlay_start_0:
0x88: {  	s2 =	sld [smem:$0x3FD9]  }
0x89: {  	s3 =	sld [smem:$0x3FFE];
	_ =	sdelay $0x1  }
0x8a: {  	s1 =	srdreg.scid  }
0x8b: {  	s0 =	sand.u32 $0x1, s1  }
0x8c: {  	s17 =	sshll.u32 s0, $0xA;
	s2 =	sadd.s32 s3, s2  }
0x8d: {  	s2 =	sadd.s32 s2, s17  }
0x8e: {  	[smem:$0x3FC0] =	sst s2  }
0x8f: {  	_ = 	snop  }
0x90: {  	s2 =	sld [smem:$0x3FD0];
	(tm) =	ssettm $0x1  }
0x91: {  	s18 =	sld [smem:$0x3FFB];
	_ =	sdelay $0x3  }
0x92: {  	_ =	strace s18  }
0x93: {  	s3 =	sld [smem:$0x3FFC];
	_ =	sdelay $0x3  }
0x94: {  	_ =	strace s3  }
0x95: {  	s3 =	sld [smem:$0x3FFD];
	_ =	sdelay $0x3  }
0x96: {  	_ =	strace s3  }
0x97: {  	_ =	strace $0x8FFFFFFF  }
0x98: {  	s19 =	sld [smem:$0x3FDB];
	_ =	sdelay $0x1  }
0x99: {  	s4 =	simm.s32 $_scs_section_size  }
0x9a: {  	s5 =	simm.s32 $_size__tile_overlayer_lowered;
	s6 =	simm.s32 $_tile_overlayer_lowered  }
0x9b: {  	s22 =	simm.s32 $0x1BFF;
	s21 =	sshll.u32 s6, $0x1;
	s3 =	sadd.s32 s4, s19  }
0x9c: {  	s7 =	simm.s32 $0x0;
	s20 =	sshll.u32 s5, $0x1;
	s5 =	sadd.s32 s21, s3  }
0x9d: {  	[timem:s7], [sflag:s22] =	dma.local [hbm:s5], s20  }
0x9e: {  	_ =	swait.ge [sflag:s22], s20  }
0x9f: {  	s4 =	ssub.s32 $0x0, s20;
	[sflag:s22] =	ssyncset.done $0x0  }
0xa0: {  	[sflag:s22] =	ssyncadd.s32 s4;
	_ =	sdelay $0x1  }
0xa1: {  	s23 =	simm.s32 $0x1B8B  }
0xa2: {  	_ =	swait.ge [sflag:s23], $0x1  }
0xa3: {  	[sflag:s23] =	ssyncset.done $0x0  }
0xa4: {  	s25 =	simm.s32 $0x1B8E;
	s24 =	sld [smem:$0x3FFE];
	[sflag:s23] =	ssyncadd.s32 $0xFFFFFFFF  }
0xa5: {  	s26 =	simm.s32 $execute0_lowered;
	[smem:$0x3FD2] =	sst s25  }
0xa6: {  	s5 =	sshll.u32 s26, $0x1;
	_ =	strace $0x80000046;
	[dreg:$0x1] =	wrdreg $0xFFFFFFFF  }
0xa7: {  	s28 =	simm.s32 $_size_execute0_lowered;
	s3 =	sadd.s32 s3, s5;
	[dreg:$0x0] =	wrdreg $0x0  }
0xa8: {  	s5 =	sshll.u32 s28, $0x1;
	[dreg:$0x2] =	wrdreg s3  }
0xa9: {  	[dreg:$0x3] =	wrdreg s5  }
0xaa: {  	[dreg:$0x4] =	wrdreg $0xC0  }
0xab: {  	_ =	task [dreg:s7], $0x5FFFF  }
0xac: {  	[dreg:$0x1] =	wrdreg $0xFFFFFFFF  }
0xad: {  	[dreg:$0x0] =	wrdreg $0x60  }
0xae: {  	[dreg:$0x2] =	wrdreg s2  }
0xaf: {  	[dreg:$0x3] =	wrdreg s24  }
0xb0: {  	[dreg:$0x4] =	wrdreg $0x70000  }
0xb1: {  	[dreg:$0x5] =	wrdreg $0x9  }
0xb2: {  	_ =	task.clear_ibuf [dreg:s7], $0x6FFFF;
	_ =	strace $0x90000046  }
0xb3: {  	s29 =	simm.s32 $0x9;
	_ =	strace $0x80000048  }
0xb4: {  	_ =	swait.ge [sflag:s29], $0x1  }
0xb5: {  	[sflag:s29] =	ssyncadd.s32 $0xFFFFFFFF  }
0xb6: {  	_ =	strace $0x90000048  }
0xb7: {  	_ =	sfence  }
0xb8: {  	s30 =	sld [smem:$0x0];
	_ =	sdelay $0x2  }
0xb9: {  	s31 =	sshll.u32 s1, $0xD;
	s1 =	sshrl.u32 s1, $0x2  }
0xba: {  	s3 =	sand.u32 $0x4000, s31;
	s1 =	sadd.s32 s1, s30  }
0xbb: {  	s0 =	sor.u32 s3, s0;
	s1 =	sshll.u32 s1, $0x11  }
0xbc: {  	s0 =	sor.u32 s1, s0  }
0xbd: {  	s0 =	sadd.s32 $0x8F2B, s0  }
0xbe: {  	[sflag:s0] =	ssyncadd.remote.s32 $0x1  }
0xbf: {  	_ =	sfence.sel $0xFFFF  }
0xc0: {  	[dreg:$0x0] =	wrdreg $0xFFFFFFFF;
	(pc) =	sbr.abs _section_cstart, $3  }
0xc1: {  	[dreg:$0x1] =	wrdreg $0xFFFFFFFF  }
0xc2: {  	_ =	task.clear_ibuf [dreg:s7], $0x2FFFF;
	_ =	strace $0x9FFFFFFF  }
0xc3: {  	(tm) =	ssettm $0x7FFFFFFF  }
tec
execute0_lowered:
.L_overlay_start_1:
0x0: {  	(tag) =	ssettag $0x1  }
0x1: {  	s0 =	rddreg [dreg:$0x0]  }
0x2: {  	s1 =	rddreg [dreg:$0x1]  }
0x3: {  	s2 =	rddreg [dreg:$0x2];
	s4 =	srdreg.scid  }
0x4: {  	s7 =	stileid.u32;
	s3 =	simm.s32 $0x0;
	s10 =	simm.s32 $0x4800  }
0x5: {  	s11 =	simm.s32 $0x200;
	s13 =	simm.s32 $0x4C00;
	s14 =	simm.s32 $0x4E00  }
0x6: {  	s15 =	simm.s32 $0x5000;
	s16 =	simm.s32 $0x5200;
	s17 =	simm.s32 $0x5400  }
0x7: {  	s18 =	simm.s32 $0x5600;
	s19 =	simm.s32 $0x5800;
	s20 =	simm.s32 $0x5A00  }
0x8: {  	s21 =	simm.s32 $0x5C00;
	s22 =	simm.s32 $0x5E00;
	s23 =	simm.s32 $0x6000  }
0x9: {  	s24 =	simm.s32 $0x6200;
	s25 =	simm.s32 $0x6400;
	s28 =	simm.s32 $0x6800  }
0xa: {  	s29 =	simm.s32 $0x6A00;
	s30 =	simm.s32 $0x6C00;
	s31 =	simm.s32 $0x6E00  }
0xb: {  	s4 =	sand.u32 $0x1, s4;
	s5 =	smul.u32 $0x2800, s7;
	[smem:$0x7FF] =	sst s3  }
0xc: {  	s7 =	sshll.u32 s7, $0x1;
	s6 =	smul.u32 $0x28000, s4;
	s8 =	ssub.s32 $0x2, s4  }
0xd: {  	_ =	strace $0x80000047;
	s4 =	sor.u32 s4, s7;
	s26 =	sshrl.u32 s8, $0x1  }
0xe: {  	s9 =	smul.u32 $0x500, s4;
	s4 =	sadd.s32 s5, s2;
	s6 =	sadd.s32 s5, s6  }
0xf: {  	s7 =	ssub.s32 s8, s26;
	s26 =	simm.s32 $0x6600;
	s6 =	sshrl.u32 s6, $0x3  }
0x10: {  	s5 =	sadd.s32 s0, s9;
	s7 =	smax.u32 s7, $0x1;
	s1 =	sadd.s32 s6, s1  }
0x11: {  	v0 =	vimm.f32 $1.000000000e+00;
	v1 =	vimm.f32 $0.0e+00;
	s9 =	simm.s32 $0x1;
	s0 =	simm.s32 $0x0;
	s6 =	sadd.s32 $0x2800, s1  }
.LBB2_1:
0x12: {  	s8 =	simm.s32 $0x40  }
0x13: {  	[tilespmem:s8+$0xFFFFFFC0] =	vst v0  }
0x14: {  	[tilespmem:s8+$0x30] =	vst v0  }
0x15: {  	[tilespmem:s8+$0x20] =	vst v0  }
0x16: {  	[tilespmem:s8+$0x10] =	vst v0  }
0x17: {  	[tilespmem:s8+$0x0] =	vst v0  }
0x18: {  	[tilespmem:s8+$0xFFFFFFF0] =	vst v0  }
0x19: {  	s12 =	simm.s32 $0x0;
	[tilespmem:s8+$0xFFFFFFE0] =	vst v0  }
.LBB2_2:
0x1a: {  	s12 =	sadd.s32 $0x8, s12;
	[tilespmem:s8+$0xFFFFFFD0] =	vst v0;
	s8 =	sadd.s32 $0x80, s8;
	s1 =	simm.s32 $0x2040  }
0x1b: {  	[tilespmem:s8+$0xFFFFFFC0] =	vst v0;
	p0 =	slt.u32 s12, $0x1F8  }
0x1c: {  	[tilespmem:s8+$0x30] =	vst v0  }
.Ltmp0:
0x1d: {  	[tilespmem:s8+$0x20] =	vst v0;
	(pc) =	sbr.rel @p0 .LBB2_2-.Ltmp0, $4  }
0x1e: {  	[tilespmem:s8+$0x10] =	vst v0  }
0x1f: {  	[tilespmem:s8+$0x0] =	vst v0  }
0x20: {  	[tilespmem:s8+$0xFFFFFFF0] =	vst v0  }
0x21: {  	[tilespmem:s8+$0xFFFFFFE0] =	vst v0  }
0x22: {  	[tilespmem:s8+$0xFFFFFFD0] =	vst v0  }
0x23: {  	[tilespmem:s1+$0xFFFFFFC0] =	vst v1  }
0x24: {  	[tilespmem:s1+$0x30] =	vst v1  }
0x25: {  	[tilespmem:s1+$0x20] =	vst v1  }
0x26: {  	[tilespmem:s1+$0x10] =	vst v1  }
0x27: {  	[tilespmem:s1+$0x0] =	vst v1  }
0x28: {  	[tilespmem:s1+$0xFFFFFFF0] =	vst v1  }
0x29: {  	s8 =	simm.s32 $0x0;
	[tilespmem:s1+$0xFFFFFFE0] =	vst v1  }
.LBB2_4:
0x2a: {  	s8 =	sadd.s32 $0x8, s8;
	[tilespmem:s1+$0xFFFFFFD0] =	vst v1;
	s1 =	sadd.s32 $0x80, s1  }
0x2b: {  	[tilespmem:s1+$0xFFFFFFC0] =	vst v1;
	p0 =	slt.u32 s8, $0x278  }
0x2c: {  	[tilespmem:s1+$0x30] =	vst v1  }
.Ltmp1:
0x2d: {  	[tilespmem:s1+$0x20] =	vst v1;
	(pc) =	sbr.rel @p0 .LBB2_4-.Ltmp1, $4  }
0x2e: {  	[tilespmem:s1+$0x10] =	vst v1  }
0x2f: {  	[tilespmem:s1+$0x0] =	vst v1  }
0x30: {  	[tilespmem:s1+$0xFFFFFFF0] =	vst v1  }
0x31: {  	[tilespmem:s1+$0xFFFFFFE0] =	vst v1  }
0x32: {  	[tilespmem:s1+$0xFFFFFFD0] =	vst v1;
	s12 =	simm.s32 $0x2000  }
0x33: {  	[spmem:s4] =	stream.linear.scatter [tilespmem:s12], [sflag:$0x1], $0x2800, $0x38;
	[tilespmem:$0x9800] =	vst v63  }
0x34: {  	_ =	swait.ge [sflag:s9], $0x2800  }
0x35: {  	[sflag:s9] =	ssyncset.done $0x0  }
0x36: {  	[sflag:s9] =	ssyncadd.s32 $0xFFFFD800  }
0x37: {  	[bflag:$0x0] =	sbarrier.arrive $0xFFFF  }
0x38: {  	[tilespmem:s10], [sflag:$0x1] =	stream.linear.gather [hbm4b:s5+s3], $0x2800, $0x38;
	[tilespmem:$0x9800] =	vst v63  }
0x39: {  	_ =	swait.ge [sflag:s9], $0x2800  }
0x3a: {  	[sflag:s9] =	ssyncset.done $0x0  }
0x3b: {  	[sflag:s9] =	ssyncadd.s32 $0xFFFFD800  }
0x3c: {  	[spmem:s2] =	stream.indirect.scatter.add.f32 [tilespmem:s3], [sflag:$0x1], $0x10, s10, s11, $0xb8;
	[tilespmem:$0x9800] =	vst v63  }
0x3d: {  	_ =	swait.ge [sflag:s9], $0x2000  }
0x3e: {  	[sflag:s9] =	ssyncset.done $0x0  }
0x3f: {  	s8 =	simm.s32 $0x4A00;
	[sflag:s9] =	ssyncadd.s32 $0xFFFFE000  }
0x40: {  	[spmem:s2] =	stream.indirect.scatter.add.f32 [tilespmem:s3], [sflag:$0x1], $0x10, s8, s11, $0xb8;
	[tilespmem:$0x9800] =	vst v63  }
0x41: {  	_ =	swait.ge [sflag:s9], $0x2000  }
0x42: {  	[sflag:s9] =	ssyncset.done $0x0  }
0x43: {  	[sflag:s9] =	ssyncadd.s32 $0xFFFFE000  }
0x44: {  	[spmem:s2] =	stream.indirect.scatter.add.f32 [tilespmem:s3], [sflag:$0x1], $0x10, s13, s11, $0xb8;
	[tilespmem:$0x9800] =	vst v63  }
0x45: {  	_ =	swait.ge [sflag:s9], $0x2000  }
0x46: {  	[sflag:s9] =	ssyncset.done $0x0  }
0x47: {  	[sflag:s9] =	ssyncadd.s32 $0xFFFFE000  }
0x48: {  	[spmem:s2] =	stream.indirect.scatter.add.f32 [tilespmem:s3], [sflag:$0x1], $0x10, s14, s11, $0xb8;
	[tilespmem:$0x9800] =	vst v63  }
0x49: {  	_ =	swait.ge [sflag:s9], $0x2000  }
0x4a: {  	[sflag:s9] =	ssyncset.done $0x0  }
0x4b: {  	[sflag:s9] =	ssyncadd.s32 $0xFFFFE000  }
0x4c: {  	[spmem:s2] =	stream.indirect.scatter.add.f32 [tilespmem:s3], [sflag:$0x1], $0x10, s15, s11, $0xb8;
	[tilespmem:$0x9800] =	vst v63  }
0x4d: {  	_ =	swait.ge [sflag:s9], $0x2000  }
0x4e: {  	[sflag:s9] =	ssyncset.done $0x0  }
0x4f: {  	[sflag:s9] =	ssyncadd.s32 $0xFFFFE000  }
0x50: {  	[spmem:s2] =	stream.indirect.scatter.add.f32 [tilespmem:s3], [sflag:$0x1], $0x10, s16, s11, $0xb8;
	[tilespmem:$0x9800] =	vst v63  }
0x51: {  	_ =	swait.ge [sflag:s9], $0x2000  }
0x52: {  	[sflag:s9] =	ssyncset.done $0x0  }
0x53: {  	[sflag:s9] =	ssyncadd.s32 $0xFFFFE000  }
0x54: {  	[spmem:s2] =	stream.indirect.scatter.add.f32 [tilespmem:s3], [sflag:$0x1], $0x10, s17, s11, $0xb8;
	[tilespmem:$0x9800] =	vst v63  }
0x55: {  	_ =	swait.ge [sflag:s9], $0x2000  }
0x56: {  	[sflag:s9] =	ssyncset.done $0x0  }
0x57: {  	[sflag:s9] =	ssyncadd.s32 $0xFFFFE000  }
0x58: {  	[spmem:s2] =	stream.indirect.scatter.add.f32 [tilespmem:s3], [sflag:$0x1], $0x10, s18, s11, $0xb8;
	[tilespmem:$0x9800] =	vst v63  }
0x59: {  	_ =	swait.ge [sflag:s9], $0x2000  }
0x5a: {  	[sflag:s9] =	ssyncset.done $0x0  }
0x5b: {  	[sflag:s9] =	ssyncadd.s32 $0xFFFFE000  }
0x5c: {  	[spmem:s2] =	stream.indirect.scatter.add.f32 [tilespmem:s3], [sflag:$0x1], $0x10, s19, s11, $0xb8;
	[tilespmem:$0x9800] =	vst v63  }
0x5d: {  	_ =	swait.ge [sflag:s9], $0x2000  }
0x5e: {  	[sflag:s9] =	ssyncset.done $0x0  }
0x5f: {  	[sflag:s9] =	ssyncadd.s32 $0xFFFFE000  }
0x60: {  	[spmem:s2] =	stream.indirect.scatter.add.f32 [tilespmem:s3], [sflag:$0x1], $0x10, s20, s11, $0xb8;
	[tilespmem:$0x9800] =	vst v63  }
0x61: {  	_ =	swait.ge [sflag:s9], $0x2000  }
0x62: {  	[sflag:s9] =	ssyncset.done $0x0  }
0x63: {  	[sflag:s9] =	ssyncadd.s32 $0xFFFFE000  }
0x64: {  	[spmem:s2] =	stream.indirect.scatter.add.f32 [tilespmem:s3], [sflag:$0x1], $0x10, s21, s11, $0xb8;
	[tilespmem:$0x9800] =	vst v63  }
0x65: {  	_ =	swait.ge [sflag:s9], $0x2000  }
0x66: {  	[sflag:s9] =	ssyncset.done $0x0  }
0x67: {  	[sflag:s9] =	ssyncadd.s32 $0xFFFFE000  }
0x68: {  	[spmem:s2] =	stream.indirect.scatter.add.f32 [tilespmem:s3], [sflag:$0x1], $0x10, s22, s11, $0xb8;
	[tilespmem:$0x9800] =	vst v63  }
0x69: {  	_ =	swait.ge [sflag:s9], $0x2000  }
0x6a: {  	[sflag:s9] =	ssyncset.done $0x0  }
0x6b: {  	[sflag:s9] =	ssyncadd.s32 $0xFFFFE000  }
0x6c: {  	[spmem:s2] =	stream.indirect.scatter.add.f32 [tilespmem:s3], [sflag:$0x1], $0x10, s23, s11, $0xb8;
	[tilespmem:$0x9800] =	vst v63  }
0x6d: {  	_ =	swait.ge [sflag:s9], $0x2000  }
0x6e: {  	[sflag:s9] =	ssyncset.done $0x0  }
0x6f: {  	[sflag:s9] =	ssyncadd.s32 $0xFFFFE000  }
0x70: {  	[spmem:s2] =	stream.indirect.scatter.add.f32 [tilespmem:s3], [sflag:$0x1], $0x10, s24, s11, $0xb8;
	[tilespmem:$0x9800] =	vst v63  }
0x71: {  	_ =	swait.ge [sflag:s9], $0x2000  }
0x72: {  	[sflag:s9] =	ssyncset.done $0x0  }
0x73: {  	[sflag:s9] =	ssyncadd.s32 $0xFFFFE000  }
0x74: {  	[spmem:s2] =	stream.indirect.scatter.add.f32 [tilespmem:s3], [sflag:$0x1], $0x10, s25, s11, $0xb8;
	[tilespmem:$0x9800] =	vst v63  }
0x75: {  	_ =	swait.ge [sflag:s9], $0x2000  }
0x76: {  	[sflag:s9] =	ssyncset.done $0x0  }
0x77: {  	[sflag:s9] =	ssyncadd.s32 $0xFFFFE000  }
0x78: {  	[spmem:s2] =	stream.indirect.scatter.add.f32 [tilespmem:s3], [sflag:$0x1], $0x10, s26, s11, $0xb8;
	[tilespmem:$0x9800] =	vst v63  }
0x79: {  	_ =	swait.ge [sflag:s9], $0x2000  }
0x7a: {  	[sflag:s9] =	ssyncset.done $0x0  }
0x7b: {  	[sflag:s9] =	ssyncadd.s32 $0xFFFFE000  }
0x7c: {  	[spmem:s2] =	stream.indirect.scatter.add.f32 [tilespmem:s3], [sflag:$0x1], $0x10, s28, s11, $0xb8;
	[tilespmem:$0x9800] =	vst v63  }
0x7d: {  	_ =	swait.ge [sflag:s9], $0x2000  }
0x7e: {  	[sflag:s9] =	ssyncset.done $0x0  }
0x7f: {  	[sflag:s9] =	ssyncadd.s32 $0xFFFFE000  }
0x80: {  	[spmem:s2] =	stream.indirect.scatter.add.f32 [tilespmem:s3], [sflag:$0x1], $0x10, s29, s11, $0xb8;
	[tilespmem:$0x9800] =	vst v63  }
0x81: {  	_ =	swait.ge [sflag:s9], $0x2000  }
0x82: {  	[sflag:s9] =	ssyncset.done $0x0  }
0x83: {  	[sflag:s9] =	ssyncadd.s32 $0xFFFFE000  }
0x84: {  	[spmem:s2] =	stream.indirect.scatter.add.f32 [tilespmem:s3], [sflag:$0x1], $0x10, s30, s11, $0xb8;
	[tilespmem:$0x9800] =	vst v63  }
0x85: {  	_ =	swait.ge [sflag:s9], $0x2000  }
0x86: {  	[sflag:s9] =	ssyncset.done $0x0  }
0x87: {  	[sflag:s9] =	ssyncadd.s32 $0xFFFFE000  }
0x88: {  	[spmem:s2] =	stream.indirect.scatter.add.f32 [tilespmem:s3], [sflag:$0x1], $0x10, s31, s11, $0xb8;
	[tilespmem:$0x9800] =	vst v63  }
0x89: {  	s12 =	stileid.u32;
	_ =	swait.ge [sflag:s9], $0x2000  }
0x8a: {  	s0 =	sadd.s32 $0x1, s0;
	s1 =	sshll.u32 s12, $0x6;
	[sflag:s9] =	ssyncset.done $0x0  }
0x8b: {  	p0 =	sne.s32 s0, s7;
	s1 =	sor.u32 $0x1C01, s1;
	[sflag:s9] =	ssyncadd.s32 $0xFFFFE000  }
.Ltmp2:
0x8c: {  	s8 =	sshrl.u32 s4, $0x3;
	[bflag:$0x0] =	sbarrier.arrive $0xFFFF;
	(pc) =	sbr.rel @p0 .LBB2_1-.Ltmp2, $4  }
0x8d: {  	[hbm:s6], [sflag:s1] =	dma.local [spmem:s8], $0x500  }
0x8e: {  	_ =	swait.ge [sflag:s9], $0x500  }
0x8f: {  	[sflag:s9] =	ssyncset.done $0x0  }
0x90: {  	[sflag:s9] =	ssyncadd.s32 $0xFFFFFB00  }
0x91: {  	_ =	sfence.sel $0x180000  }
0x92: {  	[bflag:$0x0] =	sbarrier.arrive $0xFFFF  }
0x93: {  	_ =	strace $0x90000047  }
0x94: {  	s0 =	stileid.u32;
	[bflag:$0x2] =	sbarrier.arrive $0xFFFF  }
0x95: {  	p0 =	sne.s32 s0, $0x0;
	s0 =	rddreg [dreg:$0x3]  }
0x96: {  	s0 =	sadd.s32 @!p0 $0x100000, s0  }
0x97: {  	[sflag:s0] =	ssyncadd.tile.s32 @!p0 $0x1;
	_ =	shalt  }
.Lfunc_end2:
_tile_overlayer_lowered:
.L_overlay_start_2:
0x98: {  	(tag) =	ssettag $0x2  }
0x99: {  	s0 =	rddreg [dreg:$0x0];
	s2 =	stileid.u32  }
0x9a: {  	s1 =	rddreg [dreg:$0x1];
	p0 =	sne.s32 s2, $0x0  }
0x9b: {  	s3 =	rddreg [dreg:$0x2];
	[bflag:$0x3] =	sbarrier.arrive $0xFFFF;
	s2 =	simm.s32 @!p0 $0x1C01  }
0x9c: {  	[timem:s3], [sflag:s2] =	dma.local @!p0 [hbm:s0], s1  }
0x9d: {  	s0 =	simm.s32 @!p0 $0x1  }
0x9e: {  	_ =	swait.ge @!p0 [sflag:s0], s1  }
0x9f: {  	s1 =	ssub.s32 @!p0 $0x0, s1;
	[sflag:s0] =	ssyncset.done @!p0 $0x0  }
0xa0: {  	[sflag:s0] =	ssyncadd.s32 @!p0 s1  }
0xa1: {  	[bflag:$0x3] =	sbarrier.arrive $0xFFFF  }
0xa2: {  	_ =	shalt  }

// kernel: kernel.13.cloned.1.call-start
scs
__scs_entry_jumppad:
0x0: {  	(pc) =	sbr.rel $0x88, $3  }
0x1: {  	(tag) =	ssettag $0x0;
	lr =	simm.s32 $0x1  }
0x2: {  	[smem:$0x3F99] =	sst lr;
	_ =	strace $0xD0000000  }
0x3: {  	_ = 	snop  }
0x4: {  	_ = 	snop  }
0x5: {  	_ = 	snop  }
0x6: {  	_ = 	snop  }
0x7: {  	_ = 	snop  }
__scs_overlays_trampoline_lowered:
0x8: {  	[smem:$0x3FA8] =	sst s0  }
0x9: {  	[smem:$0x3FA9] =	sst s1  }
0xa: {  	[smem:$0x3FAA] =	sst s2  }
0xb: {  	[smem:$0x3FAB] =	sst s3  }
0xc: {  	[smem:$0x3FAC] =	sst s4  }
0xd: {  	[smem:$0x3FAD] =	sst s5  }
0xe: {  	[smem:$0x3FAE] =	sst s6  }
0xf: {  	[smem:$0x3FAF] =	sst s7  }
0x10: {  	[smem:$0x3FB0] =	sst s8  }
0x11: {  	[smem:$0x3FB1] =	sst s9;
	s0 =	simm.s32 @!p0 $0x0  }
0x12: {  	s1 =	sld [smem:$0x3F97];
	s0 =	simm.s32 @p0 $0x1  }
0x13: {  	[smem:$0x3FB2] =	sst s0;
	s0 =	simm.s32 @!p1 $0x0  }
0x14: {  	s2 =	sld [smem:$0x3F96];
	s0 =	simm.s32 @p1 $0x1  }
0x15: {  	[smem:$0x3FB3] =	sst s0;
	s0 =	simm.s32 @!p2 $0x0  }
0x16: {  	s3 =	sld [smem:$0x3FDB];
	s0 =	simm.s32 @p2 $0x1  }
0x17: {  	s4 =	simm.s32 $0x1BF5;
	[smem:$0x3FB5] =	sst s0  }
0x18: {  	s0 =	sld [smem:$0x3F98];
	_ =	swait.ge [sflag:s4], $0x0  }
0x19: {  	s7 =	sld [smem:$0x3F99]  }
0x1a: {  	s8 =	sadd.s32 $0xFFFFE003, lr  }
0x1b: {  	s9 =	sadd.s32 $0xFFFFFEF7, lr;
	s5 =	simm.s32 $0xFFFFFFFF;
	p2 =	slt.u32 s8, $0xFFFFF086  }
0x1c: {  	p1 =	slt.u32 s9, $0xF7A;
	s5 =	simm.s32 @!p2 $0x0  }
0x1d: {  	s5 =	simm.s32 @p1 $0x1;
	p0 =	seq.s32 s7, s2  }
0x1e: {  	s7 =	smul.u32 @!p0 $0xF7A, s2;
	p2 =	seq.s32 @!p0 s5, $0x0  }
0x1f: {  	s9 =	smul.u32 $0xF7A, s1;
	s8 =	simm.s32 @!p0 $0x1BF5;
	p2 =	por !p2, p0  }
0x20: {  	[sflag:s8] =	ssyncset.s32 @!p0 $0xFFFFF086;
	s6 =	sadd.s32 @!p0 s3, s7;
	s7 =	simm.s32 @!p0 $0x108  }
0x21: {  	s3 =	sadd.s32 s3, s9;
	s6 =	sadd.s32 @!p0 $0x88, s6;
	s7 =	simm.s32 @p2 $0x1082  }
0x22: {  	[simem:s7], [sflag:s8] =	dma.local @!p0 [hbm:s6], $0xF7A  }
0x23: {  	s9 =	sor.u32 $0xD0000000, s2;
	s6 =	simm.s32 $0x108;
	_ =	swait.ge @!p0 [sflag:s8], $0x0  }
0x24: {  	s3 =	sadd.s32 $0x88, s3;
	s6 =	simm.s32 @!p1 $0x1082;
	[sflag:s4] =	ssyncset.s32 $0xFFFFF086  }
0x25: {  	[simem:s6], [sflag:s4] =	dma.local [hbm:s3], $0xF7A  }
0x26: {  	[smem:$0x3F99] =	sst s1;
	(tag) =	ssettag s2;
	_ =	strace s9  }
0x27: {  	s1 =	sld [smem:$0x3FA9]  }
0x28: {  	s2 =	sld [smem:$0x3FAA]  }
0x29: {  	s4 =	sld [smem:$0x3FAC]  }
0x2a: {  	p0 =	seq.s32 s5, $0x0;
	s5 =	sld [smem:$0x3FAD]  }
0x2b: {  	s6 =	sld [smem:$0x3FAE]  }
0x2c: {  	s7 =	sld [smem:$0x3FAF]  }
0x2d: {  	s3 =	simm.s32 $0x108;
	s8 =	sld [smem:$0x3FB0]  }
0x2e: {  	s3 =	simm.s32 @!p0 $0x1082;
	s9 =	sld [smem:$0x3FB1]  }
0x2f: {  	lr =	sadd.s32 s0, s3;
	s0 =	sld [smem:$0x3FA8]  }
0x30: {  	s3 =	sld [smem:$0x3FAB]  }
0x31: {  	[smem:$0x3FB4] =	sst s10  }
0x32: {  	s10 =	sld [smem:$0x3FB2];
	_ =	sdelay $0x3  }
0x33: {  	p0 =	seq.s32 s10, $0x1;
	s10 =	sld [smem:$0x3FB4];
	_ =	sdelay $0x3  }
0x34: {  	[smem:$0x3FB4] =	sst s10  }
0x35: {  	s10 =	sld [smem:$0x3FB3];
	_ =	sdelay $0x3  }
0x36: {  	p1 =	seq.s32 s10, $0x1;
	s10 =	sld [smem:$0x3FB4];
	_ =	sdelay $0x3  }
0x37: {  	[smem:$0x3FB4] =	sst s10  }
0x38: {  	s10 =	sld [smem:$0x3FB5]  }
0x39: {  	_ = 	snop;
	(pc) =	sbr.ind lr, $3  }
0x3a: {  	_ = 	snop  }
0x3b: {  	_ = 	snop  }
0x3c: {  	p2 =	seq.s32 s10, $0x1;
	s10 =	sld [smem:$0x3FB4]  }
0x3d: {  	_ =	shalt  }
0x3e: {  	_ =	shalt  }
0x3f: {  	_ =	shalt  }
0x40: {  	_ =	shalt  }
0x41: {  	_ =	shalt  }
0x42: {  	_ =	shalt  }
0x43: {  	_ =	shalt  }
0x44: {  	_ =	shalt  }
0x45: {  	_ =	shalt  }
0x46: {  	_ =	shalt  }
0x47: {  	_ =	shalt  }
0x48: {  	_ =	shalt  }
0x49: {  	_ =	shalt  }
0x4a: {  	_ =	shalt  }
0x4b: {  	_ =	shalt  }
0x4c: {  	_ =	shalt  }
0x4d: {  	_ =	shalt  }
0x4e: {  	_ =	shalt  }
0x4f: {  	_ =	shalt  }
0x50: {  	_ =	shalt  }
0x51: {  	_ =	shalt  }
0x52: {  	_ =	shalt  }
0x53: {  	_ =	shalt  }
0x54: {  	_ =	shalt  }
0x55: {  	_ =	shalt  }
0x56: {  	_ =	shalt  }
0x57: {  	_ =	shalt  }
0x58: {  	_ =	shalt  }
0x59: {  	_ =	shalt  }
0x5a: {  	_ =	shalt  }
0x5b: {  	_ =	shalt  }
0x5c: {  	_ =	shalt  }
0x5d: {  	_ =	shalt  }
0x5e: {  	_ =	shalt  }
0x5f: {  	_ =	shalt  }
0x60: {  	_ =	shalt  }
0x61: {  	_ =	shalt  }
0x62: {  	_ =	shalt  }
0x63: {  	_ =	shalt  }
0x64: {  	_ =	shalt  }
0x65: {  	_ =	shalt  }
0x66: {  	_ =	shalt  }
0x67: {  	_ =	shalt  }
0x68: {  	_ =	shalt  }
0x69: {  	_ =	shalt  }
0x6a: {  	_ =	shalt  }
0x6b: {  	_ =	shalt  }
0x6c: {  	_ =	shalt  }
0x6d: {  	_ =	shalt  }
0x6e: {  	_ =	shalt  }
0x6f: {  	_ =	shalt  }
0x70: {  	_ =	shalt  }
0x71: {  	_ =	shalt  }
0x72: {  	_ =	shalt  }
0x73: {  	_ =	shalt  }
0x74: {  	_ =	shalt  }
0x75: {  	_ =	shalt  }
0x76: {  	_ =	shalt  }
0x77: {  	_ =	shalt  }
0x78: {  	_ =	shalt  }
0x79: {  	_ =	shalt  }
0x7a: {  	_ =	shalt  }
0x7b: {  	_ =	shalt  }
0x7c: {  	_ =	shalt  }
0x7d: {  	_ =	shalt  }
0x7e: {  	_ =	shalt  }
0x7f: {  	_ =	shalt  }
0x80: {  	_ =	shalt  }
0x81: {  	_ =	shalt  }
0x82: {  	_ =	shalt  }
0x83: {  	_ =	shalt  }
0x84: {  	_ =	shalt  }
0x85: {  	_ =	shalt  }
0x86: {  	_ =	shalt  }
0x87: {  	_ =	shalt  }
.Lfunc_end0:
.L_simem_size_0:
called_computation.1_lowered:
.L_overlay_start_0:
0x88: {  	s2 =	sld [smem:$0x3FD9]  }
0x89: {  	s3 =	sld [smem:$0x3FFE];
	_ =	sdelay $0x1  }
0x8a: {  	s1 =	srdreg.scid  }
0x8b: {  	s0 =	sand.u32 $0x1, s1  }
0x8c: {  	s17 =	sshll.u32 s0, $0xA;
	s2 =	sadd.s32 s3, s2  }
0x8d: {  	s2 =	sadd.s32 s2, s17  }
0x8e: {  	[smem:$0x3FC0] =	sst s2  }
0x8f: {  	_ = 	snop  }
0x90: {  	s2 =	sld [smem:$0x3FD0];
	(tm) =	ssettm $0x1  }
0x91: {  	s18 =	sld [smem:$0x3FFB];
	_ =	sdelay $0x3  }
0x92: {  	_ =	strace s18  }
0x93: {  	s3 =	sld [smem:$0x3FFC];
	_ =	sdelay $0x3  }
0x94: {  	_ =	strace s3  }
0x95: {  	s3 =	sld [smem:$0x3FFD];
	_ =	sdelay $0x3  }
0x96: {  	_ =	strace s3  }
0x97: {  	_ =	strace $0x8FFFFFFF  }
0x98: {  	s19 =	sld [smem:$0x3FDB];
	_ =	sdelay $0x1  }
0x99: {  	s4 =	simm.s32 $_scs_section_size  }
0x9a: {  	s5 =	simm.s32 $_size__tile_overlayer_lowered;
	s6 =	simm.s32 $_tile_overlayer_lowered  }
0x9b: {  	s22 =	simm.s32 $0x1BFF;
	s21 =	sshll.u32 s6, $0x1;
	s3 =	sadd.s32 s4, s19  }
0x9c: {  	s7 =	simm.s32 $0x0;
	s20 =	sshll.u32 s5, $0x1;
	s5 =	sadd.s32 s21, s3  }
0x9d: {  	[timem:s7], [sflag:s22] =	dma.local [hbm:s5], s20  }
0x9e: {  	_ =	swait.ge [sflag:s22], s20  }
0x9f: {  	s4 =	ssub.s32 $0x0, s20;
	[sflag:s22] =	ssyncset.done $0x0  }
0xa0: {  	[sflag:s22] =	ssyncadd.s32 s4;
	_ =	sdelay $0x1  }
0xa1: {  	s23 =	simm.s32 $0x1B8B  }
0xa2: {  	_ =	swait.ge [sflag:s23], $0x1  }
0xa3: {  	[sflag:s23] =	ssyncset.done $0x0  }
0xa4: {  	s25 =	simm.s32 $0x1B8E;
	s24 =	sld [smem:$0x3FFE];
	[sflag:s23] =	ssyncadd.s32 $0xFFFFFFFF  }
0xa5: {  	s26 =	simm.s32 $execute0_lowered;
	[smem:$0x3FD2] =	sst s25  }
0xa6: {  	s5 =	sshll.u32 s26, $0x1;
	_ =	strace $0x80000049;
	[dreg:$0x1] =	wrdreg $0xFFFFFFFF  }
0xa7: {  	s28 =	simm.s32 $_size_execute0_lowered;
	s3 =	sadd.s32 s3, s5;
	[dreg:$0x0] =	wrdreg $0x0  }
0xa8: {  	s5 =	sshll.u32 s28, $0x1;
	[dreg:$0x2] =	wrdreg s3  }
0xa9: {  	[dreg:$0x3] =	wrdreg s5  }
0xaa: {  	[dreg:$0x4] =	wrdreg $0xC0  }
0xab: {  	_ =	task [dreg:s7], $0x5FFFF  }
0xac: {  	[dreg:$0x1] =	wrdreg $0xFFFFFFFF  }
0xad: {  	[dreg:$0x0] =	wrdreg $0x60  }
0xae: {  	[dreg:$0x2] =	wrdreg s24  }
0xaf: {  	[dreg:$0x3] =	wrdreg s2  }
0xb0: {  	[dreg:$0x4] =	wrdreg $0x84000  }
0xb1: {  	[dreg:$0x5] =	wrdreg $0x124000  }
0xb2: {  	[dreg:$0x6] =	wrdreg $0x9  }
0xb3: {  	_ =	task.clear_ibuf [dreg:s7], $0x7FFFF;
	_ =	strace $0x90000049  }
0xb4: {  	s29 =	simm.s32 $0x9;
	_ =	strace $0x8000004B  }
0xb5: {  	_ =	swait.ge [sflag:s29], $0x1  }
0xb6: {  	[sflag:s29] =	ssyncadd.s32 $0xFFFFFFFF  }
0xb7: {  	_ =	strace $0x9000004B  }
0xb8: {  	_ =	sfence  }
0xb9: {  	s30 =	sld [smem:$0x0];
	_ =	sdelay $0x2  }
0xba: {  	s31 =	sshll.u32 s1, $0xD;
	s1 =	sshrl.u32 s1, $0x2  }
0xbb: {  	s3 =	sand.u32 $0x4000, s31;
	s1 =	sadd.s32 s1, s30  }
0xbc: {  	s0 =	sor.u32 s3, s0;
	s1 =	sshll.u32 s1, $0x11  }
0xbd: {  	s0 =	sor.u32 s1, s0  }
0xbe: {  	s0 =	sadd.s32 $0x8F2B, s0  }
0xbf: {  	[sflag:s0] =	ssyncadd.remote.s32 $0x1  }
0xc0: {  	_ =	sfence.sel $0xFFFF  }
0xc1: {  	[dreg:$0x0] =	wrdreg $0xFFFFFFFF;
	(pc) =	sbr.abs _section_cstart, $3  }
0xc2: {  	[dreg:$0x1] =	wrdreg $0xFFFFFFFF  }
0xc3: {  	_ =	task.clear_ibuf [dreg:s7], $0x2FFFF;
	_ =	strace $0x9FFFFFFF  }
0xc4: {  	(tm) =	ssettm $0x7FFFFFFF  }
0xc5: {  	_ =	shalt  }
tec
execute0_lowered:
.L_overlay_start_1:
0x0: {  	(tag) =	ssettag $0x1  }
0x1: {  	s0 =	rddreg [dreg:$0x0]  }
0x2: {  	s3 =	rddreg [dreg:$0x1]  }
0x3: {  	s1 =	rddreg [dreg:$0x2]  }
0x4: {  	s2 =	rddreg [dreg:$0x3];
	s4 =	simm.s32 $0x0;
	s5 =	srdreg.scid  }
0x5: {  	s13 =	stileid.u32;
	s16 =	simm.s32 $0x1;
	s17 =	simm.s32 $0x8  }
0x6: {  	s18 =	simm.s32 $0x10;
	s19 =	simm.s32 $0x5;
	s21 =	simm.s32 $0x200  }
0x7: {  	s28 =	simm.s32 $0x2;
	s29 =	simm.s32 $0x3;
	s6 =	smul.u32 $0xA000, s13  }
0x8: {  	s30 =	simm.s32 $0x4;
	s31 =	simm.s32 $0x0;
	s9 =	smul.u32 $0xA00, s13  }
0x9: {  	[smem:$0x7FF] =	sst s4;
	s7 =	sadd.s32 $0xC800, s0;
	s10 =	smul.u32 $0x28000, s13  }
0xa: {  	s5 =	sand.u32 $0x1, s5;
	s11 =	smul.u32 $0x2800, s13;
	s26 =	sshll.u32 s13, $0x6  }
0xb: {  	_ =	strace $0x8000004A;
	s8 =	sshll.u32 s5, $0x3;
	s5 =	ssub.s32 $0x2, s5  }
0xc: {  	s13 =	sor.u32 $0x1C05, s26;
	s26 =	simm.s32 $0x4400;
	s0 =	sadd.s32 s8, s0  }
0xd: {  	s22 =	sshrl.u32 s5, $0x1;
	s15 =	sadd.s32 s6, s1;
	s20 =	sadd.s32 s6, s2  }
0xe: {  	s10 =	sshrl.u32 s10, $0x2;
	s6 =	sadd.s32 s3, s9;
	s23 =	sor.u32 $0x20, s9  }
0xf: {  	s12 =	sor.u32 $0x40, s9;
	s8 =	ssub.s32 s5, s22;
	s5 =	sadd.s32 s7, s9  }
0x10: {  	s25 =	sadd.s32 s10, s2;
	s24 =	sadd.s32 s7, s23;
	s9 =	sadd.s32 s3, s23  }
.Ltmp0:
0x11: {  	s10 =	sadd.s32 s7, s12;
	s0 =	sadd.s32 s11, s0;
	(pc) =	sbr.rel .LBB2_1-.Ltmp0, $4  }
0x12: {  	s11 =	sadd.s32 s3, s12;
	s15 =	sshrl.u32 s15, $0x3;
	s20 =	sshrl.u32 s20, $0x3  }
0x13: {  	s22 =	simm.s32 $0x100;
	s23 =	simm.s32 $0x400;
	s8 =	smax.u32 s8, $0x1  }
0x14: {  	[dreg:$0x6] =	wrdreg s24;
	s12 =	sadd.s32 $0x16800, s0;
	s14 =	sadd.s32 $0x3E800, s0  }
0x15: {  	s24 =	simm.s32 $0x300;
	s25 =	sshrl.u32 s25, $0x3;
	[dreg:$0x5] =	wrdreg s8  }
.LBB2_4:
0x16: {  	[spmem:s2] =	stream.indirect.scatter.add.f32 [tilespmem:s26], [sflag:$0x4], $0x40, s24, s22, $0xb8;
	[tilespmem:$0x1C400] =	vst v63  }
0x17: {  	_ =	swait.ge [sflag:s30], $0x4000  }
0x18: {  	[sflag:s30] =	ssyncset.done $0x0  }
0x19: {  	[sflag:s30] =	ssyncadd.s32 $0xFFFFC000  }
0x1a: {  	[bflag:$0x0] =	sbarrier.arrive $0xFFFF  }
0x1b: {  	[hbm:s14@s18], [sflag:s13] =	dma.strided [spmem:s25@s17], $0x1400, s16, $0x8   }
0x1c: {  	_ =	swait.ge [sflag:s19], $0x1400  }
0x1d: {  	s31 =	sadd.s32 $0x1, s31;
	s0 =	rddreg [dreg:$0x5]  }
0x1e: {  	p0 =	sne.s32 s31, s0  }
.Ltmp1:
0x1f: {  	_ = 	snop;
	(pc) =	sbr.rel @!p0 .LBB2_5-.Ltmp1, $3  }
0x20: {  	_ =	sdelay $0x1  }
0x21: {  	[sflag:s19] =	ssyncset.done $0x0  }
0x22: {  	[sflag:s19] =	ssyncadd.s32 $0xFFFFEC00  }
.LBB2_1:
0x23: {  	[spmem:s15@s17], [sflag:s13] =	dma.strided [hbm:s12@s18], $0x1400, s16, $0x8   }
0x24: {  	_ =	swait.ge [sflag:s19], $0x1400  }
0x25: {  	[sflag:s19] =	ssyncset.done $0x0  }
0x26: {  	[sflag:s19] =	ssyncadd.s32 $0xFFFFEC00  }
0x27: {  	[spmem:s20@s17], [sflag:s13] =	dma.strided [hbm:s12@s18], $0x1400, s16, $0x8   }
0x28: {  	_ =	swait.ge [sflag:s19], $0x1400  }
0x29: {  	[sflag:s19] =	ssyncset.done $0x0  }
0x2a: {  	[sflag:s19] =	ssyncadd.s32 $0xFFFFEC00  }
0x2b: {  	[bflag:$0x0] =	sbarrier.arrive $0xFFFF  }
0x2c: {  	[tilespmem:s4], [sflag:$0x5] =	stream.linear.gather [hbm4b:s5+s4], $0x100, $0x38;
	[tilespmem:$0x1C400] =	vst v63  }
0x2d: {  	_ =	swait.ge [sflag:s19], $0x100  }
0x2e: {  	[sflag:s19] =	ssyncset.done $0x0  }
0x2f: {  	[sflag:s19] =	ssyncadd.s32 $0xFFFFFF00  }
0x30: {  	[tilespmem:s21], [sflag:$0x5] =	stream.linear.gather [hbm4b:s6+s4], $0x100, $0x38;
	[tilespmem:$0x1C400] =	vst v63  }
0x31: {  	_ =	swait.ge [sflag:s19], $0x100  }
0x32: {  	[sflag:s19] =	ssyncset.done $0x0  }
0x33: {  	[sflag:s19] =	ssyncadd.s32 $0xFFFFFF00  }
0x34: {  	[tilespmem:s23], [sflag:$0x1] =	stream.indirect.gather [spmem:s1], $0x40, s4, s22, $0xb8;
	[tilespmem:$0x1C400] =	vst v63  }
0x35: {  	_ =	swait.ge [sflag:s16], $0x4000  }
0x36: {  	[sflag:s16] =	ssyncset.done $0x0  }
0x37: {  	s0 =	rddreg [dreg:$0x6];
	[sflag:s16] =	ssyncadd.s32 $0xFFFFC000  }
0x38: {  	[tilespmem:s22], [sflag:$0x5] =	stream.linear.gather [hbm4b:s0+s4], $0x100, $0x38;
	[tilespmem:$0x1C400] =	vst v63  }
0x39: {  	_ =	swait.ge [sflag:s19], $0x100  }
0x3a: {  	[sflag:s19] =	ssyncset.done $0x0  }
0x3b: {  	[sflag:s19] =	ssyncadd.s32 $0xFFFFFF00  }
0x3c: {  	[tilespmem:s24], [sflag:$0x5] =	stream.linear.gather [hbm4b:s9+s4], $0x100, $0x38;
	[tilespmem:$0x1C400] =	vst v63  }
0x3d: {  	_ =	swait.ge [sflag:s19], $0x100  }
0x3e: {  	[sflag:s19] =	ssyncset.done $0x0  }
0x3f: {  	[sflag:s19] =	ssyncadd.s32 $0xFFFFFF00  }
0x40: {  	[tilespmem:s26], [sflag:$0x2] =	stream.indirect.gather [spmem:s1], $0x40, s22, s22, $0xb8;
	[tilespmem:$0x1C400] =	vst v63  }
0x41: {  	_ = 	snop  }
0x42: {  	[spmem:s2] =	stream.indirect.scatter.add.f32 [tilespmem:s23], [sflag:$0x3], $0x40, s21, s22, $0xb8;
	[tilespmem:$0x1C400] =	vst v63  }
0x43: {  	_ =	swait.ge [sflag:s28], $0x4000  }
0x44: {  	[sflag:s28] =	ssyncset.done $0x0  }
0x45: {  	[sflag:s28] =	ssyncadd.s32 $0xFFFFC000  }
0x46: {  	_ =	swait.ge [sflag:s29], $0x4000  }
0x47: {  	[sflag:s29] =	ssyncset.done $0x0  }
0x48: {  	[sflag:s29] =	ssyncadd.s32 $0xFFFFC000  }
0x49: {  	[tilespmem:s4], [sflag:$0x5] =	stream.linear.gather [hbm4b:s10+s4], $0x100, $0x38;
	[tilespmem:$0x1C400] =	vst v63  }
0x4a: {  	_ =	swait.ge [sflag:s19], $0x100  }
0x4b: {  	[sflag:s19] =	ssyncset.done $0x0  }
0x4c: {  	[sflag:s19] =	ssyncadd.s32 $0xFFFFFF00  }
0x4d: {  	[tilespmem:s21], [sflag:$0x5] =	stream.linear.gather [hbm4b:s11+s4], $0x100, $0x38;
	[tilespmem:$0x1C400] =	vst v63  }
0x4e: {  	_ =	swait.ge [sflag:s19], $0x100  }
0x4f: {  	[sflag:s19] =	ssyncset.done $0x0  }
0x50: {  	[sflag:s19] =	ssyncadd.s32 $0xFFFFFF00  }
0x51: {  	[tilespmem:s23], [sflag:$0x1] =	stream.indirect.gather [spmem:s1], $0x40, s4, s22, $0xb8;
	[tilespmem:$0x1C400] =	vst v63  }
0x52: {  	s0 =	simm.s32 $0xFFFFF680  }
0x53: {  	[spmem:s2] =	stream.indirect.scatter.add.f32 [tilespmem:s26], [sflag:$0x4], $0x40, s24, s22, $0xb8;
	[tilespmem:$0x1C400] =	vst v63  }
.LBB2_2:
0x54: {  	_ =	swait.ge [sflag:s30], $0x4000  }
0x55: {  	[sflag:s30] =	ssyncset.done $0x0  }
0x56: {  	[sflag:s30] =	ssyncadd.s32 $0xFFFFC000  }
0x57: {  	_ =	swait.ge [sflag:s16], $0x4000  }
0x58: {  	s3 =	sadd.s32 s0, s5;
	[sflag:s16] =	ssyncset.done $0x0  }
0x59: {  	s7 =	sadd.s32 $0x9E0, s3;
	[sflag:s16] =	ssyncadd.s32 $0xFFFFC000  }
0x5a: {  	[tilespmem:s22], [sflag:$0x5] =	stream.linear.gather [hbm4b:s7+s4], $0x100, $0x38;
	[tilespmem:$0x1C400] =	vst v63  }
0x5b: {  	_ =	swait.ge [sflag:s19], $0x100  }
0x5c: {  	s7 =	sadd.s32 s0, s6;
	[sflag:s19] =	ssyncset.done $0x0  }
0x5d: {  	s8 =	sadd.s32 $0x9E0, s7;
	[sflag:s19] =	ssyncadd.s32 $0xFFFFFF00  }
0x5e: {  	[tilespmem:s24], [sflag:$0x5] =	stream.linear.gather [hbm4b:s8+s4], $0x100, $0x38;
	[tilespmem:$0x1C400] =	vst v63  }
0x5f: {  	_ =	swait.ge [sflag:s19], $0x100  }
0x60: {  	[sflag:s19] =	ssyncset.done $0x0  }
0x61: {  	[sflag:s19] =	ssyncadd.s32 $0xFFFFFF00  }
0x62: {  	[tilespmem:s26], [sflag:$0x2] =	stream.indirect.gather [spmem:s1], $0x40, s22, s22, $0xb8;
	[tilespmem:$0x1C400] =	vst v63  }
0x63: {  	_ = 	snop  }
0x64: {  	[spmem:s2] =	stream.indirect.scatter.add.f32 [tilespmem:s23], [sflag:$0x3], $0x40, s21, s22, $0xb8;
	[tilespmem:$0x1C400] =	vst v63  }
0x65: {  	p0 =	seq.s32 s0, $0x0;
	_ =	swait.ge [sflag:s28], $0x4000  }
.Ltmp2:
0x66: {  	[sflag:s28] =	ssyncset.done $0x0;
	(pc) =	sbr.rel @p0 .LBB2_4-.Ltmp2, $4  }
0x67: {  	[sflag:s28] =	ssyncadd.s32 $0xFFFFC000  }
0x68: {  	_ =	swait.ge [sflag:s29], $0x4000  }
0x69: {  	[sflag:s29] =	ssyncset.done $0x0  }
0x6a: {  	[sflag:s29] =	ssyncadd.s32 $0xFFFFC000  }
0x6b: {  	s3 =	sadd.s32 $0xA00, s3  }
0x6c: {  	[tilespmem:s4], [sflag:$0x5] =	stream.linear.gather [hbm4b:s3+s4], $0x100, $0x38;
	[tilespmem:$0x1C400] =	vst v63  }
0x6d: {  	_ =	swait.ge [sflag:s19], $0x100  }
0x6e: {  	[sflag:s19] =	ssyncset.done $0x0  }
0x6f: {  	s8 =	sadd.s32 $0xA00, s7;
	[sflag:s19] =	ssyncadd.s32 $0xFFFFFF00  }
0x70: {  	[tilespmem:s21], [sflag:$0x5] =	stream.linear.gather [hbm4b:s8+s4], $0x100, $0x38;
	[tilespmem:$0x1C400] =	vst v63  }
0x71: {  	_ =	swait.ge [sflag:s19], $0x100  }
.Ltmp3:
0x72: {  	[sflag:s19] =	ssyncset.done $0x0;
	(pc) =	sbr.rel .LBB2_2-.Ltmp3, $4  }
0x73: {  	[sflag:s19] =	ssyncadd.s32 $0xFFFFFF00  }
0x74: {  	[tilespmem:s23], [sflag:$0x1] =	stream.indirect.gather [spmem:s1], $0x40, s4, s22, $0xb8;
	[tilespmem:$0x1C400] =	vst v63  }
0x75: {  	s0 =	sadd.s32 $0x40, s0  }
0x76: {  	[spmem:s2] =	stream.indirect.scatter.add.f32 [tilespmem:s26], [sflag:$0x4], $0x40, s24, s22, $0xb8;
	[tilespmem:$0x1C400] =	vst v63  }
.LBB2_5:
0x77: {  	_ =	sfence.sel $0x180000  }
0x78: {  	[bflag:$0x0] =	sbarrier.arrive $0xFFFF  }
0x79: {  	_ =	strace $0x9000004A  }
0x7a: {  	s0 =	stileid.u32;
	[bflag:$0x2] =	sbarrier.arrive $0xFFFF  }
0x7b: {  	p0 =	sne.s32 s0, $0x0;
	s0 =	rddreg [dreg:$0x4]  }
0x7c: {  	s0 =	sadd.s32 @!p0 $0x100000, s0  }
0x7d: {  	[sflag:s0] =	ssyncadd.tile.s32 @!p0 $0x1;
	_ =	shalt  }
.Lfunc_end2:
_tile_overlayer_lowered:
.L_overlay_start_2:
0x7e: {  	(tag) =	ssettag $0x2  }
0x7f: {  	s0 =	rddreg [dreg:$0x0];
	s2 =	stileid.u32  }
0x80: {  	s1 =	rddreg [dreg:$0x1];
	p0 =	sne.s32 s2, $0x0  }
0x81: {  	s3 =	rddreg [dreg:$0x2];
	[bflag:$0x3] =	sbarrier.arrive $0xFFFF;
	s2 =	simm.s32 @!p0 $0x1C05  }
0x82: {  	[timem:s3], [sflag:s2] =	dma.local @!p0 [hbm:s0], s1  }
0x83: {  	s0 =	simm.s32 @!p0 $0x5  }
0x84: {  	_ =	swait.ge @!p0 [sflag:s0], s1  }
0x85: {  	s1 =	ssub.s32 @!p0 $0x0, s1;
	[sflag:s0] =	ssyncset.done @!p0 $0x0  }
0x86: {  	[sflag:s0] =	ssyncadd.s32 @!p0 s1  }
0x87: {  	[bflag:$0x3] =	sbarrier.arrive $0xFFFF  }
0x88: {  	_ =	shalt  }

// kernel: kernel.16.cloned.1.call-start
scs
__scs_entry_jumppad:
0x0: {  	(pc) =	sbr.rel $0x88, $3  }
0x1: {  	(tag) =	ssettag $0x0;
	lr =	simm.s32 $0x1  }
0x2: {  	[smem:$0x3F99] =	sst lr;
	_ =	strace $0xD0000000  }
0x3: {  	_ = 	snop  }
0x4: {  	_ = 	snop  }
0x5: {  	_ = 	snop  }
0x6: {  	_ = 	snop  }
0x7: {  	_ = 	snop  }
__scs_overlays_trampoline_lowered:
0x8: {  	[smem:$0x3FA8] =	sst s0  }
0x9: {  	[smem:$0x3FA9] =	sst s1  }
0xa: {  	[smem:$0x3FAA] =	sst s2  }
0xb: {  	[smem:$0x3FAB] =	sst s3  }
0xc: {  	[smem:$0x3FAC] =	sst s4  }
0xd: {  	[smem:$0x3FAD] =	sst s5  }
0xe: {  	[smem:$0x3FAE] =	sst s6  }
0xf: {  	[smem:$0x3FAF] =	sst s7  }
0x10: {  	[smem:$0x3FB0] =	sst s8  }
0x11: {  	[smem:$0x3FB1] =	sst s9;
	s0 =	simm.s32 @!p0 $0x0  }
0x12: {  	s1 =	sld [smem:$0x3F97];
	s0 =	simm.s32 @p0 $0x1  }
0x13: {  	[smem:$0x3FB2] =	sst s0;
	s0 =	simm.s32 @!p1 $0x0  }
0x14: {  	s2 =	sld [smem:$0x3F96];
	s0 =	simm.s32 @p1 $0x1  }
0x15: {  	[smem:$0x3FB3] =	sst s0;
	s0 =	simm.s32 @!p2 $0x0  }
0x16: {  	s3 =	sld [smem:$0x3FDB];
	s0 =	simm.s32 @p2 $0x1  }
0x17: {  	s4 =	simm.s32 $0x1BF5;
	[smem:$0x3FB5] =	sst s0  }
0x18: {  	s0 =	sld [smem:$0x3F98];
	_ =	swait.ge [sflag:s4], $0x0  }
0x19: {  	s7 =	sld [smem:$0x3F99]  }
0x1a: {  	s8 =	sadd.s32 $0xFFFFE003, lr  }
0x1b: {  	s9 =	sadd.s32 $0xFFFFFEF7, lr;
	s5 =	simm.s32 $0xFFFFFFFF;
	p2 =	slt.u32 s8, $0xFFFFF086  }
0x1c: {  	p1 =	slt.u32 s9, $0xF7A;
	s5 =	simm.s32 @!p2 $0x0  }
0x1d: {  	s5 =	simm.s32 @p1 $0x1;
	p0 =	seq.s32 s7, s2  }
0x1e: {  	s7 =	smul.u32 @!p0 $0xF7A, s2;
	p2 =	seq.s32 @!p0 s5, $0x0  }
0x1f: {  	s9 =	smul.u32 $0xF7A, s1;
	s8 =	simm.s32 @!p0 $0x1BF5;
	p2 =	por !p2, p0  }
0x20: {  	[sflag:s8] =	ssyncset.s32 @!p0 $0xFFFFF086;
	s6 =	sadd.s32 @!p0 s3, s7;
	s7 =	simm.s32 @!p0 $0x108  }
0x21: {  	s3 =	sadd.s32 s3, s9;
	s6 =	sadd.s32 @!p0 $0x88, s6;
	s7 =	simm.s32 @p2 $0x1082  }
0x22: {  	[simem:s7], [sflag:s8] =	dma.local @!p0 [hbm:s6], $0xF7A  }
0x23: {  	s9 =	sor.u32 $0xD0000000, s2;
	s6 =	simm.s32 $0x108;
	_ =	swait.ge @!p0 [sflag:s8], $0x0  }
0x24: {  	s3 =	sadd.s32 $0x88, s3;
	s6 =	simm.s32 @!p1 $0x1082;
	[sflag:s4] =	ssyncset.s32 $0xFFFFF086  }
0x25: {  	[simem:s6], [sflag:s4] =	dma.local [hbm:s3], $0xF7A  }
0x26: {  	[smem:$0x3F99] =	sst s1;
	(tag) =	ssettag s2;
	_ =	strace s9  }
0x27: {  	s1 =	sld [smem:$0x3FA9]  }
0x28: {  	s2 =	sld [smem:$0x3FAA]  }
0x29: {  	s4 =	sld [smem:$0x3FAC]  }
0x2a: {  	p0 =	seq.s32 s5, $0x0;
	s5 =	sld [smem:$0x3FAD]  }
0x2b: {  	s6 =	sld [smem:$0x3FAE]  }
0x2c: {  	s7 =	sld [smem:$0x3FAF]  }
0x2d: {  	s3 =	simm.s32 $0x108;
	s8 =	sld [smem:$0x3FB0]  }
0x2e: {  	s3 =	simm.s32 @!p0 $0x1082;
	s9 =	sld [smem:$0x3FB1]  }
0x2f: {  	lr =	sadd.s32 s0, s3;
	s0 =	sld [smem:$0x3FA8]  }
0x30: {  	s3 =	sld [smem:$0x3FAB]  }
0x31: {  	[smem:$0x3FB4] =	sst s10  }
0x32: {  	s10 =	sld [smem:$0x3FB2];
	_ =	sdelay $0x3  }
0x33: {  	p0 =	seq.s32 s10, $0x1;
	s10 =	sld [smem:$0x3FB4];
	_ =	sdelay $0x3  }
0x34: {  	[smem:$0x3FB4] =	sst s10  }
0x35: {  	s10 =	sld [smem:$0x3FB3];
	_ =	sdelay $0x3  }
0x36: {  	p1 =	seq.s32 s10, $0x1;
	s10 =	sld [smem:$0x3FB4];
	_ =	sdelay $0x3  }
0x37: {  	[smem:$0x3FB4] =	sst s10  }
0x38: {  	s10 =	sld [smem:$0x3FB5]  }
0x39: {  	_ = 	snop;
	(pc) =	sbr.ind lr, $3  }
0x3a: {  	_ = 	snop  }
0x3b: {  	_ = 	snop  }
0x3c: {  	p2 =	seq.s32 s10, $0x1;
	s10 =	sld [smem:$0x3FB4]  }
0x3d: {  	_ =	shalt  }
0x3e: {  	_ =	shalt  }
0x3f: {  	_ =	shalt  }
0x40: {  	_ =	shalt  }
0x41: {  	_ =	shalt  }
0x42: {  	_ =	shalt  }
0x43: {  	_ =	shalt  }
0x44: {  	_ =	shalt  }
0x45: {  	_ =	shalt  }
0x46: {  	_ =	shalt  }
0x47: {  	_ =	shalt  }
0x48: {  	_ =	shalt  }
0x49: {  	_ =	shalt  }
0x4a: {  	_ =	shalt  }
0x4b: {  	_ =	shalt  }
0x4c: {  	_ =	shalt  }
0x4d: {  	_ =	shalt  }
0x4e: {  	_ =	shalt  }
0x4f: {  	_ =	shalt  }
0x50: {  	_ =	shalt  }
0x51: {  	_ =	shalt  }
0x52: {  	_ =	shalt  }
0x53: {  	_ =	shalt  }
0x54: {  	_ =	shalt  }
0x55: {  	_ =	shalt  }
0x56: {  	_ =	shalt  }
0x57: {  	_ =	shalt  }
0x58: {  	_ =	shalt  }
0x59: {  	_ =	shalt  }
0x5a: {  	_ =	shalt  }
0x5b: {  	_ =	shalt  }
0x5c: {  	_ =	shalt  }
0x5d: {  	_ =	shalt  }
0x5e: {  	_ =	shalt  }
0x5f: {  	_ =	shalt  }
0x60: {  	_ =	shalt  }
0x61: {  	_ =	shalt  }
0x62: {  	_ =	shalt  }
0x63: {  	_ =	shalt  }
0x64: {  	_ =	shalt  }
0x65: {  	_ =	shalt  }
0x66: {  	_ =	shalt  }
0x67: {  	_ =	shalt  }
0x68: {  	_ =	shalt  }
0x69: {  	_ =	shalt  }
0x6a: {  	_ =	shalt  }
0x6b: {  	_ =	shalt  }
0x6c: {  	_ =	shalt  }
0x6d: {  	_ =	shalt  }
0x6e: {  	_ =	shalt  }
0x6f: {  	_ =	shalt  }
0x70: {  	_ =	shalt  }
0x71: {  	_ =	shalt  }
0x72: {  	_ =	shalt  }
0x73: {  	_ =	shalt  }
0x74: {  	_ =	shalt  }
0x75: {  	_ =	shalt  }
0x76: {  	_ =	shalt  }
0x77: {  	_ =	shalt  }
0x78: {  	_ =	shalt  }
0x79: {  	_ =	shalt  }
0x7a: {  	_ =	shalt  }
0x7b: {  	_ =	shalt  }
0x7c: {  	_ =	shalt  }
0x7d: {  	_ =	shalt  }
0x7e: {  	_ =	shalt  }
0x7f: {  	_ =	shalt  }
0x80: {  	_ =	shalt  }
0x81: {  	_ =	shalt  }
0x82: {  	_ =	shalt  }
0x83: {  	_ =	shalt  }
0x84: {  	_ =	shalt  }
0x85: {  	_ =	shalt  }
0x86: {  	_ =	shalt  }
0x87: {  	_ =	shalt  }
.Lfunc_end0:
.L_simem_size_0:
called_computation.2_lowered:
.L_overlay_start_0:
0x88: {  	s2 =	sld [smem:$0x3FD9]  }
0x89: {  	s3 =	sld [smem:$0x3FFE];
	_ =	sdelay $0x1  }
0x8a: {  	s1 =	srdreg.scid  }
0x8b: {  	s0 =	sand.u32 $0x1, s1  }
0x8c: {  	s17 =	sshll.u32 s0, $0xA;
	s2 =	sadd.s32 s3, s2  }
0x8d: {  	s2 =	sadd.s32 s2, s17  }
0x8e: {  	[smem:$0x3FC0] =	sst s2  }
0x8f: {  	_ = 	snop  }
0x90: {  	s2 =	sld [smem:$0x3FD0];
	(tm) =	ssettm $0x1  }
0x91: {  	s18 =	sld [smem:$0x3FFB];
	_ =	sdelay $0x3  }
0x92: {  	_ =	strace s18  }
0x93: {  	s3 =	sld [smem:$0x3FFC];
	_ =	sdelay $0x3  }
0x94: {  	_ =	strace s3  }
0x95: {  	s3 =	sld [smem:$0x3FFD];
	_ =	sdelay $0x3  }
0x96: {  	_ =	strace s3  }
0x97: {  	_ =	strace $0x8FFFFFFF  }
0x98: {  	s19 =	sld [smem:$0x3FDB];
	_ =	sdelay $0x1  }
0x99: {  	s4 =	simm.s32 $_scs_section_size  }
0x9a: {  	s5 =	simm.s32 $_size__tile_overlayer_lowered;
	s6 =	simm.s32 $_tile_overlayer_lowered  }
0x9b: {  	s22 =	simm.s32 $0x1BFF;
	s21 =	sshll.u32 s6, $0x1;
	s3 =	sadd.s32 s4, s19  }
0x9c: {  	s7 =	simm.s32 $0x0;
	s20 =	sshll.u32 s5, $0x1;
	s5 =	sadd.s32 s21, s3  }
0x9d: {  	[timem:s7], [sflag:s22] =	dma.local [hbm:s5], s20  }
0x9e: {  	_ =	swait.ge [sflag:s22], s20  }
0x9f: {  	s4 =	ssub.s32 $0x0, s20;
	[sflag:s22] =	ssyncset.done $0x0  }
0xa0: {  	[sflag:s22] =	ssyncadd.s32 s4;
	_ =	sdelay $0x1  }
0xa1: {  	s23 =	simm.s32 $0x1B8B  }
0xa2: {  	_ =	swait.ge [sflag:s23], $0x1  }
0xa3: {  	[sflag:s23] =	ssyncset.done $0x0  }
0xa4: {  	s25 =	simm.s32 $0x1B8E;
	s24 =	sld [smem:$0x3FFE];
	[sflag:s23] =	ssyncadd.s32 $0xFFFFFFFF  }
0xa5: {  	s26 =	simm.s32 $execute0_lowered;
	[smem:$0x3FD2] =	sst s25  }
0xa6: {  	s5 =	sshll.u32 s26, $0x1;
	_ =	strace $0x8000004C;
	[dreg:$0x1] =	wrdreg $0xFFFFFFFF  }
0xa7: {  	s28 =	simm.s32 $_size_execute0_lowered;
	s3 =	sadd.s32 s3, s5;
	[dreg:$0x0] =	wrdreg $0x0  }
0xa8: {  	s5 =	sshll.u32 s28, $0x1;
	[dreg:$0x2] =	wrdreg s3  }
0xa9: {  	[dreg:$0x3] =	wrdreg s5  }
0xaa: {  	[dreg:$0x4] =	wrdreg $0xC0  }
0xab: {  	_ =	task [dreg:s7], $0x5FFFF  }
0xac: {  	[dreg:$0x1] =	wrdreg $0xFFFFFFFF  }
0xad: {  	[dreg:$0x0] =	wrdreg $0x60  }
0xae: {  	[dreg:$0x2] =	wrdreg s24  }
0xaf: {  	[dreg:$0x3] =	wrdreg s2  }
0xb0: {  	[dreg:$0x4] =	wrdreg $0x84000  }
0xb1: {  	[dreg:$0x5] =	wrdreg $0x124000  }
0xb2: {  	[dreg:$0x6] =	wrdreg $0x9  }
0xb3: {  	_ =	task.clear_ibuf [dreg:s7], $0x7FFFF;
	_ =	strace $0x9000004C  }
0xb4: {  	s29 =	simm.s32 $0x9;
	_ =	strace $0x8000004E  }
0xb5: {  	_ =	swait.ge [sflag:s29], $0x1  }
0xb6: {  	[sflag:s29] =	ssyncadd.s32 $0xFFFFFFFF  }
0xb7: {  	_ =	strace $0x9000004E  }
0xb8: {  	_ =	sfence  }
0xb9: {  	s30 =	sld [smem:$0x0];
	_ =	sdelay $0x2  }
0xba: {  	s31 =	sshll.u32 s1, $0xD;
	s1 =	sshrl.u32 s1, $0x2  }
0xbb: {  	s3 =	sand.u32 $0x4000, s31;
	s1 =	sadd.s32 s1, s30  }
0xbc: {  	s0 =	sor.u32 s3, s0;
	s1 =	sshll.u32 s1, $0x11  }
0xbd: {  	s0 =	sor.u32 s1, s0  }
0xbe: {  	s0 =	sadd.s32 $0x8F2B, s0  }
0xbf: {  	[sflag:s0] =	ssyncadd.remote.s32 $0x1  }
0xc0: {  	_ =	sfence.sel $0xFFFF  }
0xc1: {  	[dreg:$0x0] =	wrdreg $0xFFFFFFFF;
	(pc) =	sbr.abs _section_cstart, $3  }
0xc2: {  	[dreg:$0x1] =	wrdreg $0xFFFFFFFF  }
0xc3: {  	_ =	task.clear_ibuf [dreg:s7], $0x2FFFF;
	_ =	strace $0x9FFFFFFF  }
0xc4: {  	(tm) =	ssettm $0x7FFFFFFF  }
0xc5: {  	_ =	shalt  }
tec
execute0_lowered:
.L_overlay_start_1:
0x0: {  	(tag) =	ssettag $0x1  }
0x1: {  	s0 =	rddreg [dreg:$0x0]  }
0x2: {  	s3 =	rddreg [dreg:$0x1]  }
0x3: {  	s1 =	rddreg [dreg:$0x2]  }
0x4: {  	s2 =	rddreg [dreg:$0x3];
	s4 =	simm.s32 $0x0;
	s5 =	srdreg.scid  }
0x5: {  	s13 =	stileid.u32;
	s16 =	simm.s32 $0x1;
	s17 =	simm.s32 $0x8  }
0x6: {  	s18 =	simm.s32 $0x10;
	s19 =	simm.s32 $0x5;
	s21 =	simm.s32 $0x200  }
0x7: {  	s28 =	simm.s32 $0x2;
	s29 =	simm.s32 $0x3;
	s6 =	smul.u32 $0xA000, s13  }
0x8: {  	s30 =	simm.s32 $0x4;
	s31 =	simm.s32 $0x0;
	s9 =	smul.u32 $0xA00, s13  }
0x9: {  	[smem:$0x7FF] =	sst s4;
	s7 =	sadd.s32 $0xC800, s0;
	s10 =	smul.u32 $0x28000, s13  }
0xa: {  	s5 =	sand.u32 $0x1, s5;
	s11 =	smul.u32 $0x2800, s13;
	s26 =	sshll.u32 s13, $0x6  }
0xb: {  	_ =	strace $0x8000004D;
	s8 =	sshll.u32 s5, $0x3;
	s5 =	ssub.s32 $0x2, s5  }
0xc: {  	s13 =	sor.u32 $0x1C05, s26;
	s26 =	simm.s32 $0x4400;
	s0 =	sadd.s32 s8, s0  }
0xd: {  	s22 =	sshrl.u32 s5, $0x1;
	s15 =	sadd.s32 s6, s1;
	s20 =	sadd.s32 s6, s2  }
0xe: {  	s10 =	sshrl.u32 s10, $0x2;
	s6 =	sadd.s32 s3, s9;
	s23 =	sor.u32 $0x20, s9  }
0xf: {  	s12 =	sor.u32 $0x40, s9;
	s8 =	ssub.s32 s5, s22;
	s5 =	sadd.s32 s7, s9  }
0x10: {  	s25 =	sadd.s32 s10, s2;
	s24 =	sadd.s32 s7, s23;
	s9 =	sadd.s32 s3, s23  }
.Ltmp0:
0x11: {  	s10 =	sadd.s32 s7, s12;
	s0 =	sadd.s32 s11, s0;
	(pc) =	sbr.rel .LBB2_1-.Ltmp0, $4  }
0x12: {  	s11 =	sadd.s32 s3, s12;
	s15 =	sshrl.u32 s15, $0x3;
	s20 =	sshrl.u32 s20, $0x3  }
0x13: {  	s22 =	simm.s32 $0x100;
	s23 =	simm.s32 $0x400;
	s8 =	smax.u32 s8, $0x1  }
0x14: {  	[dreg:$0x6] =	wrdreg s24;
	s12 =	sadd.s32 $0x16800, s0;
	s14 =	sadd.s32 $0x3E800, s0  }
0x15: {  	s24 =	simm.s32 $0x300;
	s25 =	sshrl.u32 s25, $0x3;
	[dreg:$0x5] =	wrdreg s8  }
.LBB2_4:
0x16: {  	[spmem:s2] =	stream.indirect.scatter.add.f32 [tilespmem:s26], [sflag:$0x4], $0x40, s24, s22, $0xb8;
	[tilespmem:$0x1C400] =	vst v63  }
0x17: {  	_ =	swait.ge [sflag:s30], $0x4000  }
0x18: {  	[sflag:s30] =	ssyncset.done $0x0  }
0x19: {  	[sflag:s30] =	ssyncadd.s32 $0xFFFFC000  }
0x1a: {  	[bflag:$0x0] =	sbarrier.arrive $0xFFFF  }
0x1b: {  	[hbm:s14@s18], [sflag:s13] =	dma.strided [spmem:s25@s17], $0x1400, s16, $0x8   }
0x1c: {  	_ =	swait.ge [sflag:s19], $0x1400  }
0x1d: {  	s31 =	sadd.s32 $0x1, s31;
	s0 =	rddreg [dreg:$0x5]  }
0x1e: {  	p0 =	sne.s32 s31, s0  }
.Ltmp1:
0x1f: {  	_ = 	snop;
	(pc) =	sbr.rel @!p0 .LBB2_5-.Ltmp1, $3  }
0x20: {  	_ =	sdelay $0x1  }
0x21: {  	[sflag:s19] =	ssyncset.done $0x0  }
0x22: {  	[sflag:s19] =	ssyncadd.s32 $0xFFFFEC00  }
.LBB2_1:
0x23: {  	[spmem:s15@s17], [sflag:s13] =	dma.strided [hbm:s12@s18], $0x1400, s16, $0x8   }
0x24: {  	_ =	swait.ge [sflag:s19], $0x1400  }
0x25: {  	[sflag:s19] =	ssyncset.done $0x0  }
0x26: {  	[sflag:s19] =	ssyncadd.s32 $0xFFFFEC00  }
0x27: {  	[spmem:s20@s17], [sflag:s13] =	dma.strided [hbm:s12@s18], $0x1400, s16, $0x8   }
0x28: {  	_ =	swait.ge [sflag:s19], $0x1400  }
0x29: {  	[sflag:s19] =	ssyncset.done $0x0  }
0x2a: {  	[sflag:s19] =	ssyncadd.s32 $0xFFFFEC00  }
0x2b: {  	[bflag:$0x0] =	sbarrier.arrive $0xFFFF  }
0x2c: {  	[tilespmem:s4], [sflag:$0x5] =	stream.linear.gather [hbm4b:s5+s4], $0x100, $0x38;
	[tilespmem:$0x1C400] =	vst v63  }
0x2d: {  	_ =	swait.ge [sflag:s19], $0x100  }
0x2e: {  	[sflag:s19] =	ssyncset.done $0x0  }
0x2f: {  	[sflag:s19] =	ssyncadd.s32 $0xFFFFFF00  }
0x30: {  	[tilespmem:s21], [sflag:$0x5] =	stream.linear.gather [hbm4b:s6+s4], $0x100, $0x38;
	[tilespmem:$0x1C400] =	vst v63  }
0x31: {  	_ =	swait.ge [sflag:s19], $0x100  }
0x32: {  	[sflag:s19] =	ssyncset.done $0x0  }
0x33: {  	[sflag:s19] =	ssyncadd.s32 $0xFFFFFF00  }
0x34: {  	[tilespmem:s23], [sflag:$0x1] =	stream.indirect.gather [spmem:s1], $0x40, s4, s22, $0xb8;
	[tilespmem:$0x1C400] =	vst v63  }
0x35: {  	_ =	swait.ge [sflag:s16], $0x4000  }
0x36: {  	[sflag:s16] =	ssyncset.done $0x0  }
0x37: {  	s0 =	rddreg [dreg:$0x6];
	[sflag:s16] =	ssyncadd.s32 $0xFFFFC000  }
0x38: {  	[tilespmem:s22], [sflag:$0x5] =	stream.linear.gather [hbm4b:s0+s4], $0x100, $0x38;
	[tilespmem:$0x1C400] =	vst v63  }
0x39: {  	_ =	swait.ge [sflag:s19], $0x100  }
0x3a: {  	[sflag:s19] =	ssyncset.done $0x0  }
0x3b: {  	[sflag:s19] =	ssyncadd.s32 $0xFFFFFF00  }
0x3c: {  	[tilespmem:s24], [sflag:$0x5] =	stream.linear.gather [hbm4b:s9+s4], $0x100, $0x38;
	[tilespmem:$0x1C400] =	vst v63  }
0x3d: {  	_ =	swait.ge [sflag:s19], $0x100  }
0x3e: {  	[sflag:s19] =	ssyncset.done $0x0  }
0x3f: {  	[sflag:s19] =	ssyncadd.s32 $0xFFFFFF00  }
0x40: {  	[tilespmem:s26], [sflag:$0x2] =	stream.indirect.gather [spmem:s1], $0x40, s22, s22, $0xb8;
	[tilespmem:$0x1C400] =	vst v63  }
0x41: {  	_ = 	snop  }
0x42: {  	[spmem:s2] =	stream.indirect.scatter.add.f32 [tilespmem:s23], [sflag:$0x3], $0x40, s21, s22, $0xb8;
	[tilespmem:$0x1C400] =	vst v63  }
0x43: {  	_ =	swait.ge [sflag:s28], $0x4000  }
0x44: {  	[sflag:s28] =	ssyncset.done $0x0  }
0x45: {  	[sflag:s28] =	ssyncadd.s32 $0xFFFFC000  }
0x46: {  	_ =	swait.ge [sflag:s29], $0x4000  }
0x47: {  	[sflag:s29] =	ssyncset.done $0x0  }
0x48: {  	[sflag:s29] =	ssyncadd.s32 $0xFFFFC000  }
0x49: {  	[tilespmem:s4], [sflag:$0x5] =	stream.linear.gather [hbm4b:s10+s4], $0x100, $0x38;
	[tilespmem:$0x1C400] =	vst v63  }
0x4a: {  	_ =	swait.ge [sflag:s19], $0x100  }
0x4b: {  	[sflag:s19] =	ssyncset.done $0x0  }
0x4c: {  	[sflag:s19] =	ssyncadd.s32 $0xFFFFFF00  }
0x4d: {  	[tilespmem:s21], [sflag:$0x5] =	stream.linear.gather [hbm4b:s11+s4], $0x100, $0x38;
	[tilespmem:$0x1C400] =	vst v63  }
0x4e: {  	_ =	swait.ge [sflag:s19], $0x100  }
0x4f: {  	[sflag:s19] =	ssyncset.done $0x0  }
0x50: {  	[sflag:s19] =	ssyncadd.s32 $0xFFFFFF00  }
0x51: {  	[tilespmem:s23], [sflag:$0x1] =	stream.indirect.gather [spmem:s1], $0x40, s4, s22, $0xb8;
	[tilespmem:$0x1C400] =	vst v63  }
0x52: {  	s0 =	simm.s32 $0xFFFFF680  }
0x53: {  	[spmem:s2] =	stream.indirect.scatter.add.f32 [tilespmem:s26], [sflag:$0x4], $0x40, s24, s22, $0xb8;
	[tilespmem:$0x1C400] =	vst v63  }
.LBB2_2:
0x54: {  	_ =	swait.ge [sflag:s30], $0x4000  }
0x55: {  	[sflag:s30] =	ssyncset.done $0x0  }
0x56: {  	[sflag:s30] =	ssyncadd.s32 $0xFFFFC000  }
0x57: {  	_ =	swait.ge [sflag:s16], $0x4000  }
0x58: {  	s3 =	sadd.s32 s0, s5;
	[sflag:s16] =	ssyncset.done $0x0  }
0x59: {  	s7 =	sadd.s32 $0x9E0, s3;
	[sflag:s16] =	ssyncadd.s32 $0xFFFFC000  }
0x5a: {  	[tilespmem:s22], [sflag:$0x5] =	stream.linear.gather [hbm4b:s7+s4], $0x100, $0x38;
	[tilespmem:$0x1C400] =	vst v63  }
0x5b: {  	_ =	swait.ge [sflag:s19], $0x100  }
0x5c: {  	s7 =	sadd.s32 s0, s6;
	[sflag:s19] =	ssyncset.done $0x0  }
0x5d: {  	s8 =	sadd.s32 $0x9E0, s7;
	[sflag:s19] =	ssyncadd.s32 $0xFFFFFF00  }
0x5e: {  	[tilespmem:s24], [sflag:$0x5] =	stream.linear.gather [hbm4b:s8+s4], $0x100, $0x38;
	[tilespmem:$0x1C400] =	vst v63  }
0x5f: {  	_ =	swait.ge [sflag:s19], $0x100  }
0x60: {  	[sflag:s19] =	ssyncset.done $0x0  }
0x61: {  	[sflag:s19] =	ssyncadd.s32 $0xFFFFFF00  }
0x62: {  	[tilespmem:s26], [sflag:$0x2] =	stream.indirect.gather [spmem:s1], $0x40, s22, s22, $0xb8;
	[tilespmem:$0x1C400] =	vst v63  }
0x63: {  	_ = 	snop  }
0x64: {  	[spmem:s2] =	stream.indirect.scatter.add.f32 [tilespmem:s23], [sflag:$0x3], $0x40, s21, s22, $0xb8;
	[tilespmem:$0x1C400] =	vst v63  }
0x65: {  	p0 =	seq.s32 s0, $0x0;
	_ =	swait.ge [sflag:s28], $0x4000  }
.Ltmp2:
0x66: {  	[sflag:s28] =	ssyncset.done $0x0;
	(pc) =	sbr.rel @p0 .LBB2_4-.Ltmp2, $4  }
0x67: {  	[sflag:s28] =	ssyncadd.s32 $0xFFFFC000  }
0x68: {  	_ =	swait.ge [sflag:s29], $0x4000  }
0x69: {  	[sflag:s29] =	ssyncset.done $0x0  }
0x6a: {  	[sflag:s29] =	ssyncadd.s32 $0xFFFFC000  }
0x6b: {  	s3 =	sadd.s32 $0xA00, s3  }
0x6c: {  	[tilespmem:s4], [sflag:$0x5] =	stream.linear.gather [hbm4b:s3+s4], $0x100, $0x38;
	[tilespmem:$0x1C400] =	vst v63  }
0x6d: {  	_ =	swait.ge [sflag:s19], $0x100  }
0x6e: {  	[sflag:s19] =	ssyncset.done $0x0  }
0x6f: {  	s8 =	sadd.s32 $0xA00, s7;
	[sflag:s19] =	ssyncadd.s32 $0xFFFFFF00  }
0x70: {  	[tilespmem:s21], [sflag:$0x5] =	stream.linear.gather [hbm4b:s8+s4], $0x100, $0x38;
	[tilespmem:$0x1C400] =	vst v63  }
0x71: {  	_ =	swait.ge [sflag:s19], $0x100  }
.Ltmp3:
0x72: {  	[sflag:s19] =	ssyncset.done $0x0;
	(pc) =	sbr.rel .LBB2_2-.Ltmp3, $4  }
0x73: {  	[sflag:s19] =	ssyncadd.s32 $0xFFFFFF00  }
0x74: {  	[tilespmem:s23], [sflag:$0x1] =	stream.indirect.gather [spmem:s1], $0x40, s4, s22, $0xb8;
	[tilespmem:$0x1C400] =	vst v63  }
0x75: {  	s0 =	sadd.s32 $0x40, s0  }
0x76: {  	[spmem:s2] =	stream.indirect.scatter.add.f32 [tilespmem:s26], [sflag:$0x4], $0x40, s24, s22, $0xb8;
	[tilespmem:$0x1C400] =	vst v63  }
.LBB2_5:
0x77: {  	_ =	sfence.sel $0x180000  }
0x78: {  	[bflag:$0x0] =	sbarrier.arrive $0xFFFF  }
0x79: {  	_ =	strace $0x9000004D  }
0x7a: {  	s0 =	stileid.u32;
	[bflag:$0x2] =	sbarrier.arrive $0xFFFF  }
0x7b: {  	p0 =	sne.s32 s0, $0x0;
	s0 =	rddreg [dreg:$0x4]  }
0x7c: {  	s0 =	sadd.s32 @!p0 $0x100000, s0  }
0x7d: {  	[sflag:s0] =	ssyncadd.tile.s32 @!p0 $0x1;
	_ =	shalt  }
.Lfunc_end2:
_tile_overlayer_lowered:
.L_overlay_start_2:
0x7e: {  	(tag) =	ssettag $0x2  }
0x7f: {  	s0 =	rddreg [dreg:$0x0];
	s2 =	stileid.u32  }
0x80: {  	s1 =	rddreg [dreg:$0x1];
	p0 =	sne.s32 s2, $0x0  }
0x81: {  	s3 =	rddreg [dreg:$0x2];
	[bflag:$0x3] =	sbarrier.arrive $0xFFFF;
	s2 =	simm.s32 @!p0 $0x1C05  }
0x82: {  	[timem:s3], [sflag:s2] =	dma.local @!p0 [hbm:s0], s1  }
0x83: {  	s0 =	simm.s32 @!p0 $0x5  }
0x84: {  	_ =	swait.ge @!p0 [sflag:s0], s1  }
0x85: {  	s1 =	ssub.s32 @!p0 $0x0, s1;
	[sflag:s0] =	ssyncset.done @!p0 $0x0  }
0x86: {  	[sflag:s0] =	ssyncadd.s32 @!p0 s1  }
0x87: {  	[bflag:$0x3] =	sbarrier.arrive $0xFFFF  }
0x88: {  	_ =	shalt  }

// kernel: kernel.19.cloned.1.call-start
scs
__scs_entry_jumppad:
0x0: {  	(pc) =	sbr.rel $0x88, $3  }
0x1: {  	(tag) =	ssettag $0x0;
	lr =	simm.s32 $0x1  }
0x2: {  	[smem:$0x3F99] =	sst lr;
	_ =	strace $0xD0000000  }
0x3: {  	_ = 	snop  }
0x4: {  	_ = 	snop  }
0x5: {  	_ = 	snop  }
0x6: {  	_ = 	snop  }
0x7: {  	_ = 	snop  }
__scs_overlays_trampoline_lowered:
0x8: {  	[smem:$0x3FA8] =	sst s0  }
0x9: {  	[smem:$0x3FA9] =	sst s1  }
0xa: {  	[smem:$0x3FAA] =	sst s2  }
0xb: {  	[smem:$0x3FAB] =	sst s3  }
0xc: {  	[smem:$0x3FAC] =	sst s4  }
0xd: {  	[smem:$0x3FAD] =	sst s5  }
0xe: {  	[smem:$0x3FAE] =	sst s6  }
0xf: {  	[smem:$0x3FAF] =	sst s7  }
0x10: {  	[smem:$0x3FB0] =	sst s8  }
0x11: {  	[smem:$0x3FB1] =	sst s9;
	s0 =	simm.s32 @!p0 $0x0  }
0x12: {  	s1 =	sld [smem:$0x3F97];
	s0 =	simm.s32 @p0 $0x1  }
0x13: {  	[smem:$0x3FB2] =	sst s0;
	s0 =	simm.s32 @!p1 $0x0  }
0x14: {  	s2 =	sld [smem:$0x3F96];
	s0 =	simm.s32 @p1 $0x1  }
0x15: {  	[smem:$0x3FB3] =	sst s0;
	s0 =	simm.s32 @!p2 $0x0  }
0x16: {  	s3 =	sld [smem:$0x3FDB];
	s0 =	simm.s32 @p2 $0x1  }
0x17: {  	s4 =	simm.s32 $0x1BF5;
	[smem:$0x3FB5] =	sst s0  }
0x18: {  	s0 =	sld [smem:$0x3F98];
	_ =	swait.ge [sflag:s4], $0x0  }
0x19: {  	s7 =	sld [smem:$0x3F99]  }
0x1a: {  	s8 =	sadd.s32 $0xFFFFE003, lr  }
0x1b: {  	s9 =	sadd.s32 $0xFFFFFEF7, lr;
	s5 =	simm.s32 $0xFFFFFFFF;
	p2 =	slt.u32 s8, $0xFFFFF086  }
0x1c: {  	p1 =	slt.u32 s9, $0xF7A;
	s5 =	simm.s32 @!p2 $0x0  }
0x1d: {  	s5 =	simm.s32 @p1 $0x1;
	p0 =	seq.s32 s7, s2  }
0x1e: {  	s7 =	smul.u32 @!p0 $0xF7A, s2;
	p2 =	seq.s32 @!p0 s5, $0x0  }
0x1f: {  	s9 =	smul.u32 $0xF7A, s1;
	s8 =	simm.s32 @!p0 $0x1BF5;
	p2 =	por !p2, p0  }
0x20: {  	[sflag:s8] =	ssyncset.s32 @!p0 $0xFFFFF086;
	s6 =	sadd.s32 @!p0 s3, s7;
	s7 =	simm.s32 @!p0 $0x108  }
0x21: {  	s3 =	sadd.s32 s3, s9;
	s6 =	sadd.s32 @!p0 $0x88, s6;
	s7 =	simm.s32 @p2 $0x1082  }
0x22: {  	[simem:s7], [sflag:s8] =	dma.local @!p0 [hbm:s6], $0xF7A  }
0x23: {  	s9 =	sor.u32 $0xD0000000, s2;
	s6 =	simm.s32 $0x108;
	_ =	swait.ge @!p0 [sflag:s8], $0x0  }
0x24: {  	s3 =	sadd.s32 $0x88, s3;
	s6 =	simm.s32 @!p1 $0x1082;
	[sflag:s4] =	ssyncset.s32 $0xFFFFF086  }
0x25: {  	[simem:s6], [sflag:s4] =	dma.local [hbm:s3], $0xF7A  }
0x26: {  	[smem:$0x3F99] =	sst s1;
	(tag) =	ssettag s2;
	_ =	strace s9  }
0x27: {  	s1 =	sld [smem:$0x3FA9]  }
0x28: {  	s2 =	sld [smem:$0x3FAA]  }
0x29: {  	s4 =	sld [smem:$0x3FAC]  }
0x2a: {  	p0 =	seq.s32 s5, $0x0;
	s5 =	sld [smem:$0x3FAD]  }
0x2b: {  	s6 =	sld [smem:$0x3FAE]  }
0x2c: {  	s7 =	sld [smem:$0x3FAF]  }
0x2d: {  	s3 =	simm.s32 $0x108;
	s8 =	sld [smem:$0x3FB0]  }
0x2e: {  	s3 =	simm.s32 @!p0 $0x1082;
	s9 =	sld [smem:$0x3FB1]  }
0x2f: {  	lr =	sadd.s32 s0, s3;
	s0 =	sld [smem:$0x3FA8]  }
0x30: {  	s3 =	sld [smem:$0x3FAB]  }
0x31: {  	[smem:$0x3FB4] =	sst s10  }
0x32: {  	s10 =	sld [smem:$0x3FB2];
	_ =	sdelay $0x3  }
0x33: {  	p0 =	seq.s32 s10, $0x1;
	s10 =	sld [smem:$0x3FB4];
	_ =	sdelay $0x3  }
0x34: {  	[smem:$0x3FB4] =	sst s10  }
0x35: {  	s10 =	sld [smem:$0x3FB3];
	_ =	sdelay $0x3  }
0x36: {  	p1 =	seq.s32 s10, $0x1;
	s10 =	sld [smem:$0x3FB4];
	_ =	sdelay $0x3  }
0x37: {  	[smem:$0x3FB4] =	sst s10  }
0x38: {  	s10 =	sld [smem:$0x3FB5]  }
0x39: {  	_ = 	snop;
	(pc) =	sbr.ind lr, $3  }
0x3a: {  	_ = 	snop  }
0x3b: {  	_ = 	snop  }
0x3c: {  	p2 =	seq.s32 s10, $0x1;
	s10 =	sld [smem:$0x3FB4]  }
0x3d: {  	_ =	shalt  }
0x3e: {  	_ =	shalt  }
0x3f: {  	_ =	shalt  }
0x40: {  	_ =	shalt  }
0x41: {  	_ =	shalt  }
0x42: {  	_ =	shalt  }
0x43: {  	_ =	shalt  }
0x44: {  	_ =	shalt  }
0x45: {  	_ =	shalt  }
0x46: {  	_ =	shalt  }
0x47: {  	_ =	shalt  }
0x48: {  	_ =	shalt  }
0x49: {  	_ =	shalt  }
0x4a: {  	_ =	shalt  }
0x4b: {  	_ =	shalt  }
0x4c: {  	_ =	shalt  }
0x4d: {  	_ =	shalt  }
0x4e: {  	_ =	shalt  }
0x4f: {  	_ =	shalt  }
0x50: {  	_ =	shalt  }
0x51: {  	_ =	shalt  }
0x52: {  	_ =	shalt  }
0x53: {  	_ =	shalt  }
0x54: {  	_ =	shalt  }
0x55: {  	_ =	shalt  }
0x56: {  	_ =	shalt  }
0x57: {  	_ =	shalt  }
0x58: {  	_ =	shalt  }
0x59: {  	_ =	shalt  }
0x5a: {  	_ =	shalt  }
0x5b: {  	_ =	shalt  }
0x5c: {  	_ =	shalt  }
0x5d: {  	_ =	shalt  }
0x5e: {  	_ =	shalt  }
0x5f: {  	_ =	shalt  }
0x60: {  	_ =	shalt  }
0x61: {  	_ =	shalt  }
0x62: {  	_ =	shalt  }
0x63: {  	_ =	shalt  }
0x64: {  	_ =	shalt  }
0x65: {  	_ =	shalt  }
0x66: {  	_ =	shalt  }
0x67: {  	_ =	shalt  }
0x68: {  	_ =	shalt  }
0x69: {  	_ =	shalt  }
0x6a: {  	_ =	shalt  }
0x6b: {  	_ =	shalt  }
0x6c: {  	_ =	shalt  }
0x6d: {  	_ =	shalt  }
0x6e: {  	_ =	shalt  }
0x6f: {  	_ =	shalt  }
0x70: {  	_ =	shalt  }
0x71: {  	_ =	shalt  }
0x72: {  	_ =	shalt  }
0x73: {  	_ =	shalt  }
0x74: {  	_ =	shalt  }
0x75: {  	_ =	shalt  }
0x76: {  	_ =	shalt  }
0x77: {  	_ =	shalt  }
0x78: {  	_ =	shalt  }
0x79: {  	_ =	shalt  }
0x7a: {  	_ =	shalt  }
0x7b: {  	_ =	shalt  }
0x7c: {  	_ =	shalt  }
0x7d: {  	_ =	shalt  }
0x7e: {  	_ =	shalt  }
0x7f: {  	_ =	shalt  }
0x80: {  	_ =	shalt  }
0x81: {  	_ =	shalt  }
0x82: {  	_ =	shalt  }
0x83: {  	_ =	shalt  }
0x84: {  	_ =	shalt  }
0x85: {  	_ =	shalt  }
0x86: {  	_ =	shalt  }
0x87: {  	_ =	shalt  }
.Lfunc_end0:
.L_simem_size_0:
called_computation.3_lowered:
.L_overlay_start_0:
0x88: {  	s2 =	sld [smem:$0x3FD9]  }
0x89: {  	s3 =	sld [smem:$0x3FFE];
	_ =	sdelay $0x1  }
0x8a: {  	s1 =	srdreg.scid  }
0x8b: {  	s0 =	sand.u32 $0x1, s1  }
0x8c: {  	s17 =	sshll.u32 s0, $0xA;
	s2 =	sadd.s32 s3, s2  }
0x8d: {  	s2 =	sadd.s32 s2, s17  }
0x8e: {  	[smem:$0x3FC0] =	sst s2  }
0x8f: {  	_ = 	snop  }
0x90: {  	s2 =	sld [smem:$0x3FD0];
	(tm) =	ssettm $0x1  }
0x91: {  	s18 =	sld [smem:$0x3FFB];
	_ =	sdelay $0x3  }
0x92: {  	_ =	strace s18  }
0x93: {  	s3 =	sld [smem:$0x3FFC];
	_ =	sdelay $0x3  }
0x94: {  	_ =	strace s3  }
0x95: {  	s3 =	sld [smem:$0x3FFD];
	_ =	sdelay $0x3  }
0x96: {  	_ =	strace s3  }
0x97: {  	_ =	strace $0x8FFFFFFF  }
0x98: {  	s19 =	sld [smem:$0x3FDB];
	_ =	sdelay $0x1  }
0x99: {  	s4 =	simm.s32 $_scs_section_size  }
0x9a: {  	s5 =	simm.s32 $_size__tile_overlayer_lowered;
	s6 =	simm.s32 $_tile_overlayer_lowered  }
0x9b: {  	s22 =	simm.s32 $0x1BFF;
	s21 =	sshll.u32 s6, $0x1;
	s3 =	sadd.s32 s4, s19  }
0x9c: {  	s7 =	simm.s32 $0x0;
	s20 =	sshll.u32 s5, $0x1;
	s5 =	sadd.s32 s21, s3  }
0x9d: {  	[timem:s7], [sflag:s22] =	dma.local [hbm:s5], s20  }
0x9e: {  	_ =	swait.ge [sflag:s22], s20  }
0x9f: {  	s4 =	ssub.s32 $0x0, s20;
	[sflag:s22] =	ssyncset.done $0x0  }
0xa0: {  	[sflag:s22] =	ssyncadd.s32 s4;
	_ =	sdelay $0x1  }
0xa1: {  	s23 =	simm.s32 $0x1B8B  }
0xa2: {  	_ =	swait.ge [sflag:s23], $0x1  }
0xa3: {  	[sflag:s23] =	ssyncset.done $0x0  }
0xa4: {  	s25 =	simm.s32 $0x1B8E;
	s24 =	sld [smem:$0x3FFE];
	[sflag:s23] =	ssyncadd.s32 $0xFFFFFFFF  }
0xa5: {  	s26 =	simm.s32 $execute0_lowered;
	[smem:$0x3FD2] =	sst s25  }
0xa6: {  	s5 =	sshll.u32 s26, $0x1;
	_ =	strace $0x8000004F;
	[dreg:$0x1] =	wrdreg $0xFFFFFFFF  }
0xa7: {  	s28 =	simm.s32 $_size_execute0_lowered;
	s3 =	sadd.s32 s3, s5;
	[dreg:$0x0] =	wrdreg $0x0  }
0xa8: {  	s5 =	sshll.u32 s28, $0x1;
	[dreg:$0x2] =	wrdreg s3  }
0xa9: {  	[dreg:$0x3] =	wrdreg s5  }
0xaa: {  	[dreg:$0x4] =	wrdreg $0xC0  }
0xab: {  	_ =	task [dreg:s7], $0x5FFFF  }
0xac: {  	[dreg:$0x1] =	wrdreg $0xFFFFFFFF  }
0xad: {  	[dreg:$0x0] =	wrdreg $0x60  }
0xae: {  	[dreg:$0x2] =	wrdreg s24  }
0xaf: {  	[dreg:$0x3] =	wrdreg s2  }
0xb0: {  	[dreg:$0x4] =	wrdreg $0x84000  }
0xb1: {  	[dreg:$0x5] =	wrdreg $0x124000  }
0xb2: {  	[dreg:$0x6] =	wrdreg $0x9  }
0xb3: {  	_ =	task.clear_ibuf [dreg:s7], $0x7FFFF;
	_ =	strace $0x9000004F  }
0xb4: {  	s29 =	simm.s32 $0x9;
	_ =	strace $0x80000051  }
0xb5: {  	_ =	swait.ge [sflag:s29], $0x1  }
0xb6: {  	[sflag:s29] =	ssyncadd.s32 $0xFFFFFFFF  }
0xb7: {  	_ =	strace $0x90000051  }
0xb8: {  	_ =	sfence  }
0xb9: {  	s30 =	sld [smem:$0x0];
	_ =	sdelay $0x2  }
0xba: {  	s31 =	sshll.u32 s1, $0xD;
	s1 =	sshrl.u32 s1, $0x2  }
0xbb: {  	s3 =	sand.u32 $0x4000, s31;
	s1 =	sadd.s32 s1, s30  }
0xbc: {  	s0 =	sor.u32 s3, s0;
	s1 =	sshll.u32 s1, $0x11  }
0xbd: {  	s0 =	sor.u32 s1, s0  }
0xbe: {  	s0 =	sadd.s32 $0x8F2B, s0  }
0xbf: {  	[sflag:s0] =	ssyncadd.remote.s32 $0x1  }
0xc0: {  	_ =	sfence.sel $0xFFFF  }
0xc1: {  	[dreg:$0x0] =	wrdreg $0xFFFFFFFF;
	(pc) =	sbr.abs _section_cstart, $3  }
0xc2: {  	[dreg:$0x1] =	wrdreg $0xFFFFFFFF  }
0xc3: {  	_ =	task.clear_ibuf [dreg:s7], $0x2FFFF;
	_ =	strace $0x9FFFFFFF  }
0xc4: {  	(tm) =	ssettm $0x7FFFFFFF  }
0xc5: {  	_ =	shalt  }
tec
execute0_lowered:
.L_overlay_start_1:
0x0: {  	(tag) =	ssettag $0x1  }
0x1: {  	s0 =	rddreg [dreg:$0x0]  }
0x2: {  	s3 =	rddreg [dreg:$0x1]  }
0x3: {  	s1 =	rddreg [dreg:$0x2]  }
0x4: {  	s2 =	rddreg [dreg:$0x3];
	s4 =	simm.s32 $0x0;
	s5 =	srdreg.scid  }
0x5: {  	s13 =	stileid.u32;
	s16 =	simm.s32 $0x1;
	s17 =	simm.s32 $0x8  }
0x6: {  	s18 =	simm.s32 $0x10;
	s19 =	simm.s32 $0x5;
	s21 =	simm.s32 $0x200  }
0x7: {  	s28 =	simm.s32 $0x2;
	s29 =	simm.s32 $0x3;
	s6 =	smul.u32 $0xA000, s13  }
0x8: {  	s30 =	simm.s32 $0x4;
	s31 =	simm.s32 $0x0;
	s9 =	smul.u32 $0xA00, s13  }
0x9: {  	[smem:$0x7FF] =	sst s4;
	s7 =	sadd.s32 $0xC800, s0;
	s10 =	smul.u32 $0x28000, s13  }
0xa: {  	s5 =	sand.u32 $0x1, s5;
	s11 =	smul.u32 $0x2800, s13;
	s26 =	sshll.u32 s13, $0x6  }
0xb: {  	_ =	strace $0x80000050;
	s8 =	sshll.u32 s5, $0x3;
	s5 =	ssub.s32 $0x2, s5  }
0xc: {  	s13 =	sor.u32 $0x1C05, s26;
	s26 =	simm.s32 $0x4400;
	s0 =	sadd.s32 s8, s0  }
0xd: {  	s22 =	sshrl.u32 s5, $0x1;
	s15 =	sadd.s32 s6, s1;
	s20 =	sadd.s32 s6, s2  }
0xe: {  	s10 =	sshrl.u32 s10, $0x2;
	s6 =	sadd.s32 s3, s9;
	s23 =	sor.u32 $0x20, s9  }
0xf: {  	s12 =	sor.u32 $0x40, s9;
	s8 =	ssub.s32 s5, s22;
	s5 =	sadd.s32 s7, s9  }
0x10: {  	s25 =	sadd.s32 s10, s2;
	s24 =	sadd.s32 s7, s23;
	s9 =	sadd.s32 s3, s23  }
.Ltmp0:
0x11: {  	s10 =	sadd.s32 s7, s12;
	s0 =	sadd.s32 s11, s0;
	(pc) =	sbr.rel .LBB2_1-.Ltmp0, $4  }
0x12: {  	s11 =	sadd.s32 s3, s12;
	s15 =	sshrl.u32 s15, $0x3;
	s20 =	sshrl.u32 s20, $0x3  }
0x13: {  	s22 =	simm.s32 $0x100;
	s23 =	simm.s32 $0x400;
	s8 =	smax.u32 s8, $0x1  }
0x14: {  	[dreg:$0x6] =	wrdreg s24;
	s12 =	sadd.s32 $0x16800, s0;
	s14 =	sadd.s32 $0x3E800, s0  }
0x15: {  	s24 =	simm.s32 $0x300;
	s25 =	sshrl.u32 s25, $0x3;
	[dreg:$0x5] =	wrdreg s8  }
.LBB2_4:
0x16: {  	[spmem:s2] =	stream.indirect.scatter.add.f32 [tilespmem:s26], [sflag:$0x4], $0x40, s24, s22, $0xb8;
	[tilespmem:$0x1C400] =	vst v63  }
0x17: {  	_ =	swait.ge [sflag:s30], $0x4000  }
0x18: {  	[sflag:s30] =	ssyncset.done $0x0  }
0x19: {  	[sflag:s30] =	ssyncadd.s32 $0xFFFFC000  }
0x1a: {  	[bflag:$0x0] =	sbarrier.arrive $0xFFFF  }
0x1b: {  	[hbm:s14@s18], [sflag:s13] =	dma.strided [spmem:s25@s17], $0x1400, s16, $0x8   }
0x1c: {  	_ =	swait.ge [sflag:s19], $0x1400  }
0x1d: {  	s31 =	sadd.s32 $0x1, s31;
	s0 =	rddreg [dreg:$0x5]  }
0x1e: {  	p0 =	sne.s32 s31, s0  }
.Ltmp1:
0x1f: {  	_ = 	snop;
	(pc) =	sbr.rel @!p0 .LBB2_5-.Ltmp1, $3  }
0x20: {  	_ =	sdelay $0x1  }
0x21: {  	[sflag:s19] =	ssyncset.done $0x0  }
0x22: {  	[sflag:s19] =	ssyncadd.s32 $0xFFFFEC00  }
.LBB2_1:
0x23: {  	[spmem:s15@s17], [sflag:s13] =	dma.strided [hbm:s12@s18], $0x1400, s16, $0x8   }
0x24: {  	_ =	swait.ge [sflag:s19], $0x1400  }
0x25: {  	[sflag:s19] =	ssyncset.done $0x0  }
0x26: {  	[sflag:s19] =	ssyncadd.s32 $0xFFFFEC00  }
0x27: {  	[spmem:s20@s17], [sflag:s13] =	dma.strided [hbm:s12@s18], $0x1400, s16, $0x8   }
0x28: {  	_ =	swait.ge [sflag:s19], $0x1400  }
0x29: {  	[sflag:s19] =	ssyncset.done $0x0  }
0x2a: {  	[sflag:s19] =	ssyncadd.s32 $0xFFFFEC00  }
0x2b: {  	[bflag:$0x0] =	sbarrier.arrive $0xFFFF  }
0x2c: {  	[tilespmem:s4], [sflag:$0x5] =	stream.linear.gather [hbm4b:s5+s4], $0x100, $0x38;
	[tilespmem:$0x1C400] =	vst v63  }
0x2d: {  	_ =	swait.ge [sflag:s19], $0x100  }
0x2e: {  	[sflag:s19] =	ssyncset.done $0x0  }
0x2f: {  	[sflag:s19] =	ssyncadd.s32 $0xFFFFFF00  }
0x30: {  	[tilespmem:s21], [sflag:$0x5] =	stream.linear.gather [hbm4b:s6+s4], $0x100, $0x38;
	[tilespmem:$0x1C400] =	vst v63  }
0x31: {  	_ =	swait.ge [sflag:s19], $0x100  }
0x32: {  	[sflag:s19] =	ssyncset.done $0x0  }
0x33: {  	[sflag:s19] =	ssyncadd.s32 $0xFFFFFF00  }
0x34: {  	[tilespmem:s23], [sflag:$0x1] =	stream.indirect.gather [spmem:s1], $0x40, s4, s22, $0xb8;
	[tilespmem:$0x1C400] =	vst v63  }
0x35: {  	_ =	swait.ge [sflag:s16], $0x4000  }
0x36: {  	[sflag:s16] =	ssyncset.done $0x0  }
0x37: {  	s0 =	rddreg [dreg:$0x6];
	[sflag:s16] =	ssyncadd.s32 $0xFFFFC000  }
0x38: {  	[tilespmem:s22], [sflag:$0x5] =	stream.linear.gather [hbm4b:s0+s4], $0x100, $0x38;
	[tilespmem:$0x1C400] =	vst v63  }
0x39: {  	_ =	swait.ge [sflag:s19], $0x100  }
0x3a: {  	[sflag:s19] =	ssyncset.done $0x0  }
0x3b: {  	[sflag:s19] =	ssyncadd.s32 $0xFFFFFF00  }
0x3c: {  	[tilespmem:s24], [sflag:$0x5] =	stream.linear.gather [hbm4b:s9+s4], $0x100, $0x38;
	[tilespmem:$0x1C400] =	vst v63  }
0x3d: {  	_ =	swait.ge [sflag:s19], $0x100  }
0x3e: {  	[sflag:s19] =	ssyncset.done $0x0  }
0x3f: {  	[sflag:s19] =	ssyncadd.s32 $0xFFFFFF00  }
0x40: {  	[tilespmem:s26], [sflag:$0x2] =	stream.indirect.gather [spmem:s1], $0x40, s22, s22, $0xb8;
	[tilespmem:$0x1C400] =	vst v63  }
0x41: {  	_ = 	snop  }
0x42: {  	[spmem:s2] =	stream.indirect.scatter.add.f32 [tilespmem:s23], [sflag:$0x3], $0x40, s21, s22, $0xb8;
	[tilespmem:$0x1C400] =	vst v63  }
0x43: {  	_ =	swait.ge [sflag:s28], $0x4000  }
0x44: {  	[sflag:s28] =	ssyncset.done $0x0  }
0x45: {  	[sflag:s28] =	ssyncadd.s32 $0xFFFFC000  }
0x46: {  	_ =	swait.ge [sflag:s29], $0x4000  }
0x47: {  	[sflag:s29] =	ssyncset.done $0x0  }
0x48: {  	[sflag:s29] =	ssyncadd.s32 $0xFFFFC000  }
0x49: {  	[tilespmem:s4], [sflag:$0x5] =	stream.linear.gather [hbm4b:s10+s4], $0x100, $0x38;
	[tilespmem:$0x1C400] =	vst v63  }
0x4a: {  	_ =	swait.ge [sflag:s19], $0x100  }
0x4b: {  	[sflag:s19] =	ssyncset.done $0x0  }
0x4c: {  	[sflag:s19] =	ssyncadd.s32 $0xFFFFFF00  }
0x4d: {  	[tilespmem:s21], [sflag:$0x5] =	stream.linear.gather [hbm4b:s11+s4], $0x100, $0x38;
	[tilespmem:$0x1C400] =	vst v63  }
0x4e: {  	_ =	swait.ge [sflag:s19], $0x100  }
0x4f: {  	[sflag:s19] =	ssyncset.done $0x0  }
0x50: {  	[sflag:s19] =	ssyncadd.s32 $0xFFFFFF00  }
0x51: {  	[tilespmem:s23], [sflag:$0x1] =	stream.indirect.gather [spmem:s1], $0x40, s4, s22, $0xb8;
	[tilespmem:$0x1C400] =	vst v63  }
0x52: {  	s0 =	simm.s32 $0xFFFFF680  }
0x53: {  	[spmem:s2] =	stream.indirect.scatter.add.f32 [tilespmem:s26], [sflag:$0x4], $0x40, s24, s22, $0xb8;
	[tilespmem:$0x1C400] =	vst v63  }
.LBB2_2:
0x54: {  	_ =	swait.ge [sflag:s30], $0x4000  }
0x55: {  	[sflag:s30] =	ssyncset.done $0x0  }
0x56: {  	[sflag:s30] =	ssyncadd.s32 $0xFFFFC000  }
0x57: {  	_ =	swait.ge [sflag:s16], $0x4000  }
0x58: {  	s3 =	sadd.s32 s0, s5;
	[sflag:s16] =	ssyncset.done $0x0  }
0x59: {  	s7 =	sadd.s32 $0x9E0, s3;
	[sflag:s16] =	ssyncadd.s32 $0xFFFFC000  }
0x5a: {  	[tilespmem:s22], [sflag:$0x5] =	stream.linear.gather [hbm4b:s7+s4], $0x100, $0x38;
	[tilespmem:$0x1C400] =	vst v63  }
0x5b: {  	_ =	swait.ge [sflag:s19], $0x100  }
0x5c: {  	s7 =	sadd.s32 s0, s6;
	[sflag:s19] =	ssyncset.done $0x0  }
0x5d: {  	s8 =	sadd.s32 $0x9E0, s7;
	[sflag:s19] =	ssyncadd.s32 $0xFFFFFF00  }
0x5e: {  	[tilespmem:s24], [sflag:$0x5] =	stream.linear.gather [hbm4b:s8+s4], $0x100, $0x38;
	[tilespmem:$0x1C400] =	vst v63  }
0x5f: {  	_ =	swait.ge [sflag:s19], $0x100  }
0x60: {  	[sflag:s19] =	ssyncset.done $0x0  }
0x61: {  	[sflag:s19] =	ssyncadd.s32 $0xFFFFFF00  }
0x62: {  	[tilespmem:s26], [sflag:$0x2] =	stream.indirect.gather [spmem:s1], $0x40, s22, s22, $0xb8;
	[tilespmem:$0x1C400] =	vst v63  }
0x63: {  	_ = 	snop  }
0x64: {  	[spmem:s2] =	stream.indirect.scatter.add.f32 [tilespmem:s23], [sflag:$0x3], $0x40, s21, s22, $0xb8;
	[tilespmem:$0x1C400] =	vst v63  }
0x65: {  	p0 =	seq.s32 s0, $0x0;
	_ =	swait.ge [sflag:s28], $0x4000  }
.Ltmp2:
0x66: {  	[sflag:s28] =	ssyncset.done $0x0;
	(pc) =	sbr.rel @p0 .LBB2_4-.Ltmp2, $4  }
0x67: {  	[sflag:s28] =	ssyncadd.s32 $0xFFFFC000  }
0x68: {  	_ =	swait.ge [sflag:s29], $0x4000  }
0x69: {  	[sflag:s29] =	ssyncset.done $0x0  }
0x6a: {  	[sflag:s29] =	ssyncadd.s32 $0xFFFFC000  }
0x6b: {  	s3 =	sadd.s32 $0xA00, s3  }
0x6c: {  	[tilespmem:s4], [sflag:$0x5] =	stream.linear.gather [hbm4b:s3+s4], $0x100, $0x38;
	[tilespmem:$0x1C400] =	vst v63  }
0x6d: {  	_ =	swait.ge [sflag:s19], $0x100  }
0x6e: {  	[sflag:s19] =	ssyncset.done $0x0  }
0x6f: {  	s8 =	sadd.s32 $0xA00, s7;
	[sflag:s19] =	ssyncadd.s32 $0xFFFFFF00  }
0x70: {  	[tilespmem:s21], [sflag:$0x5] =	stream.linear.gather [hbm4b:s8+s4], $0x100, $0x38;
	[tilespmem:$0x1C400] =	vst v63  }
0x71: {  	_ =	swait.ge [sflag:s19], $0x100  }
.Ltmp3:
0x72: {  	[sflag:s19] =	ssyncset.done $0x0;
	(pc) =	sbr.rel .LBB2_2-.Ltmp3, $4  }
0x73: {  	[sflag:s19] =	ssyncadd.s32 $0xFFFFFF00  }
0x74: {  	[tilespmem:s23], [sflag:$0x1] =	stream.indirect.gather [spmem:s1], $0x40, s4, s22, $0xb8;
	[tilespmem:$0x1C400] =	vst v63  }
0x75: {  	s0 =	sadd.s32 $0x40, s0  }
0x76: {  	[spmem:s2] =	stream.indirect.scatter.add.f32 [tilespmem:s26], [sflag:$0x4], $0x40, s24, s22, $0xb8;
	[tilespmem:$0x1C400] =	vst v63  }
.LBB2_5:
0x77: {  	_ =	sfence.sel $0x180000  }
0x78: {  	[bflag:$0x0] =	sbarrier.arrive $0xFFFF  }
0x79: {  	_ =	strace $0x90000050  }
0x7a: {  	s0 =	stileid.u32;
	[bflag:$0x2] =	sbarrier.arrive $0xFFFF  }
0x7b: {  	p0 =	sne.s32 s0, $0x0;
	s0 =	rddreg [dreg:$0x4]  }
0x7c: {  	s0 =	sadd.s32 @!p0 $0x100000, s0  }
0x7d: {  	[sflag:s0] =	ssyncadd.tile.s32 @!p0 $0x1;
	_ =	shalt  }
.Lfunc_end2:
_tile_overlayer_lowered:
.L_overlay_start_2:
0x7e: {  	(tag) =	ssettag $0x2  }
0x7f: {  	s0 =	rddreg [dreg:$0x0];
	s2 =	stileid.u32  }
0x80: {  	s1 =	rddreg [dreg:$0x1];
	p0 =	sne.s32 s2, $0x0  }
0x81: {  	s3 =	rddreg [dreg:$0x2];
	[bflag:$0x3] =	sbarrier.arrive $0xFFFF;
	s2 =	simm.s32 @!p0 $0x1C05  }
0x82: {  	[timem:s3], [sflag:s2] =	dma.local @!p0 [hbm:s0], s1  }
0x83: {  	s0 =	simm.s32 @!p0 $0x5  }
0x84: {  	_ =	swait.ge @!p0 [sflag:s0], s1  }
0x85: {  	s1 =	ssub.s32 @!p0 $0x0, s1;
	[sflag:s0] =	ssyncset.done @!p0 $0x0  }
0x86: {  	[sflag:s0] =	ssyncadd.s32 @!p0 s1  }
0x87: {  	[bflag:$0x3] =	sbarrier.arrive $0xFFFF  }
0x88: {  	_ =	shalt  }

</sc_bundles>
